<compile_context>
chip_gen: v7x
topology: tpu7x:2x2x1
jax: 0.10.2.dev20260603
libtpu: 0.0.44.dev20260713+nightly
codegen_flags: <defaults>
</compile_context>

<pallas_src>
import functools

import jax
import jax.numpy as jnp
import numpy as np
from jax import lax
from jax.experimental import pallas as pl
from jax.experimental.pallas import tpu as pltpu
from jax.experimental.pallas import tpu_sc as plsc

N = 10000
E = 320000
F = 128
FH = F // 2
G = 64
K1 = 8000
K2 = 6400

NP = 10240
RG = NP // 128
DUMMY = N
NPD = NP + 128
NPH = 12288
EP = 327680
ER = EP // 128
NC = 2
NS = 16
TILE_ER = ER // (NC * NS)
TILE_EA = ER // NS
EBW = 128
NB = EP // (NC * NS * EBW)
NB0 = 96
NB1 = 2 * NB - NB0
INT_MIN = np.int32(-2**31)

_mesh = plsc.VectorSubcoreMesh(
    core_axis_name="c", subcore_axis_name="s", num_cores=NC, num_subcores=NS)


def _zero_vec_loop(ref, nvec):
    def body(i, _):
        ref[pl.ds(i * 16, 16)] = jnp.zeros((16,), jnp.float32)
        return 0
    lax.fori_loop(0, nvec, body, 0)



def _sc_deg_body(dst_hbm, out_hbm, didx, ones_v, zb, deg_sh):
    c = lax.axis_index("c")
    s = lax.axis_index("s")

    def initv(i, _):
        ones_v[pl.ds(i * 16, 16)] = jnp.ones((16,), jnp.float32)
        return 0
    lax.fori_loop(0, 8, initv, 0)
    _zero_vec_loop(zb, 48)
    pltpu.sync_copy(zb, deg_sh.at[pl.ds(s * 768, 768)])
    plsc.subcore_barrier()

    base = (c * NS + s) * TILE_ER
    pltpu.sync_copy(dst_hbm.at[pl.ds(base, TILE_ER)], didx)

    def edge_row(j, _):
        pltpu.sync_copy(ones_v, deg_sh.at[didx.at[j]], add=True)
        return 0
    lax.fori_loop(0, TILE_ER, edge_row, 0)
    plsc.subcore_barrier()
    pltpu.sync_copy(deg_sh.at[pl.ds(s * 768, 768)],
                    out_hbm.at[pl.ds(c * NPH + s * 768, 768)])


_sc_deg = pl.kernel(
    _sc_deg_body,
    out_type=jax.ShapeDtypeStruct((NC * NPH,), jnp.float32),
    mesh=_mesh,
    scratch_types=[
        pltpu.VMEM((TILE_ER, 128), jnp.int32),
        pltpu.VMEM((128,), jnp.float32),
        pltpu.VMEM((768,), jnp.float32),
        pltpu.VMEM_SHARED((NPH,), jnp.float32),
    ],
)



def _sc_agg_body(hs_hbm, src_hbm, dst_hbm, out_hbm, sidx, didx, rows0, zb,
                 acc_sh, g0):
    c = lax.axis_index("c")
    s = lax.axis_index("s")

    def zrow(t, _):
        zb[t // 8, pl.ds((t % 8) * 16, 16)] = jnp.zeros((16,), jnp.float32)
        return 0
    lax.fori_loop(0, 512, zrow, 0)

    def zcopy(m, _):
        pltpu.sync_copy(zb, acc_sh.at[pl.ds(s * 640 + m * 64, 64), :])
        return 0
    lax.fori_loop(0, 10, zcopy, 0)
    plsc.subcore_barrier()

    nb = jnp.where(c == 0, NB0, NB1)
    base = jnp.where(c == 0, s * NB0, NB0 * NS + s * NB1)
    pltpu.sync_copy(src_hbm.at[pl.ds(base, NB0)], sidx)
    pltpu.sync_copy(dst_hbm.at[pl.ds(base, NB0)], didx)

    def edge_row(j, _):
        pltpu.async_copy(hs_hbm.at[sidx.at[j]], rows0, g0).wait()
        pltpu.sync_copy(rows0, acc_sh.at[didx.at[j]], add=True)
        return 0
    lax.fori_loop(0, nb, edge_row, 0)
    plsc.subcore_barrier()
    pltpu.sync_copy(acc_sh.at[pl.ds(s * 640, 640), :],
                    out_hbm.at[c, pl.ds(s * 640, 640), :])


_sc_agg = pl.kernel(
    _sc_agg_body,
    out_type=jax.ShapeDtypeStruct((NC, NP, F), jnp.float32),
    mesh=_mesh,
    scratch_types=[
        pltpu.VMEM((NB0, 128), jnp.int32),
        pltpu.VMEM((NB0, 128), jnp.int32),
        pltpu.VMEM((EBW, F), jnp.float32),
        pltpu.VMEM((64, 128), jnp.float32),
        pltpu.VMEM_SHARED((NP, F), jnp.float32),
        pltpu.SemaphoreType.DMA,
    ],
)



def _sc_remap_body(src_hbm, dst_hbm, sel_hbm, d2_hbm, deg_hbm, sidx, didx,
                   d2v, selv, ones_v, zb, deg_sh):
    c = lax.axis_index("c")
    s = lax.axis_index("s")

    def initv(i, _):
        ones_v[pl.ds(i * 16, 16)] = jnp.ones((16,), jnp.float32)
        return 0
    lax.fori_loop(0, 8, initv, 0)
    _zero_vec_loop(zb, 48)
    pltpu.sync_copy(zb, deg_sh.at[pl.ds(s * 768, 768)])
    plsc.subcore_barrier()

    pltpu.sync_copy(sel_hbm, selv.at[pl.ds(0, RG)])
    for k in range(8):
        selv[RG, pl.ds(k * 16, 16)] = jnp.zeros((16,), jnp.int32)
    base = (c * NS + s) * TILE_ER
    pltpu.sync_copy(src_hbm.at[pl.ds(base, TILE_ER)], sidx)
    pltpu.sync_copy(dst_hbm.at[pl.ds(base, TILE_ER)], didx)

    def chunk(t, _):
        r = t // 8
        k = t % 8
        s16 = sidx[r, pl.ds(k * 16, 16)]
        d16 = didx[r, pl.ds(k * 16, 16)]
        ssel = plsc.load_gather(selv, [lax.shift_right_logical(s16, 7),
                                       jnp.bitwise_and(s16, 127)])
        dsel = plsc.load_gather(selv, [lax.shift_right_logical(d16, 7),
                                       jnp.bitwise_and(d16, 127)])
        m = (ssel > 0) & (dsel > 0)
        d2v[r, pl.ds(k * 16, 16)] = jnp.where(m, d16, DUMMY)
        return 0
    lax.fori_loop(0, TILE_ER * 8, chunk, 0)

    def edge_row(j, _):
        pltpu.sync_copy(ones_v, deg_sh.at[d2v.at[j]], add=True)
        return 0
    lax.fori_loop(0, TILE_ER, edge_row, 0)
    plsc.subcore_barrier()
    pltpu.sync_copy(d2v, d2_hbm.at[pl.ds(base, TILE_ER)])
    pltpu.sync_copy(deg_sh.at[pl.ds(s * 768, 768)],
                    deg_hbm.at[pl.ds(c * NPH + s * 768, 768)])


_sc_remap = pl.kernel(
    _sc_remap_body,
    out_type=(jax.ShapeDtypeStruct((ER, 128), jnp.int32),
              jax.ShapeDtypeStruct((NC * NPH,), jnp.float32)),
    mesh=_mesh,
    compiler_params=pltpu.CompilerParams(needs_layout_passes=False),
    scratch_types=[
        pltpu.VMEM((TILE_ER, 128), jnp.int32),
        pltpu.VMEM((TILE_ER, 128), jnp.int32),
        pltpu.VMEM((TILE_ER, 128), jnp.int32),
        pltpu.VMEM((RG + 1, 128), jnp.int32),
        pltpu.VMEM((128,), jnp.float32),
        pltpu.VMEM((768,), jnp.float32),
        pltpu.VMEM_SHARED((NPH,), jnp.float32),
    ],
)



def _tc_h_body(x_ref, w_ref, dp_ref, h_ref, hs_ref, dinv_ref):
    deg = dp_ref[0] + dp_ref[1] + 1.0
    dinv = lax.rsqrt(deg)
    h = jnp.dot(x_ref[...], w_ref[...], preferred_element_type=jnp.float32)
    h_ref[...] = h
    hs_ref[...] = h * dinv
    dinv_ref[...] = dinv


def _tc_h(xp, W, deg_parts):
    blk = NP // 8
    return pl.pallas_call(
        _tc_h_body,
        grid=(8,),
        in_specs=[
            pl.BlockSpec((blk, F), lambda i: (i, 0)),
            pl.BlockSpec((F, F), lambda i: (0, 0)),
            pl.BlockSpec((NC, blk, 1), lambda i: (0, i, 0)),
        ],
        out_specs=[
            pl.BlockSpec((blk, F), lambda i: (i, 0)),
            pl.BlockSpec((blk, F), lambda i: (i, 0)),
            pl.BlockSpec((blk, 1), lambda i: (i, 0)),
        ],
        out_shape=[
            jax.ShapeDtypeStruct((NP, F), jnp.float32),
            jax.ShapeDtypeStruct((NP, F), jnp.float32),
            jax.ShapeDtypeStruct((NP, 1), jnp.float32),
        ],
    )(xp, W, deg_parts.reshape(NC, NP, 1))



def _tc_out_body(acc_ref, h_ref, dinv_ref, b_ref, p_ref, y_ref, score_ref):
    dinv = dinv_ref[...]
    out = acc_ref[...] * dinv + h_ref[...] * dinv * dinv + b_ref[...]
    out = jnp.maximum(out, 0.0)
    p = p_ref[...]
    norm = jnp.sqrt(jnp.sum(p * p)) + 1e-16
    score = jnp.dot(out, p, preferred_element_type=jnp.float32) / norm
    score_ref[...] = score
    y_ref[...] = out * jnp.tanh(score)


def _tc_out(acc_parts, h, dinv, b, p):
    blk = NP // 8
    return pl.pallas_call(
        _tc_out_body,
        grid=(8,),
        in_specs=[
            pl.BlockSpec((blk, F), lambda i: (i, 0)),
            pl.BlockSpec((blk, F), lambda i: (i, 0)),
            pl.BlockSpec((blk, 1), lambda i: (i, 0)),
            pl.BlockSpec((1, F), lambda i: (0, 0)),
            pl.BlockSpec((F, 1), lambda i: (0, 0)),
        ],
        out_specs=[
            pl.BlockSpec((blk, F), lambda i: (i, 0)),
            pl.BlockSpec((blk, 1), lambda i: (i, 0)),
        ],
        out_shape=[
            jax.ShapeDtypeStruct((NP, F), jnp.float32),
            jax.ShapeDtypeStruct((NP, 1), jnp.float32),
        ],
    )(acc_parts, h, dinv, b.reshape(1, F), p.reshape(F, 1))



def _tc_topk_body(score_ref, valid_ref, sel_ref, *, k):
    b = lax.bitcast_convert_type(score_ref[...], jnp.int32)
    key = jnp.where(b >= 0, b, jnp.bitwise_xor(b, np.int32(0x7FFFFFFF)))
    valid = valid_ref[...] > 0
    key = jnp.where(valid, key, INT_MIN)

    cnt0 = jnp.sum((key >= 0).astype(jnp.int32))
    T0 = jnp.where(cnt0 >= k, jnp.int32(0), INT_MIN)

    def bit_step(i, T):
        bit = 30 - i
        cand = jnp.bitwise_or(T, lax.shift_left(jnp.int32(1), bit))
        cnt = jnp.sum((key >= cand).astype(jnp.int32))
        return jnp.where(cnt >= k, cand, T)
    T = lax.fori_loop(0, 31, bit_step, T0)

    gt = key > T
    c_gt = jnp.sum(gt.astype(jnp.int32))
    eq = valid & (key == T)
    need = (k - c_gt).astype(jnp.float32)

    eqf = eq.astype(jnp.float32)
    r80 = lax.broadcasted_iota(jnp.int32, (RG, RG), 0)
    c80 = lax.broadcasted_iota(jnp.int32, (RG, RG), 1)
    lt80 = (c80 < r80).astype(jnp.float32)
    r128 = lax.broadcasted_iota(jnp.int32, (128, 128), 0)
    c128 = lax.broadcasted_iota(jnp.int32, (128, 128), 1)
    su128 = (r128 < c128).astype(jnp.float32)
    rowsum = jnp.sum(eqf, axis=1, keepdims=True)
    rowexcl = jnp.dot(lt80, rowsum, preferred_element_type=jnp.float32)
    within = jnp.dot(eqf, su128, preferred_element_type=jnp.float32)
    prefix = within + rowexcl
    sel = gt | (eq & (prefix < need))
    sel_ref[...] = sel.astype(jnp.int32)


def _tc_topk(score_grid, valid_grid, k):
    return pl.pallas_call(
        functools.partial(_tc_topk_body, k=k),
        out_shape=jax.ShapeDtypeStruct((RG, 128), jnp.int32),
    )(score_grid, valid_grid)



def _tc_pool_body(y1_ref, s1_ref, y2_ref, s2_ref, b_ref,
                  gm1_ref, gs1_ref, c1_ref, gm2_ref, gs2_ref, c2_ref):
    g = pl.program_id(0)
    batch = b_ref[...]

    def one(y_ref, s_ref, gm_ref, gs_ref, c_ref):
        mask = (batch == g) & (s_ref[...] > 0)
        y = y_ref[...]
        gm_ref[0] = jnp.max(jnp.where(mask, y, -jnp.inf), axis=0,
                            keepdims=True)
        gs_ref[0] = jnp.sum(jnp.where(mask, y, 0.0), axis=0, keepdims=True)
        c_ref[0] = jnp.sum(mask.astype(jnp.float32), axis=0, keepdims=True)

    one(y1_ref, s1_ref, gm1_ref, gs1_ref, c1_ref)
    one(y2_ref, s2_ref, gm2_ref, gs2_ref, c2_ref)


def _tc_pool(Y1, sel1c, Y2, sel2c, batchc):
    full = lambda shape: pl.BlockSpec(shape, lambda g: tuple(0 for _ in shape))
    return pl.pallas_call(
        _tc_pool_body,
        grid=(G,),
        in_specs=[
            full((NP, F)), full((NP, 1)), full((NP, F)), full((NP, 1)),
            full((NP, 1)),
        ],
        out_specs=[
            pl.BlockSpec((1, 1, F), lambda g: (g, 0, 0)),
            pl.BlockSpec((1, 1, F), lambda g: (g, 0, 0)),
            pl.BlockSpec((1, 1, 1), lambda g: (g, 0, 0)),
            pl.BlockSpec((1, 1, F), lambda g: (g, 0, 0)),
            pl.BlockSpec((1, 1, F), lambda g: (g, 0, 0)),
            pl.BlockSpec((1, 1, 1), lambda g: (g, 0, 0)),
        ],
        out_shape=[
            jax.ShapeDtypeStruct((G, 1, F), jnp.float32),
            jax.ShapeDtypeStruct((G, 1, F), jnp.float32),
            jax.ShapeDtypeStruct((G, 1, 1), jnp.float32),
            jax.ShapeDtypeStruct((G, 1, F), jnp.float32),
            jax.ShapeDtypeStruct((G, 1, F), jnp.float32),
            jax.ShapeDtypeStruct((G, 1, 1), jnp.float32),
        ],
    )(Y1, sel1c, Y2, sel2c, batchc)



def _tc_mlp_body(gm1_ref, gs1_ref, c1_ref, gm2_ref, gs2_ref, c2_ref,
                 lw1_ref, lb1_ref, lw2_ref, lb2_ref, lw3_ref, lb3_ref,
                 out_ref):
    def fix(m):
        return jnp.where(m > -3.0e38, m, 0.0)
    gm1 = fix(gm1_ref[...])
    gm2 = fix(gm2_ref[...])
    gap1 = gs1_ref[...] / jnp.maximum(c1_ref[...], 1.0)
    gap2 = gs2_ref[...] / jnp.maximum(c2_ref[...], 1.0)
    ztop = gm1 + gm2
    zbot = gap1 + gap2
    lw1 = lw1_ref[...]
    z = (jnp.dot(ztop, lw1[:F, :], preferred_element_type=jnp.float32)
         + jnp.dot(zbot, lw1[F:, :], preferred_element_type=jnp.float32)
         + lb1_ref[...])
    z = jnp.maximum(z, 0.0)
    z = jnp.dot(z, lw2_ref[...], preferred_element_type=jnp.float32) + lb2_ref[...]
    z = jnp.maximum(z, 0.0)
    z = jnp.dot(z, lw3_ref[...], preferred_element_type=jnp.float32) + lb3_ref[...]
    out_ref[...] = 1.0 / (1.0 + jnp.exp(-z))


def _tc_mlp(gm1, gs1, c1, gm2, gs2, c2, lw1, lb1, lw2, lb2, lw3, lb3):
    return pl.pallas_call(
        _tc_mlp_body,
        out_shape=jax.ShapeDtypeStruct((G, 1), jnp.float32),
    )(gm1, gs1, c1, gm2, gs2, c2,
      lw1, lb1.reshape(1, F), lw2, lb2.reshape(1, F // 2),
      lw3, lb3.reshape(1, 1))



def kernel(x, edge_index, batch, W1, b1, p1, W2, b2, p2,
           lw1, lb1, lw2, lb2, lw3, lb3):
    xs = x[:, 0, :]
    xp = jnp.pad(xs, ((0, NP - N), (0, 0)))
    src = edge_index[0]
    dst = edge_index[1]
    src2d = jnp.pad(src, (0, EP - E)).reshape(ER, 128)
    dst2d = jnp.pad(dst, (0, EP - E), constant_values=DUMMY).reshape(ER, 128)

    batchc = jnp.pad(batch, (0, NP - N)).reshape(NP, 1)
    valid1 = (jnp.arange(NP, dtype=jnp.int32) < N).astype(jnp.int32)
    valid1 = valid1.reshape(RG, 128)

    deg1 = _sc_deg(dst2d)
    h1, hs1, dinv1 = _tc_h(xp, W1, deg1.reshape(NC, NPH)[:, :NP])
    spad = jnp.zeros((32, 128), jnp.int32)
    dpad = jnp.full((32, 128), DUMMY, jnp.int32)
    acc1p = _sc_agg(hs1, jnp.concatenate([src2d, spad]),
                    jnp.concatenate([dst2d, dpad]))
    acc1 = acc1p[0] + acc1p[1]
    Y1, score1 = _tc_out(acc1, h1, dinv1, b1, p1)

    sel1 = _tc_topk(score1.reshape(RG, 128), valid1, K1)

    d2, deg2 = _sc_remap(src2d, dst2d, sel1)
    h2, hs2, dinv2 = _tc_h(Y1, W2, deg2.reshape(NC, NPH)[:, :NP])
    acc2p = _sc_agg(hs2, jnp.concatenate([src2d, spad]),
                    jnp.concatenate([d2, dpad]))
    acc2 = acc2p[0] + acc2p[1]
    Y2, score2 = _tc_out(acc2, h2, dinv2, b2, p2)

    sel2 = _tc_topk(score2.reshape(RG, 128), sel1, K2)

    gm1, gs1, c1, gm2, gs2, c2 = _tc_pool(
        Y1, sel1.reshape(NP, 1), Y2, sel2.reshape(NP, 1), batchc)
    out = _tc_mlp(gm1.reshape(G, F), gs1.reshape(G, F), c1.reshape(G, 1),
                  gm2.reshape(G, F), gs2.reshape(G, F), c2.reshape(G, 1),
                  lw1, lb1, lw2, lb2, lw3, lb3)
    return out.reshape(G)

# --- scband reference (transcript-rebuilt; emitter-appended) ---
"""Pipeline reference for scband-motnet-12498354831484 (READ-ONLY COPY).

The authoritative reference and input builder live on the scoring server;
editing this copy changes nothing except your own understanding.
"""

import jax, jax.numpy as jnp
import numpy as np

N = 10000
E = 320000
F_IN = 128
HID = 128
G = 64
K1 = 8000
K2 = 6400


def setup_inputs(seed: int = 0):
    key = jax.random.key(seed)
    ks = jax.random.split(key, 16)
    inp = {}
    inp["x"] = jax.random.normal(ks[0], (N, 1, F_IN), dtype=jnp.float32)
    inp["edge_index"] = jax.random.randint(ks[1], (2, E), 0, N, dtype=jnp.int32)
    inp["batch"] = jnp.sort(jax.random.randint(ks[2], (N,), 0, G, dtype=jnp.int32))

    def lin(k, fi, fo):
        s = 1.0 / np.sqrt(fi)
        return jax.random.uniform(k, (fi, fo), minval=-s, maxval=s, dtype=jnp.float32)

    inp["W1"] = lin(ks[3], F_IN, HID)
    inp["b1"] = jnp.zeros((HID,), dtype=jnp.float32)
    inp["p1"] = jax.random.normal(ks[4], (HID,), dtype=jnp.float32)
    inp["W2"] = lin(ks[5], HID, HID)
    inp["b2"] = jnp.zeros((HID,), dtype=jnp.float32)
    inp["p2"] = jax.random.normal(ks[6], (HID,), dtype=jnp.float32)
    inp["lw1"] = lin(ks[7], 2 * HID, HID)
    inp["lb1"] = jnp.zeros((HID,), dtype=jnp.float32)
    inp["lw2"] = lin(ks[8], HID, HID // 2)
    inp["lb2"] = jnp.zeros((HID // 2,), dtype=jnp.float32)
    inp["lw3"] = lin(ks[9], HID // 2, 1)
    inp["lb3"] = jnp.zeros((1,), dtype=jnp.float32)
    return inp


def _gcn(x, W, b, src, dst, emask, n):
    ones = emask.astype(jnp.float32)
    deg = jnp.zeros((n,), dtype=jnp.float32).at[dst].add(ones) + 1.0
    dinv = 1.0 / jnp.sqrt(deg)
    h = x @ W
    coef = dinv[src] * dinv[dst] * ones
    out = jnp.zeros((n, h.shape[1]), dtype=jnp.float32).at[dst].add(h[src] * coef[:, None])
    out = out + h * (dinv * dinv)[:, None]
    return out + b


def _topk_pool(x, src, dst, emask, batch, p, k):
    score = (x @ p) / (jnp.linalg.norm(p) + 1e-16)
    val, perm = jax.lax.top_k(score, k)
    x_new = x[perm] * jnp.tanh(val)[:, None]
    batch_new = batch[perm]
    new_id = jnp.full((x.shape[0],), -1, dtype=jnp.int32).at[perm].set(jnp.arange(k, dtype=jnp.int32))
    s2 = new_id[src]
    d2 = new_id[dst]
    m2 = emask & (s2 >= 0) & (d2 >= 0)
    s2 = jnp.where(m2, s2, 0)
    d2 = jnp.where(m2, d2, 0)
    return x_new, s2, d2, m2, batch_new


def _gmp(x, batch):
    m = jax.ops.segment_max(x, batch, num_segments=G)
    return jnp.where(jnp.isfinite(m), m, 0.0)


def _gap(x, batch):
    s = jax.ops.segment_sum(x, batch, num_segments=G)
    c = jax.ops.segment_sum(jnp.ones((x.shape[0],), dtype=jnp.float32), batch, num_segments=G)
    return s / jnp.maximum(c, 1.0)[:, None]


def reference(x, edge_index, batch, W1, b1, p1, W2, b2, p2, lw1, lb1, lw2, lb2, lw3, lb3):
    src = edge_index[0]
    dst = edge_index[1]
    emask = jnp.ones((E,), dtype=bool)
    h = jnp.squeeze(x, axis=1)
    h = jax.nn.relu(_gcn(h, W1, b1, src, dst, emask, N))
    h, src, dst, emask, batch1 = _topk_pool(h, src, dst, emask, batch, p1, K1)
    x1 = jnp.concatenate([_gmp(h, batch1), _gap(h, batch1)], axis=1)
    h = jax.nn.relu(_gcn(h, W2, b2, src, dst, emask, K1))
    h, src, dst, emask, batch2 = _topk_pool(h, src, dst, emask, batch1, p2, K2)
    x2 = jnp.concatenate([_gmp(h, batch2), _gap(h, batch2)], axis=1)
    z = x1 + x2
    z = jax.nn.relu(z @ lw1 + lb1)
    z = jax.nn.relu(z @ lw2 + lb2)
    # dropout p=0.5 is identity in eval mode
    z = jax.nn.sigmoid(z @ lw3 + lb3)
    return jnp.squeeze(z, axis=1)

if __name__ == "__main__":
    import jax
    _d = setup_inputs()
    print(jax.jit(kernel)(*tuple(_d.values())))

</pallas_src>

<mosaic_0001>
#map = affine_map<(d0, d1) -> (0, 0)>
#map1 = affine_map<(d0, d1) -> (0)>
module attributes {stable_mosaic.version = 14 : i64} {
  func.func @_sc_remap_body(%arg0: i32, %arg1: i32, %arg2: memref<2560x128xi32, #tpu.memory_space<hbm>>, %arg3: memref<2560x128xi32, #tpu.memory_space<hbm>>, %arg4: memref<80x128xi32, #tpu.memory_space<hbm>>, %arg5: memref<2560x128xi32, #tpu.memory_space<hbm>>, %arg6: memref<24576xf32, #tpu.memory_space<hbm>>, %arg7: memref<80x128xi32, #tpu.memory_space<vmem>>, %arg8: memref<80x128xi32, #tpu.memory_space<vmem>>, %arg9: memref<80x128xi32, #tpu.memory_space<vmem>>, %arg10: memref<81x128xi32, #tpu.memory_space<vmem>>, %arg11: memref<128xf32, #tpu.memory_space<vmem>>, %arg12: memref<768xf32, #tpu.memory_space<vmem>>, %arg13: memref<12288xf32, #tpu.memory_space<vmem_shared>>) attributes {dimension_semantics = [#tpu.dimension_semantics<core_parallel>, #tpu.dimension_semantics<subcore_parallel>], iteration_bounds = array<i64: 2, 16>, scalar_prefetch = 0 : i64, scratch_operands = 7 : i64, tpu.core_type = #tpu.core_type<sc_vector_subcore>, window_params = [{transform_indices = #map}, {transform_indices = #map}, {transform_indices = #map}, {transform_indices = #map}, {transform_indices = #map1}]} {
    %scan3A = arith.constant 0 : i32
    %scan3A_0 = arith.constant 0 : i32
    %scan3A_1 = arith.constant 8 : i32
    %scan3A_2 = arith.addi %scan3A_0, %scan3A_1 : i32
    %scan3A_3 = arith.constant 1 : i32
    %scan3A_4 = scf.for %scan3A_86 = %scan3A_0 to %scan3A_2 step %scan3A_3 iter_args(%scan3A_87 = %scan3A) -> (i32)  : i32 {
      %broadcast_in_dim3A_88 = arith.constant 1.000000e+00 : f32
      %broadcast_in_dim3A_89 = vector.broadcast %broadcast_in_dim3A_88 : f32 to vector<16xf32>
      %mul3A_90 = arith.constant 16 : i32
      %mul3A_91 = arith.muli %scan3A_86, %mul3A_90 : i32
      %swap3A_92 = arith.index_cast %mul3A_91 : i32 to index
      %swap3A_93 = tpu.vector_load %arg11[%swap3A_92] {strides = array<i32>} : memref<128xf32, #tpu.memory_space<vmem>>, vector<16xf32>,
      %swap3A_94 = vector.shape_cast %swap3A_93 : vector<16xf32> to vector<16xf32>
      %swap3A_95 = vector.shape_cast %broadcast_in_dim3A_89 : vector<16xf32> to vector<16xf32>
      tpu.vector_store %arg11[%swap3A_92], %swap3A_95 {strides = array<i32>} : memref<128xf32, #tpu.memory_space<vmem>>, vector<16xf32>,
      %scan3A_96 = arith.constant 0 : i32
      scf.yield %scan3A_96 : i32
    }
    %scan3A_5 = arith.constant 8 : i32
    %scan3A_6 = arith.constant 0 : i32
    %scan3A_7 = arith.constant 0 : i32
    %scan3A_8 = arith.constant 48 : i32
    %scan3A_9 = arith.addi %scan3A_7, %scan3A_8 : i32
    %scan3A_10 = arith.constant 1 : i32
    %scan3A_11 = scf.for %scan3A_86 = %scan3A_7 to %scan3A_9 step %scan3A_10 iter_args(%scan3A_87 = %scan3A_6) -> (i32)  : i32 {
      %broadcast_in_dim3A_88 = arith.constant 0.000000e+00 : f32
      %broadcast_in_dim3A_89 = vector.broadcast %broadcast_in_dim3A_88 : f32 to vector<16xf32>
      %mul3A_90 = arith.constant 16 : i32
      %mul3A_91 = arith.muli %scan3A_86, %mul3A_90 : i32
      %swap3A_92 = arith.index_cast %mul3A_91 : i32 to index
      %swap3A_93 = tpu.vector_load %arg12[%swap3A_92] {strides = array<i32>} : memref<768xf32, #tpu.memory_space<vmem>>, vector<16xf32>,
      %swap3A_94 = vector.shape_cast %swap3A_93 : vector<16xf32> to vector<16xf32>
      %swap3A_95 = vector.shape_cast %broadcast_in_dim3A_89 : vector<16xf32> to vector<16xf32>
      tpu.vector_store %arg12[%swap3A_92], %swap3A_95 {strides = array<i32>} : memref<768xf32, #tpu.memory_space<vmem>>, vector<16xf32>,
      %scan3A_96 = arith.constant 0 : i32
      scf.yield %scan3A_96 : i32
    }
    %scan3A_12 = arith.constant 48 : i32
    %mul3A = arith.constant 768 : i32
    %mul3A_13 = arith.muli %arg1, %mul3A : i32
    "tpu.region"() ({
      %run_scoped3A = tpu.sem_alloc : memref<!tpu.dma_semaphore, #tpu.memory_space<semaphore_mem>>
      %dma_start3A = tpu.memref_slice %arg13[%mul3A_13] : memref<12288xf32, #tpu.memory_space<vmem_shared>> -> memref<768xf32, #tpu.memory_space<vmem_shared>>
      %dma_start3A_86 = tpu.memref_slice %arg13[%mul3A_13] : memref<12288xf32, #tpu.memory_space<vmem_shared>> -> memref<768xf32, #tpu.memory_space<vmem_shared>>
      tpu.enqueue_dma source(%arg12 : memref<768xf32, #tpu.memory_space<vmem>>) target(%dma_start3A_86 : memref<768xf32, #tpu.memory_space<vmem_shared>>) target_semaphore(%run_scoped3A : memref<!tpu.dma_semaphore, #tpu.memory_space<semaphore_mem>>)
      %dma_wait3A = tpu.memref_slice %arg13[%mul3A_13] : memref<12288xf32, #tpu.memory_space<vmem_shared>> -> memref<768xf32, #tpu.memory_space<vmem_shared>>
      %dma_wait3A_87 = tpu.memref_slice %arg13[%mul3A_13] : memref<12288xf32, #tpu.memory_space<vmem_shared>> -> memref<768xf32, #tpu.memory_space<vmem_shared>>
      tpu.wait_dma2 semaphore(%run_scoped3A : memref<!tpu.dma_semaphore, #tpu.memory_space<semaphore_mem>>) src(%arg12 : memref<768xf32, #tpu.memory_space<vmem>>) dst(%dma_wait3A_87 : memref<768xf32, #tpu.memory_space<vmem_shared>>)
      tpu.yield
    }) : () -> ()
    %barrier3A = arith.constant 0 : index
    tpu.barrier barrier_id(%barrier3A)
    "tpu.region"() ({
      %run_scoped3A = tpu.sem_alloc : memref<!tpu.dma_semaphore, #tpu.memory_space<semaphore_mem>>
      %dma_start3A = arith.constant 0 : i32
      %dma_start3A_86 = arith.constant 0 : i32
      %dma_start3A_87 = tpu.memref_slice %arg10[%dma_start3A, %dma_start3A_86] : memref<81x128xi32, #tpu.memory_space<vmem>> -> memref<80x128xi32, #tpu.memory_space<vmem>>
      %dma_start3A_88 = arith.constant 0 : i32
      %dma_start3A_89 = arith.constant 0 : i32
      %dma_start3A_90 = tpu.memref_slice %arg10[%dma_start3A_88, %dma_start3A_89] : memref<81x128xi32, #tpu.memory_space<vmem>> -> memref<80x128xi32, #tpu.memory_space<vmem>>
      tpu.enqueue_dma source(%arg4 : memref<80x128xi32, #tpu.memory_space<hbm>>) target(%dma_start3A_90 : memref<80x128xi32, #tpu.memory_space<vmem>>) target_semaphore(%run_scoped3A : memref<!tpu.dma_semaphore, #tpu.memory_space<semaphore_mem>>)
      %dma_wait3A = arith.constant 0 : i32
      %dma_wait3A_91 = arith.constant 0 : i32
      %dma_wait3A_92 = tpu.memref_slice %arg10[%dma_wait3A, %dma_wait3A_91] : memref<81x128xi32, #tpu.memory_space<vmem>> -> memref<80x128xi32, #tpu.memory_space<vmem>>
      %dma_wait3A_93 = arith.constant 0 : i32
      %dma_wait3A_94 = arith.constant 0 : i32
      %dma_wait3A_95 = tpu.memref_slice %arg10[%dma_wait3A_93, %dma_wait3A_94] : memref<81x128xi32, #tpu.memory_space<vmem>> -> memref<80x128xi32, #tpu.memory_space<vmem>>
      tpu.wait_dma2 semaphore(%run_scoped3A : memref<!tpu.dma_semaphore, #tpu.memory_space<semaphore_mem>>) src(%arg4 : memref<80x128xi32, #tpu.memory_space<hbm>>) dst(%dma_wait3A_95 : memref<80x128xi32, #tpu.memory_space<vmem>>)
      tpu.yield
    }) : () -> ()
    %broadcast_in_dim3A = arith.constant 0 : i32
    %broadcast_in_dim3A_14 = vector.broadcast %broadcast_in_dim3A : i32 to vector<16xi32>
    %swap3A = arith.constant 80 : i32
    %swap3A_15 = arith.index_cast %swap3A : i32 to index
    %swap3A_16 = arith.constant 0 : index
    %swap3A_17 = tpu.vector_load %arg10[%swap3A_15, %swap3A_16] {strides = array<i32>} : memref<81x128xi32, #tpu.memory_space<vmem>>, vector<16xi32>,
    tpu.vector_store %arg10[%swap3A_15, %swap3A_16], %broadcast_in_dim3A_14 {strides = array<i32>} : memref<81x128xi32, #tpu.memory_space<vmem>>, vector<16xi32>,
    %broadcast_in_dim3A_18 = arith.constant 0 : i32
    %broadcast_in_dim3A_19 = vector.broadcast %broadcast_in_dim3A_18 : i32 to vector<16xi32>
    %swap3A_20 = arith.constant 80 : i32
    %swap3A_21 = arith.index_cast %swap3A_20 : i32 to index
    %swap3A_22 = arith.constant 16 : index
    %swap3A_23 = tpu.vector_load %arg10[%swap3A_21, %swap3A_22] {strides = array<i32>} : memref<81x128xi32, #tpu.memory_space<vmem>>, vector<16xi32>,
    tpu.vector_store %arg10[%swap3A_21, %swap3A_22], %broadcast_in_dim3A_19 {strides = array<i32>} : memref<81x128xi32, #tpu.memory_space<vmem>>, vector<16xi32>,
    %broadcast_in_dim3A_24 = arith.constant 0 : i32
    %broadcast_in_dim3A_25 = vector.broadcast %broadcast_in_dim3A_24 : i32 to vector<16xi32>
    %swap3A_26 = arith.constant 80 : i32
    %swap3A_27 = arith.index_cast %swap3A_26 : i32 to index
    %swap3A_28 = arith.constant 32 : index
    %swap3A_29 = tpu.vector_load %arg10[%swap3A_27, %swap3A_28] {strides = array<i32>} : memref<81x128xi32, #tpu.memory_space<vmem>>, vector<16xi32>,
    tpu.vector_store %arg10[%swap3A_27, %swap3A_28], %broadcast_in_dim3A_25 {strides = array<i32>} : memref<81x128xi32, #tpu.memory_space<vmem>>, vector<16xi32>,
    %broadcast_in_dim3A_30 = arith.constant 0 : i32
    %broadcast_in_dim3A_31 = vector.broadcast %broadcast_in_dim3A_30 : i32 to vector<16xi32>
    %swap3A_32 = arith.constant 80 : i32
    %swap3A_33 = arith.index_cast %swap3A_32 : i32 to index
    %swap3A_34 = arith.constant 48 : index
    %swap3A_35 = tpu.vector_load %arg10[%swap3A_33, %swap3A_34] {strides = array<i32>} : memref<81x128xi32, #tpu.memory_space<vmem>>, vector<16xi32>,
    tpu.vector_store %arg10[%swap3A_33, %swap3A_34], %broadcast_in_dim3A_31 {strides = array<i32>} : memref<81x128xi32, #tpu.memory_space<vmem>>, vector<16xi32>,
    %broadcast_in_dim3A_36 = arith.constant 0 : i32
    %broadcast_in_dim3A_37 = vector.broadcast %broadcast_in_dim3A_36 : i32 to vector<16xi32>
    %swap3A_38 = arith.constant 80 : i32
    %swap3A_39 = arith.index_cast %swap3A_38 : i32 to index
    %swap3A_40 = arith.constant 64 : index
    %swap3A_41 = tpu.vector_load %arg10[%swap3A_39, %swap3A_40] {strides = array<i32>} : memref<81x128xi32, #tpu.memory_space<vmem>>, vector<16xi32>,
    tpu.vector_store %arg10[%swap3A_39, %swap3A_40], %broadcast_in_dim3A_37 {strides = array<i32>} : memref<81x128xi32, #tpu.memory_space<vmem>>, vector<16xi32>,
    %broadcast_in_dim3A_42 = arith.constant 0 : i32
    %broadcast_in_dim3A_43 = vector.broadcast %broadcast_in_dim3A_42 : i32 to vector<16xi32>
    %swap3A_44 = arith.constant 80 : i32
    %swap3A_45 = arith.index_cast %swap3A_44 : i32 to index
    %swap3A_46 = arith.constant 80 : index
    %swap3A_47 = tpu.vector_load %arg10[%swap3A_45, %swap3A_46] {strides = array<i32>} : memref<81x128xi32, #tpu.memory_space<vmem>>, vector<16xi32>,
    tpu.vector_store %arg10[%swap3A_45, %swap3A_46], %broadcast_in_dim3A_43 {strides = array<i32>} : memref<81x128xi32, #tpu.memory_space<vmem>>, vector<16xi32>,
    %broadcast_in_dim3A_48 = arith.constant 0 : i32
    %broadcast_in_dim3A_49 = vector.broadcast %broadcast_in_dim3A_48 : i32 to vector<16xi32>
    %swap3A_50 = arith.constant 80 : i32
    %swap3A_51 = arith.index_cast %swap3A_50 : i32 to index
    %swap3A_52 = arith.constant 96 : index
    %swap3A_53 = tpu.vector_load %arg10[%swap3A_51, %swap3A_52] {strides = array<i32>} : memref<81x128xi32, #tpu.memory_space<vmem>>, vector<16xi32>,
    tpu.vector_store %arg10[%swap3A_51, %swap3A_52], %broadcast_in_dim3A_49 {strides = array<i32>} : memref<81x128xi32, #tpu.memory_space<vmem>>, vector<16xi32>,
    %broadcast_in_dim3A_54 = arith.constant 0 : i32
    %broadcast_in_dim3A_55 = vector.broadcast %broadcast_in_dim3A_54 : i32 to vector<16xi32>
    %swap3A_56 = arith.constant 80 : i32
    %swap3A_57 = arith.index_cast %swap3A_56 : i32 to index
    %swap3A_58 = arith.constant 112 : index
    %swap3A_59 = tpu.vector_load %arg10[%swap3A_57, %swap3A_58] {strides = array<i32>} : memref<81x128xi32, #tpu.memory_space<vmem>>, vector<16xi32>,
    tpu.vector_store %arg10[%swap3A_57, %swap3A_58], %broadcast_in_dim3A_55 {strides = array<i32>} : memref<81x128xi32, #tpu.memory_space<vmem>>, vector<16xi32>,
    %mul3A_60 = arith.constant 16 : i32
    %mul3A_61 = arith.muli %arg0, %mul3A_60 : i32
    %add3A = arith.addi %mul3A_61, %arg1 : i32
    %mul3A_62 = arith.constant 80 : i32
    %mul3A_63 = arith.muli %add3A, %mul3A_62 : i32
    "tpu.region"() ({
      %run_scoped3A = tpu.sem_alloc : memref<!tpu.dma_semaphore, #tpu.memory_space<semaphore_mem>>
      %dma_start3A = arith.constant 0 : i32
      %dma_start3A_86 = tpu.memref_slice %arg2[%mul3A_63, %dma_start3A] : memref<2560x128xi32, #tpu.memory_space<hbm>> -> memref<80x128xi32, #tpu.memory_space<hbm>>
      %dma_start3A_87 = arith.constant 0 : i32
      %dma_start3A_88 = tpu.memref_slice %arg2[%mul3A_63, %dma_start3A_87] : memref<2560x128xi32, #tpu.memory_space<hbm>> -> memref<80x128xi32, #tpu.memory_space<hbm>>
      tpu.enqueue_dma source(%dma_start3A_88 : memref<80x128xi32, #tpu.memory_space<hbm>>) target(%arg7 : memref<80x128xi32, #tpu.memory_space<vmem>>) target_semaphore(%run_scoped3A : memref<!tpu.dma_semaphore, #tpu.memory_space<semaphore_mem>>)
      %dma_wait3A = arith.constant 0 : i32
      %dma_wait3A_89 = tpu.memref_slice %arg2[%mul3A_63, %dma_wait3A] : memref<2560x128xi32, #tpu.memory_space<hbm>> -> memref<80x128xi32, #tpu.memory_space<hbm>>
      %dma_wait3A_90 = arith.constant 0 : i32
      %dma_wait3A_91 = tpu.memref_slice %arg2[%mul3A_63, %dma_wait3A_90] : memref<2560x128xi32, #tpu.memory_space<hbm>> -> memref<80x128xi32, #tpu.memory_space<hbm>>
      tpu.wait_dma2 semaphore(%run_scoped3A : memref<!tpu.dma_semaphore, #tpu.memory_space<semaphore_mem>>) src(%dma_wait3A_91 : memref<80x128xi32, #tpu.memory_space<hbm>>) dst(%arg7 : memref<80x128xi32, #tpu.memory_space<vmem>>)
      tpu.yield
    }) : () -> ()
    "tpu.region"() ({
      %run_scoped3A = tpu.sem_alloc : memref<!tpu.dma_semaphore, #tpu.memory_space<semaphore_mem>>
      %dma_start3A = arith.constant 0 : i32
      %dma_start3A_86 = tpu.memref_slice %arg3[%mul3A_63, %dma_start3A] : memref<2560x128xi32, #tpu.memory_space<hbm>> -> memref<80x128xi32, #tpu.memory_space<hbm>>
      %dma_start3A_87 = arith.constant 0 : i32
      %dma_start3A_88 = tpu.memref_slice %arg3[%mul3A_63, %dma_start3A_87] : memref<2560x128xi32, #tpu.memory_space<hbm>> -> memref<80x128xi32, #tpu.memory_space<hbm>>
      tpu.enqueue_dma source(%dma_start3A_88 : memref<80x128xi32, #tpu.memory_space<hbm>>) target(%arg8 : memref<80x128xi32, #tpu.memory_space<vmem>>) target_semaphore(%run_scoped3A : memref<!tpu.dma_semaphore, #tpu.memory_space<semaphore_mem>>)
      %dma_wait3A = arith.constant 0 : i32
      %dma_wait3A_89 = tpu.memref_slice %arg3[%mul3A_63, %dma_wait3A] : memref<2560x128xi32, #tpu.memory_space<hbm>> -> memref<80x128xi32, #tpu.memory_space<hbm>>
      %dma_wait3A_90 = arith.constant 0 : i32
      %dma_wait3A_91 = tpu.memref_slice %arg3[%mul3A_63, %dma_wait3A_90] : memref<2560x128xi32, #tpu.memory_space<hbm>> -> memref<80x128xi32, #tpu.memory_space<hbm>>
      tpu.wait_dma2 semaphore(%run_scoped3A : memref<!tpu.dma_semaphore, #tpu.memory_space<semaphore_mem>>) src(%dma_wait3A_91 : memref<80x128xi32, #tpu.memory_space<hbm>>) dst(%arg8 : memref<80x128xi32, #tpu.memory_space<vmem>>)
      tpu.yield
    }) : () -> ()
    %scan3A_64 = arith.constant 0 : i32
    %scan3A_65 = arith.constant 0 : i32
    %scan3A_66 = arith.constant 640 : i32
    %scan3A_67 = arith.addi %scan3A_65, %scan3A_66 : i32
    %scan3A_68 = arith.constant 1 : i32
    %scan3A_69 = scf.for %scan3A_86 = %scan3A_65 to %scan3A_67 step %scan3A_68 iter_args(%scan3A_87 = %scan3A_64) -> (i32)  : i32 {
      %jit3A = arith.constant 8 : i32
      %div3A = arith.divsi %scan3A_86, %jit3A : i32
      %sign3A = arith.constant 0 : i32
      %sign3A_88 = arith.cmpi sgt, %scan3A_86, %sign3A : i32
      %sign3A_89 = arith.extui %sign3A_88 : i1 to i32
      %sign3A_90 = arith.constant 0 : i32
      %sign3A_91 = arith.cmpi slt, %scan3A_86, %sign3A_90 : i32
      %sign3A_92 = arith.extui %sign3A_91 : i1 to i32
      %sign3A_93 = arith.subi %sign3A_89, %sign3A_92 : i32
      %sign3A_94 = arith.constant 0 : i32
      %sign3A_95 = arith.cmpi sgt, %jit3A, %sign3A_94 : i32
      %sign3A_96 = arith.extui %sign3A_95 : i1 to i32
      %sign3A_97 = arith.constant 0 : i32
      %sign3A_98 = arith.cmpi slt, %jit3A, %sign3A_97 : i32
      %sign3A_99 = arith.extui %sign3A_98 : i1 to i32
      %sign3A_100 = arith.subi %sign3A_96, %sign3A_99 : i32
      %ne3A = arith.cmpi ne, %sign3A_93, %sign3A_100 : i32
      %rem3A = arith.remsi %scan3A_86, %jit3A : i32
      %ne3A_101 = arith.constant 0 : i32
      %ne3A_102 = arith.cmpi ne, %rem3A, %ne3A_101 : i32
      %and3A = arith.andi %ne3A, %ne3A_102 : i1
      %sub3A = arith.constant 1 : i32
      %sub3A_103 = arith.subi %div3A, %sub3A : i32
      %select_n3A = arith.select %and3A, %sub3A_103, %div3A : i32
      %jit3A_104 = arith.constant 8 : i32
      %eq3A = arith.constant 0 : i32
      %eq3A_105 = arith.cmpi eq, %jit3A_104, %eq3A : i32
      %jit3A_106 = arith.constant 1 : i32
      %select_n3A_107 = arith.select %eq3A_105, %jit3A_106, %jit3A_104 : i32
      %rem3A_108 = arith.remsi %scan3A_86, %select_n3A_107 : i32
      %ne3A_109 = arith.constant 0 : i32
      %ne3A_110 = arith.cmpi ne, %rem3A_108, %ne3A_109 : i32
      %lt3A = arith.constant 0 : i32
      %lt3A_111 = arith.cmpi slt, %rem3A_108, %lt3A : i32
      %lt3A_112 = arith.constant 0 : i32
      %lt3A_113 = arith.cmpi slt, %select_n3A_107, %lt3A_112 : i32
      %ne3A_114 = arith.xori %lt3A_111, %lt3A_113 : i1
      %and3A_115 = arith.andi %ne3A_114, %ne3A_110 : i1
      %add3A_116 = arith.addi %rem3A_108, %select_n3A_107 : i32
      %select_n3A_117 = arith.select %and3A_115, %add3A_116, %rem3A_108 : i32
      %mul3A_118 = arith.constant 16 : i32
      %mul3A_119 = arith.muli %select_n3A_117, %mul3A_118 : i32
      %get3A = arith.index_cast %select_n3A : i32 to index
      %get3A_120 = arith.index_cast %mul3A_119 : i32 to index
      %get3A_121 = tpu.vector_load %arg7[%get3A, %get3A_120] {strides = array<i32>} : memref<80x128xi32, #tpu.memory_space<vmem>>, vector<16xi32>,
      %mul3A_122 = arith.constant 16 : i32
      %mul3A_123 = arith.muli %select_n3A_117, %mul3A_122 : i32
      %get3A_124 = arith.index_cast %select_n3A : i32 to index
      %get3A_125 = arith.index_cast %mul3A_123 : i32 to index
      %get3A_126 = tpu.vector_load %arg8[%get3A_124, %get3A_125] {strides = array<i32>} : memref<80x128xi32, #tpu.memory_space<vmem>>, vector<16xi32>,
      %shift_right_logical3A = arith.constant 7 : i32
      %shift_right_logical3A_127 = vector.broadcast %shift_right_logical3A : i32 to vector<16xi32>
      %shift_right_logical3A_128 = arith.shrui %get3A_121, %shift_right_logical3A_127 : vector<16xi32>
      %and3A_129 = arith.constant 127 : i32
      %and3A_130 = vector.broadcast %and3A_129 : i32 to vector<16xi32>
      %and3A_131 = arith.andi %get3A_121, %and3A_130 : vector<16xi32>
      %gather3A = tpu.vector_load_idx %arg10[%shift_right_logical3A_128, %and3A_131] : memref<81x128xi32, #tpu.memory_space<vmem>>[vector<16xi32>, vector<16xi32>], vector<16xi32>,
      %shift_right_logical3A_132 = arith.constant 7 : i32
      %shift_right_logical3A_133 = vector.broadcast %shift_right_logical3A_132 : i32 to vector<16xi32>
      %shift_right_logical3A_134 = arith.shrui %get3A_126, %shift_right_logical3A_133 : vector<16xi32>
      %and3A_135 = arith.constant 127 : i32
      %and3A_136 = vector.broadcast %and3A_135 : i32 to vector<16xi32>
      %and3A_137 = arith.andi %get3A_126, %and3A_136 : vector<16xi32>
      %gather3A_138 = tpu.vector_load_idx %arg10[%shift_right_logical3A_134, %and3A_137] : memref<81x128xi32, #tpu.memory_space<vmem>>[vector<16xi32>, vector<16xi32>], vector<16xi32>,
      %gt3A = arith.constant 0 : i32
      %gt3A_139 = vector.broadcast %gt3A : i32 to vector<16xi32>
      %gt3A_140 = arith.cmpi sgt, %gather3A, %gt3A_139 : vector<16xi32>
      %gt3A_141 = arith.constant 0 : i32
      %gt3A_142 = vector.broadcast %gt3A_141 : i32 to vector<16xi32>
      %gt3A_143 = arith.cmpi sgt, %gather3A_138, %gt3A_142 : vector<16xi32>
      %and3A_144 = arith.andi %gt3A_140, %gt3A_143 : vector<16xi1>
      %jit3A_145 = arith.constant 10000 : i32
      %broadcast_in_dim3A_146 = vector.broadcast %jit3A_145 : i32 to vector<16xi32>
      %select_n3A_147 = arith.select %and3A_144, %get3A_126, %broadcast_in_dim3A_146 : vector<16xi1>, vector<16xi32>
      %mul3A_148 = arith.constant 16 : i32
      %mul3A_149 = arith.muli %select_n3A_117, %mul3A_148 : i32
      %swap3A_150 = arith.index_cast %select_n3A : i32 to index
      %swap3A_151 = arith.index_cast %mul3A_149 : i32 to index
      %swap3A_152 = tpu.vector_load %arg9[%swap3A_150, %swap3A_151] {strides = array<i32>} : memref<80x128xi32, #tpu.memory_space<vmem>>, vector<16xi32>,
      tpu.vector_store %arg9[%swap3A_150, %swap3A_151], %select_n3A_147 {strides = array<i32>} : memref<80x128xi32, #tpu.memory_space<vmem>>, vector<16xi32>,
      %scan3A_153 = arith.constant 0 : i32
      scf.yield %scan3A_153 : i32
    }
    %scan3A_70 = arith.constant 640 : i32
    %scan3A_71 = arith.constant 0 : i32
    %scan3A_72 = arith.constant 0 : i32
    %scan3A_73 = arith.constant 80 : i32
    %scan3A_74 = arith.addi %scan3A_72, %scan3A_73 : i32
    %scan3A_75 = arith.constant 1 : i32
    %scan3A_76 = scf.for %scan3A_86 = %scan3A_72 to %scan3A_74 step %scan3A_75 iter_args(%scan3A_87 = %scan3A_71) -> (i32)  : i32 {
      "tpu.region"() ({
        %run_scoped3A = tpu.sem_alloc : memref<!tpu.dma_semaphore, #tpu.memory_space<semaphore_mem>>
        %dma_start3A = arith.constant 0 : i32
        %dma_start3A_89 = tpu.memref_slice %arg9[%scan3A_86, %dma_start3A] : memref<80x128xi32, #tpu.memory_space<vmem>> -> memref<1x128xi32, #tpu.memory_space<vmem>>
        %dma_start3A_90 = tpu.memref_squeeze %dma_start3A_89 : memref<1x128xi32, #tpu.memory_space<vmem>> -> memref<128xi32, #tpu.memory_space<vmem>>
        %dma_start3A_91 = arith.constant 0 : i32
        %dma_start3A_92 = tpu.memref_slice %arg13[%dma_start3A_91] : memref<12288xf32, #tpu.memory_space<vmem_shared>> -> memref<12288xf32, #tpu.memory_space<vmem_shared>>
        tpu.enqueue_indirect_dma source(%arg11 : memref<128xf32, #tpu.memory_space<vmem>>) target(%dma_start3A_92 : memref<12288xf32, #tpu.memory_space<vmem_shared>>) offsets(%dma_start3A_90 : memref<128xi32, #tpu.memory_space<vmem>>) semaphore(%run_scoped3A : memref<!tpu.dma_semaphore, #tpu.memory_space<semaphore_mem>>) {add = true}
        %dma_wait3A = arith.constant 0 : i32
        %dma_wait3A_93 = tpu.memref_slice %arg9[%scan3A_86, %dma_wait3A] : memref<80x128xi32, #tpu.memory_space<vmem>> -> memref<1x128xi32, #tpu.memory_space<vmem>>
        %dma_wait3A_94 = tpu.memref_squeeze %dma_wait3A_93 : memref<1x128xi32, #tpu.memory_space<vmem>> -> memref<128xi32, #tpu.memory_space<vmem>>
        %dma_wait3A_95 = arith.constant 0 : i32
        %dma_wait3A_96 = tpu.memref_slice %arg13[%dma_wait3A_95] : memref<12288xf32, #tpu.memory_space<vmem_shared>> -> memref<12288xf32, #tpu.memory_space<vmem_shared>>
        tpu.wait_indirect_dma semaphore(%run_scoped3A : memref<!tpu.dma_semaphore, #tpu.memory_space<semaphore_mem>>) src(%arg11 : memref<128xf32, #tpu.memory_space<vmem>>) dst(%dma_wait3A_96 : memref<12288xf32, #tpu.memory_space<vmem_shared>>)
        tpu.yield
      }) : () -> ()
      %scan3A_88 = arith.constant 0 : i32
      scf.yield %scan3A_88 : i32
    }
    %scan3A_77 = arith.constant 80 : i32
    %barrier3A_78 = arith.constant 0 : index
    tpu.barrier barrier_id(%barrier3A_78)
    "tpu.region"() ({
      %run_scoped3A = tpu.sem_alloc : memref<!tpu.dma_semaphore, #tpu.memory_space<semaphore_mem>>
      %dma_start3A = arith.constant 0 : i32
      %dma_start3A_86 = tpu.memref_slice %arg5[%mul3A_63, %dma_start3A] : memref<2560x128xi32, #tpu.memory_space<hbm>> -> memref<80x128xi32, #tpu.memory_space<hbm>>
      %dma_start3A_87 = arith.constant 0 : i32
      %dma_start3A_88 = tpu.memref_slice %arg5[%mul3A_63, %dma_start3A_87] : memref<2560x128xi32, #tpu.memory_space<hbm>> -> memref<80x128xi32, #tpu.memory_space<hbm>>
      tpu.enqueue_dma source(%arg9 : memref<80x128xi32, #tpu.memory_space<vmem>>) target(%dma_start3A_88 : memref<80x128xi32, #tpu.memory_space<hbm>>) target_semaphore(%run_scoped3A : memref<!tpu.dma_semaphore, #tpu.memory_space<semaphore_mem>>)
      %dma_wait3A = arith.constant 0 : i32
      %dma_wait3A_89 = tpu.memref_slice %arg5[%mul3A_63, %dma_wait3A] : memref<2560x128xi32, #tpu.memory_space<hbm>> -> memref<80x128xi32, #tpu.memory_space<hbm>>
      %dma_wait3A_90 = arith.constant 0 : i32
      %dma_wait3A_91 = tpu.memref_slice %arg5[%mul3A_63, %dma_wait3A_90] : memref<2560x128xi32, #tpu.memory_space<hbm>> -> memref<80x128xi32, #tpu.memory_space<hbm>>
      tpu.wait_dma2 semaphore(%run_scoped3A : memref<!tpu.dma_semaphore, #tpu.memory_space<semaphore_mem>>) src(%arg9 : memref<80x128xi32, #tpu.memory_space<vmem>>) dst(%dma_wait3A_91 : memref<80x128xi32, #tpu.memory_space<hbm>>)
      tpu.yield
    }) : () -> ()
    %mul3A_79 = arith.constant 768 : i32
    %mul3A_80 = arith.muli %arg1, %mul3A_79 : i32
    %mul3A_81 = arith.constant 12288 : i32
    %mul3A_82 = arith.muli %arg0, %mul3A_81 : i32
    %mul3A_83 = arith.constant 768 : i32
    %mul3A_84 = arith.muli %arg1, %mul3A_83 : i32
    %add3A_85 = arith.addi %mul3A_82, %mul3A_84 : i32
    "tpu.region"() ({
      %run_scoped3A = tpu.sem_alloc : memref<!tpu.dma_semaphore, #tpu.memory_space<semaphore_mem>>
      %dma_start3A = tpu.memref_slice %arg6[%add3A_85] : memref<24576xf32, #tpu.memory_space<hbm>> -> memref<768xf32, #tpu.memory_space<hbm>>
      %dma_start3A_86 = tpu.memref_slice %arg13[%mul3A_80] : memref<12288xf32, #tpu.memory_space<vmem_shared>> -> memref<768xf32, #tpu.memory_space<vmem_shared>>
      tpu.enqueue_dma source(%dma_start3A_86 : memref<768xf32, #tpu.memory_space<vmem_shared>>) target(%dma_start3A : memref<768xf32, #tpu.memory_space<hbm>>) target_semaphore(%run_scoped3A : memref<!tpu.dma_semaphore, #tpu.memory_space<semaphore_mem>>)
      %dma_wait3A = tpu.memref_slice %arg6[%add3A_85] : memref<24576xf32, #tpu.memory_space<hbm>> -> memref<768xf32, #tpu.memory_space<hbm>>
      %dma_wait3A_87 = tpu.memref_slice %arg13[%mul3A_80] : memref<12288xf32, #tpu.memory_space<vmem_shared>> -> memref<768xf32, #tpu.memory_space<vmem_shared>>
      tpu.wait_dma2 semaphore(%run_scoped3A : memref<!tpu.dma_semaphore, #tpu.memory_space<semaphore_mem>>) src(%dma_wait3A_87 : memref<768xf32, #tpu.memory_space<vmem_shared>>) dst(%dma_wait3A : memref<768xf32, #tpu.memory_space<hbm>>)
      tpu.yield
    }) : () -> ()
    return
  }
}

#map = affine_map<(d0, d1) -> (0, 0)>
#map1 = affine_map<(d0, d1) -> (0)>
module attributes {stable_mosaic.version = 14 : i64} {
  func.func @_sc_deg_body(%arg0: i32, %arg1: i32, %arg2: memref<2560x128xi32, #tpu.memory_space<hbm>>, %arg3: memref<24576xf32, #tpu.memory_space<hbm>>, %arg4: memref<80x128xi32, #tpu.memory_space<vmem>>, %arg5: memref<128xf32, #tpu.memory_space<vmem>>, %arg6: memref<768xf32, #tpu.memory_space<vmem>>, %arg7: memref<12288xf32, #tpu.memory_space<vmem_shared>>) attributes {dimension_semantics = [#tpu.dimension_semantics<core_parallel>, #tpu.dimension_semantics<subcore_parallel>], iteration_bounds = array<i64: 2, 16>, scalar_prefetch = 0 : i64, scratch_operands = 4 : i64, tpu.core_type = #tpu.core_type<sc_vector_subcore>, window_params = [{transform_indices = #map}, {transform_indices = #map1}]} {
    %scan3A = arith.constant 0 : i32
    %scan3A_0 = arith.constant 0 : i32
    %scan3A_1 = arith.constant 8 : i32
    %scan3A_2 = arith.addi %scan3A_0, %scan3A_1 : i32
    %scan3A_3 = arith.constant 1 : i32
    %scan3A_4 = scf.for %scan3A_33 = %scan3A_0 to %scan3A_2 step %scan3A_3 iter_args(%scan3A_34 = %scan3A) -> (i32)  : i32 {
      %broadcast_in_dim3A = arith.constant 1.000000e+00 : f32
      %broadcast_in_dim3A_35 = vector.broadcast %broadcast_in_dim3A : f32 to vector<16xf32>
      %mul3A_36 = arith.constant 16 : i32
      %mul3A_37 = arith.muli %scan3A_33, %mul3A_36 : i32
      %swap3A = arith.index_cast %mul3A_37 : i32 to index
      %swap3A_38 = tpu.vector_load %arg5[%swap3A] {strides = array<i32>} : memref<128xf32, #tpu.memory_space<vmem>>, vector<16xf32>,
      %swap3A_39 = vector.shape_cast %swap3A_38 : vector<16xf32> to vector<16xf32>
      %swap3A_40 = vector.shape_cast %broadcast_in_dim3A_35 : vector<16xf32> to vector<16xf32>
      tpu.vector_store %arg5[%swap3A], %swap3A_40 {strides = array<i32>} : memref<128xf32, #tpu.memory_space<vmem>>, vector<16xf32>,
      %scan3A_41 = arith.constant 0 : i32
      scf.yield %scan3A_41 : i32
    }
    %scan3A_5 = arith.constant 8 : i32
    %scan3A_6 = arith.constant 0 : i32
    %scan3A_7 = arith.constant 0 : i32
    %scan3A_8 = arith.constant 48 : i32
    %scan3A_9 = arith.addi %scan3A_7, %scan3A_8 : i32
    %scan3A_10 = arith.constant 1 : i32
    %scan3A_11 = scf.for %scan3A_33 = %scan3A_7 to %scan3A_9 step %scan3A_10 iter_args(%scan3A_34 = %scan3A_6) -> (i32)  : i32 {
      %broadcast_in_dim3A = arith.constant 0.000000e+00 : f32
      %broadcast_in_dim3A_35 = vector.broadcast %broadcast_in_dim3A : f32 to vector<16xf32>
      %mul3A_36 = arith.constant 16 : i32
      %mul3A_37 = arith.muli %scan3A_33, %mul3A_36 : i32
      %swap3A = arith.index_cast %mul3A_37 : i32 to index
      %swap3A_38 = tpu.vector_load %arg6[%swap3A] {strides = array<i32>} : memref<768xf32, #tpu.memory_space<vmem>>, vector<16xf32>,
      %swap3A_39 = vector.shape_cast %swap3A_38 : vector<16xf32> to vector<16xf32>
      %swap3A_40 = vector.shape_cast %broadcast_in_dim3A_35 : vector<16xf32> to vector<16xf32>
      tpu.vector_store %arg6[%swap3A], %swap3A_40 {strides = array<i32>} : memref<768xf32, #tpu.memory_space<vmem>>, vector<16xf32>,
      %scan3A_41 = arith.constant 0 : i32
      scf.yield %scan3A_41 : i32
    }
    %scan3A_12 = arith.constant 48 : i32
    %mul3A = arith.constant 768 : i32
    %mul3A_13 = arith.muli %arg1, %mul3A : i32
    "tpu.region"() ({
      %run_scoped3A = tpu.sem_alloc : memref<!tpu.dma_semaphore, #tpu.memory_space<semaphore_mem>>
      %dma_start3A = tpu.memref_slice %arg7[%mul3A_13] : memref<12288xf32, #tpu.memory_space<vmem_shared>> -> memref<768xf32, #tpu.memory_space<vmem_shared>>
      %dma_start3A_33 = tpu.memref_slice %arg7[%mul3A_13] : memref<12288xf32, #tpu.memory_space<vmem_shared>> -> memref<768xf32, #tpu.memory_space<vmem_shared>>
      tpu.enqueue_dma source(%arg6 : memref<768xf32, #tpu.memory_space<vmem>>) target(%dma_start3A_33 : memref<768xf32, #tpu.memory_space<vmem_shared>>) target_semaphore(%run_scoped3A : memref<!tpu.dma_semaphore, #tpu.memory_space<semaphore_mem>>)
      %dma_wait3A = tpu.memref_slice %arg7[%mul3A_13] : memref<12288xf32, #tpu.memory_space<vmem_shared>> -> memref<768xf32, #tpu.memory_space<vmem_shared>>
      %dma_wait3A_34 = tpu.memref_slice %arg7[%mul3A_13] : memref<12288xf32, #tpu.memory_space<vmem_shared>> -> memref<768xf32, #tpu.memory_space<vmem_shared>>
      tpu.wait_dma2 semaphore(%run_scoped3A : memref<!tpu.dma_semaphore, #tpu.memory_space<semaphore_mem>>) src(%arg6 : memref<768xf32, #tpu.memory_space<vmem>>) dst(%dma_wait3A_34 : memref<768xf32, #tpu.memory_space<vmem_shared>>)
      tpu.yield
    }) : () -> ()
    %barrier3A = arith.constant 0 : index
    tpu.barrier barrier_id(%barrier3A)
    %mul3A_14 = arith.constant 16 : i32
    %mul3A_15 = arith.muli %arg0, %mul3A_14 : i32
    %add3A = arith.addi %mul3A_15, %arg1 : i32
    %mul3A_16 = arith.constant 80 : i32
    %mul3A_17 = arith.muli %add3A, %mul3A_16 : i32
    "tpu.region"() ({
      %run_scoped3A = tpu.sem_alloc : memref<!tpu.dma_semaphore, #tpu.memory_space<semaphore_mem>>
      %dma_start3A = arith.constant 0 : i32
      %dma_start3A_33 = tpu.memref_slice %arg2[%mul3A_17, %dma_start3A] : memref<2560x128xi32, #tpu.memory_space<hbm>> -> memref<80x128xi32, #tpu.memory_space<hbm>>
      %dma_start3A_34 = arith.constant 0 : i32
      %dma_start3A_35 = tpu.memref_slice %arg2[%mul3A_17, %dma_start3A_34] : memref<2560x128xi32, #tpu.memory_space<hbm>> -> memref<80x128xi32, #tpu.memory_space<hbm>>
      tpu.enqueue_dma source(%dma_start3A_35 : memref<80x128xi32, #tpu.memory_space<hbm>>) target(%arg4 : memref<80x128xi32, #tpu.memory_space<vmem>>) target_semaphore(%run_scoped3A : memref<!tpu.dma_semaphore, #tpu.memory_space<semaphore_mem>>)
      %dma_wait3A = arith.constant 0 : i32
      %dma_wait3A_36 = tpu.memref_slice %arg2[%mul3A_17, %dma_wait3A] : memref<2560x128xi32, #tpu.memory_space<hbm>> -> memref<80x128xi32, #tpu.memory_space<hbm>>
      %dma_wait3A_37 = arith.constant 0 : i32
      %dma_wait3A_38 = tpu.memref_slice %arg2[%mul3A_17, %dma_wait3A_37] : memref<2560x128xi32, #tpu.memory_space<hbm>> -> memref<80x128xi32, #tpu.memory_space<hbm>>
      tpu.wait_dma2 semaphore(%run_scoped3A : memref<!tpu.dma_semaphore, #tpu.memory_space<semaphore_mem>>) src(%dma_wait3A_38 : memref<80x128xi32, #tpu.memory_space<hbm>>) dst(%arg4 : memref<80x128xi32, #tpu.memory_space<vmem>>)
      tpu.yield
    }) : () -> ()
    %scan3A_18 = arith.constant 0 : i32
    %scan3A_19 = arith.constant 0 : i32
    %scan3A_20 = arith.constant 80 : i32
    %scan3A_21 = arith.addi %scan3A_19, %scan3A_20 : i32
    %scan3A_22 = arith.constant 1 : i32
    %scan3A_23 = scf.for %scan3A_33 = %scan3A_19 to %scan3A_21 step %scan3A_22 iter_args(%scan3A_34 = %scan3A_18) -> (i32)  : i32 {
      "tpu.region"() ({
        %run_scoped3A = tpu.sem_alloc : memref<!tpu.dma_semaphore, #tpu.memory_space<semaphore_mem>>
        %dma_start3A = arith.constant 0 : i32
        %dma_start3A_36 = tpu.memref_slice %arg4[%scan3A_33, %dma_start3A] : memref<80x128xi32, #tpu.memory_space<vmem>> -> memref<1x128xi32, #tpu.memory_space<vmem>>
        %dma_start3A_37 = tpu.memref_squeeze %dma_start3A_36 : memref<1x128xi32, #tpu.memory_space<vmem>> -> memref<128xi32, #tpu.memory_space<vmem>>
        %dma_start3A_38 = arith.constant 0 : i32
        %dma_start3A_39 = tpu.memref_slice %arg7[%dma_start3A_38] : memref<12288xf32, #tpu.memory_space<vmem_shared>> -> memref<12288xf32, #tpu.memory_space<vmem_shared>>
        tpu.enqueue_indirect_dma source(%arg5 : memref<128xf32, #tpu.memory_space<vmem>>) target(%dma_start3A_39 : memref<12288xf32, #tpu.memory_space<vmem_shared>>) offsets(%dma_start3A_37 : memref<128xi32, #tpu.memory_space<vmem>>) semaphore(%run_scoped3A : memref<!tpu.dma_semaphore, #tpu.memory_space<semaphore_mem>>) {add = true}
        %dma_wait3A = arith.constant 0 : i32
        %dma_wait3A_40 = tpu.memref_slice %arg4[%scan3A_33, %dma_wait3A] : memref<80x128xi32, #tpu.memory_space<vmem>> -> memref<1x128xi32, #tpu.memory_space<vmem>>
        %dma_wait3A_41 = tpu.memref_squeeze %dma_wait3A_40 : memref<1x128xi32, #tpu.memory_space<vmem>> -> memref<128xi32, #tpu.memory_space<vmem>>
        %dma_wait3A_42 = arith.constant 0 : i32
        %dma_wait3A_43 = tpu.memref_slice %arg7[%dma_wait3A_42] : memref<12288xf32, #tpu.memory_space<vmem_shared>> -> memref<12288xf32, #tpu.memory_space<vmem_shared>>
        tpu.wait_indirect_dma semaphore(%run_scoped3A : memref<!tpu.dma_semaphore, #tpu.memory_space<semaphore_mem>>) src(%arg5 : memref<128xf32, #tpu.memory_space<vmem>>) dst(%dma_wait3A_43 : memref<12288xf32, #tpu.memory_space<vmem_shared>>)
        tpu.yield
      }) : () -> ()
      %scan3A_35 = arith.constant 0 : i32
      scf.yield %scan3A_35 : i32
    }
    %scan3A_24 = arith.constant 80 : i32
    %barrier3A_25 = arith.constant 0 : index
    tpu.barrier barrier_id(%barrier3A_25)
    %mul3A_26 = arith.constant 768 : i32
    %mul3A_27 = arith.muli %arg1, %mul3A_26 : i32
    %mul3A_28 = arith.constant 12288 : i32
    %mul3A_29 = arith.muli %arg0, %mul3A_28 : i32
    %mul3A_30 = arith.constant 768 : i32
    %mul3A_31 = arith.muli %arg1, %mul3A_30 : i32
    %add3A_32 = arith.addi %mul3A_29, %mul3A_31 : i32
    "tpu.region"() ({
      %run_scoped3A = tpu.sem_alloc : memref<!tpu.dma_semaphore, #tpu.memory_space<semaphore_mem>>
      %dma_start3A = tpu.memref_slice %arg3[%add3A_32] : memref<24576xf32, #tpu.memory_space<hbm>> -> memref<768xf32, #tpu.memory_space<hbm>>
      %dma_start3A_33 = tpu.memref_slice %arg7[%mul3A_27] : memref<12288xf32, #tpu.memory_space<vmem_shared>> -> memref<768xf32, #tpu.memory_space<vmem_shared>>
      tpu.enqueue_dma source(%dma_start3A_33 : memref<768xf32, #tpu.memory_space<vmem_shared>>) target(%dma_start3A : memref<768xf32, #tpu.memory_space<hbm>>) target_semaphore(%run_scoped3A : memref<!tpu.dma_semaphore, #tpu.memory_space<semaphore_mem>>)
      %dma_wait3A = tpu.memref_slice %arg3[%add3A_32] : memref<24576xf32, #tpu.memory_space<hbm>> -> memref<768xf32, #tpu.memory_space<hbm>>
      %dma_wait3A_34 = tpu.memref_slice %arg7[%mul3A_27] : memref<12288xf32, #tpu.memory_space<vmem_shared>> -> memref<768xf32, #tpu.memory_space<vmem_shared>>
      tpu.wait_dma2 semaphore(%run_scoped3A : memref<!tpu.dma_semaphore, #tpu.memory_space<semaphore_mem>>) src(%dma_wait3A_34 : memref<768xf32, #tpu.memory_space<vmem_shared>>) dst(%dma_wait3A : memref<768xf32, #tpu.memory_space<hbm>>)
      tpu.yield
    }) : () -> ()
    return
  }
}

#map = affine_map<(d0, d1) -> (0, 0)>
#map1 = affine_map<(d0, d1) -> (0, 0, 0)>
module attributes {stable_mosaic.version = 14 : i64} {
  func.func @_sc_agg_body(%arg0: i32, %arg1: i32, %arg2: memref<10240x128xf32, #tpu.memory_space<hbm>>, %arg3: memref<2592x128xi32, #tpu.memory_space<hbm>>, %arg4: memref<2592x128xi32, #tpu.memory_space<hbm>>, %arg5: memref<2x10240x128xf32, #tpu.memory_space<hbm>>, %arg6: memref<96x128xi32, #tpu.memory_space<vmem>>, %arg7: memref<96x128xi32, #tpu.memory_space<vmem>>, %arg8: memref<128x128xf32, #tpu.memory_space<vmem>>, %arg9: memref<64x128xf32, #tpu.memory_space<vmem>>, %arg10: memref<10240x128xf32, #tpu.memory_space<vmem_shared>>, %arg11: memref<!tpu.dma_semaphore, #tpu.memory_space<semaphore_mem>>) attributes {dimension_semantics = [#tpu.dimension_semantics<core_parallel>, #tpu.dimension_semantics<subcore_parallel>], iteration_bounds = array<i64: 2, 16>, scalar_prefetch = 0 : i64, scratch_operands = 6 : i64, tpu.core_type = #tpu.core_type<sc_vector_subcore>, window_params = [{transform_indices = #map}, {transform_indices = #map}, {transform_indices = #map}, {transform_indices = #map1}]} {
    %scan3A = arith.constant 0 : i32
    %scan3A_0 = arith.constant 0 : i32
    %scan3A_1 = arith.constant 512 : i32
    %scan3A_2 = arith.addi %scan3A_0, %scan3A_1 : i32
    %scan3A_3 = arith.constant 1 : i32
    %scan3A_4 = scf.for %scan3A_38 = %scan3A_0 to %scan3A_2 step %scan3A_3 iter_args(%scan3A_39 = %scan3A) -> (i32)  : i32 {
      %broadcast_in_dim3A = arith.constant 0.000000e+00 : f32
      %broadcast_in_dim3A_40 = vector.broadcast %broadcast_in_dim3A : f32 to vector<16xf32>
      %jit3A_41 = arith.constant 8 : i32
      %div3A = arith.divsi %scan3A_38, %jit3A_41 : i32
      %sign3A = arith.constant 0 : i32
      %sign3A_42 = arith.cmpi sgt, %scan3A_38, %sign3A : i32
      %sign3A_43 = arith.extui %sign3A_42 : i1 to i32
      %sign3A_44 = arith.constant 0 : i32
      %sign3A_45 = arith.cmpi slt, %scan3A_38, %sign3A_44 : i32
      %sign3A_46 = arith.extui %sign3A_45 : i1 to i32
      %sign3A_47 = arith.subi %sign3A_43, %sign3A_46 : i32
      %sign3A_48 = arith.constant 0 : i32
      %sign3A_49 = arith.cmpi sgt, %jit3A_41, %sign3A_48 : i32
      %sign3A_50 = arith.extui %sign3A_49 : i1 to i32
      %sign3A_51 = arith.constant 0 : i32
      %sign3A_52 = arith.cmpi slt, %jit3A_41, %sign3A_51 : i32
      %sign3A_53 = arith.extui %sign3A_52 : i1 to i32
      %sign3A_54 = arith.subi %sign3A_50, %sign3A_53 : i32
      %ne3A = arith.cmpi ne, %sign3A_47, %sign3A_54 : i32
      %rem3A = arith.remsi %scan3A_38, %jit3A_41 : i32
      %ne3A_55 = arith.constant 0 : i32
      %ne3A_56 = arith.cmpi ne, %rem3A, %ne3A_55 : i32
      %and3A = arith.andi %ne3A, %ne3A_56 : i1
      %sub3A = arith.constant 1 : i32
      %sub3A_57 = arith.subi %div3A, %sub3A : i32
      %select_n3A_58 = arith.select %and3A, %sub3A_57, %div3A : i32
      %jit3A_59 = arith.constant 8 : i32
      %eq3A_60 = arith.constant 0 : i32
      %eq3A_61 = arith.cmpi eq, %jit3A_59, %eq3A_60 : i32
      %jit3A_62 = arith.constant 1 : i32
      %select_n3A_63 = arith.select %eq3A_61, %jit3A_62, %jit3A_59 : i32
      %rem3A_64 = arith.remsi %scan3A_38, %select_n3A_63 : i32
      %ne3A_65 = arith.constant 0 : i32
      %ne3A_66 = arith.cmpi ne, %rem3A_64, %ne3A_65 : i32
      %lt3A = arith.constant 0 : i32
      %lt3A_67 = arith.cmpi slt, %rem3A_64, %lt3A : i32
      %lt3A_68 = arith.constant 0 : i32
      %lt3A_69 = arith.cmpi slt, %select_n3A_63, %lt3A_68 : i32
      %ne3A_70 = arith.xori %lt3A_67, %lt3A_69 : i1
      %and3A_71 = arith.andi %ne3A_70, %ne3A_66 : i1
      %add3A_72 = arith.addi %rem3A_64, %select_n3A_63 : i32
      %select_n3A_73 = arith.select %and3A_71, %add3A_72, %rem3A_64 : i32
      %mul3A_74 = arith.constant 16 : i32
      %mul3A_75 = arith.muli %select_n3A_73, %mul3A_74 : i32
      %swap3A = arith.index_cast %select_n3A_58 : i32 to index
      %swap3A_76 = arith.index_cast %mul3A_75 : i32 to index
      %swap3A_77 = tpu.vector_load %arg9[%swap3A, %swap3A_76] {strides = array<i32>} : memref<64x128xf32, #tpu.memory_space<vmem>>, vector<1x16xf32>,
      %swap3A_78 = vector.shape_cast %swap3A_77 : vector<1x16xf32> to vector<16xf32>
      %swap3A_79 = vector.shape_cast %broadcast_in_dim3A_40 : vector<16xf32> to vector<1x16xf32>
      tpu.vector_store %arg9[%swap3A, %swap3A_76], %swap3A_79 {strides = array<i32>} : memref<64x128xf32, #tpu.memory_space<vmem>>, vector<1x16xf32>,
      %scan3A_80 = arith.constant 0 : i32
      scf.yield %scan3A_80 : i32
    }
    %scan3A_5 = arith.constant 512 : i32
    %scan3A_6 = arith.constant 0 : i32
    %scan3A_7 = arith.constant 0 : i32
    %scan3A_8 = arith.constant 10 : i32
    %scan3A_9 = arith.addi %scan3A_7, %scan3A_8 : i32
    %scan3A_10 = arith.constant 1 : i32
    %scan3A_11 = scf.for %scan3A_38 = %scan3A_7 to %scan3A_9 step %scan3A_10 iter_args(%scan3A_39 = %scan3A_6) -> (i32)  : i32 {
      %mul3A_40 = arith.constant 640 : i32
      %mul3A_41 = arith.muli %arg1, %mul3A_40 : i32
      %mul3A_42 = arith.constant 64 : i32
      %mul3A_43 = arith.muli %scan3A_38, %mul3A_42 : i32
      %add3A_44 = arith.addi %mul3A_41, %mul3A_43 : i32
      "tpu.region"() ({
        %run_scoped3A = tpu.sem_alloc : memref<!tpu.dma_semaphore, #tpu.memory_space<semaphore_mem>>
        %dma_start3A = arith.constant 0 : i32
        %dma_start3A_46 = tpu.memref_slice %arg10[%add3A_44, %dma_start3A] : memref<10240x128xf32, #tpu.memory_space<vmem_shared>> -> memref<64x128xf32, #tpu.memory_space<vmem_shared>>
        %dma_start3A_47 = arith.constant 0 : i32
        %dma_start3A_48 = tpu.memref_slice %arg10[%add3A_44, %dma_start3A_47] : memref<10240x128xf32, #tpu.memory_space<vmem_shared>> -> memref<64x128xf32, #tpu.memory_space<vmem_shared>>
        tpu.enqueue_dma source(%arg9 : memref<64x128xf32, #tpu.memory_space<vmem>>) target(%dma_start3A_48 : memref<64x128xf32, #tpu.memory_space<vmem_shared>>) target_semaphore(%run_scoped3A : memref<!tpu.dma_semaphore, #tpu.memory_space<semaphore_mem>>)
        %dma_wait3A = arith.constant 0 : i32
        %dma_wait3A_49 = tpu.memref_slice %arg10[%add3A_44, %dma_wait3A] : memref<10240x128xf32, #tpu.memory_space<vmem_shared>> -> memref<64x128xf32, #tpu.memory_space<vmem_shared>>
        %dma_wait3A_50 = arith.constant 0 : i32
        %dma_wait3A_51 = tpu.memref_slice %arg10[%add3A_44, %dma_wait3A_50] : memref<10240x128xf32, #tpu.memory_space<vmem_shared>> -> memref<64x128xf32, #tpu.memory_space<vmem_shared>>
        tpu.wait_dma2 semaphore(%run_scoped3A : memref<!tpu.dma_semaphore, #tpu.memory_space<semaphore_mem>>) src(%arg9 : memref<64x128xf32, #tpu.memory_space<vmem>>) dst(%dma_wait3A_51 : memref<64x128xf32, #tpu.memory_space<vmem_shared>>)
        tpu.yield
      }) : () -> ()
      %scan3A_45 = arith.constant 0 : i32
      scf.yield %scan3A_45 : i32
    }
    %scan3A_12 = arith.constant 10 : i32
    %barrier3A = arith.constant 0 : index
    tpu.barrier barrier_id(%barrier3A)
    %eq3A = arith.constant 0 : i32
    %eq3A_13 = arith.cmpi eq, %arg0, %eq3A : i32
    %jit3A = arith.constant 96 : i32
    %jit3A_14 = arith.constant 64 : i32
    %select_n3A = arith.select %eq3A_13, %jit3A, %jit3A_14 : i32
    %eq3A_15 = arith.constant 0 : i32
    %eq3A_16 = arith.cmpi eq, %arg0, %eq3A_15 : i32
    %mul3A = arith.constant 96 : i32
    %mul3A_17 = arith.muli %arg1, %mul3A : i32
    %mul3A_18 = arith.constant 64 : i32
    %mul3A_19 = arith.muli %arg1, %mul3A_18 : i32
    %add3A = arith.constant 1536 : i32
    %add3A_20 = arith.addi %add3A, %mul3A_19 : i32
    %select_n3A_21 = arith.select %eq3A_16, %mul3A_17, %add3A_20 : i32
    "tpu.region"() ({
      %run_scoped3A = tpu.sem_alloc : memref<!tpu.dma_semaphore, #tpu.memory_space<semaphore_mem>>
      %dma_start3A = arith.constant 0 : i32
      %dma_start3A_38 = tpu.memref_slice %arg3[%select_n3A_21, %dma_start3A] : memref<2592x128xi32, #tpu.memory_space<hbm>> -> memref<96x128xi32, #tpu.memory_space<hbm>>
      %dma_start3A_39 = arith.constant 0 : i32
      %dma_start3A_40 = tpu.memref_slice %arg3[%select_n3A_21, %dma_start3A_39] : memref<2592x128xi32, #tpu.memory_space<hbm>> -> memref<96x128xi32, #tpu.memory_space<hbm>>
      tpu.enqueue_dma source(%dma_start3A_40 : memref<96x128xi32, #tpu.memory_space<hbm>>) target(%arg6 : memref<96x128xi32, #tpu.memory_space<vmem>>) target_semaphore(%run_scoped3A : memref<!tpu.dma_semaphore, #tpu.memory_space<semaphore_mem>>)
      %dma_wait3A = arith.constant 0 : i32
      %dma_wait3A_41 = tpu.memref_slice %arg3[%select_n3A_21, %dma_wait3A] : memref<2592x128xi32, #tpu.memory_space<hbm>> -> memref<96x128xi32, #tpu.memory_space<hbm>>
      %dma_wait3A_42 = arith.constant 0 : i32
      %dma_wait3A_43 = tpu.memref_slice %arg3[%select_n3A_21, %dma_wait3A_42] : memref<2592x128xi32, #tpu.memory_space<hbm>> -> memref<96x128xi32, #tpu.memory_space<hbm>>
      tpu.wait_dma2 semaphore(%run_scoped3A : memref<!tpu.dma_semaphore, #tpu.memory_space<semaphore_mem>>) src(%dma_wait3A_43 : memref<96x128xi32, #tpu.memory_space<hbm>>) dst(%arg6 : memref<96x128xi32, #tpu.memory_space<vmem>>)
      tpu.yield
    }) : () -> ()
    "tpu.region"() ({
      %run_scoped3A = tpu.sem_alloc : memref<!tpu.dma_semaphore, #tpu.memory_space<semaphore_mem>>
      %dma_start3A = arith.constant 0 : i32
      %dma_start3A_38 = tpu.memref_slice %arg4[%select_n3A_21, %dma_start3A] : memref<2592x128xi32, #tpu.memory_space<hbm>> -> memref<96x128xi32, #tpu.memory_space<hbm>>
      %dma_start3A_39 = arith.constant 0 : i32
      %dma_start3A_40 = tpu.memref_slice %arg4[%select_n3A_21, %dma_start3A_39] : memref<2592x128xi32, #tpu.memory_space<hbm>> -> memref<96x128xi32, #tpu.memory_space<hbm>>
      tpu.enqueue_dma source(%dma_start3A_40 : memref<96x128xi32, #tpu.memory_space<hbm>>) target(%arg7 : memref<96x128xi32, #tpu.memory_space<vmem>>) target_semaphore(%run_scoped3A : memref<!tpu.dma_semaphore, #tpu.memory_space<semaphore_mem>>)
      %dma_wait3A = arith.constant 0 : i32
      %dma_wait3A_41 = tpu.memref_slice %arg4[%select_n3A_21, %dma_wait3A] : memref<2592x128xi32, #tpu.memory_space<hbm>> -> memref<96x128xi32, #tpu.memory_space<hbm>>
      %dma_wait3A_42 = arith.constant 0 : i32
      %dma_wait3A_43 = tpu.memref_slice %arg4[%select_n3A_21, %dma_wait3A_42] : memref<2592x128xi32, #tpu.memory_space<hbm>> -> memref<96x128xi32, #tpu.memory_space<hbm>>
      tpu.wait_dma2 semaphore(%run_scoped3A : memref<!tpu.dma_semaphore, #tpu.memory_space<semaphore_mem>>) src(%dma_wait3A_43 : memref<96x128xi32, #tpu.memory_space<hbm>>) dst(%arg7 : memref<96x128xi32, #tpu.memory_space<vmem>>)
      tpu.yield
    }) : () -> ()
    %while3A = arith.constant 0 : i32
    %while3A_22 = arith.constant 0 : i32
    %while3A_23 = arith.subi %select_n3A, %while3A : i32
    %while3A_24 = arith.addi %while3A, %while3A_23 : i32
    %while3A_25 = arith.constant 1 : i32
    %while3A_26 = arith.divsi %while3A_23, %while3A_25 : i32
    %while3A_27 = arith.muli %while3A_26, %while3A_25 : i32
    %while3A_28 = arith.addi %while3A, %while3A_27 : i32
    %while3A_29 = arith.constant 1 : i32
    %while3A_30 = scf.for %while3A_38 = %while3A to %while3A_28 step %while3A_29 iter_args(%while3A_39 = %while3A_22) -> (i32)  : i32 {
      %dma_start3A = arith.constant 0 : i32
      %dma_start3A_40 = tpu.memref_slice %arg6[%while3A_38, %dma_start3A] : memref<96x128xi32, #tpu.memory_space<vmem>> -> memref<1x128xi32, #tpu.memory_space<vmem>>
      %dma_start3A_41 = tpu.memref_squeeze %dma_start3A_40 : memref<1x128xi32, #tpu.memory_space<vmem>> -> memref<128xi32, #tpu.memory_space<vmem>>
      %dma_start3A_42 = arith.constant 0 : i32
      %dma_start3A_43 = arith.constant 0 : i32
      %dma_start3A_44 = tpu.memref_slice %arg2[%dma_start3A_42, %dma_start3A_43] : memref<10240x128xf32, #tpu.memory_space<hbm>> -> memref<10240x128xf32, #tpu.memory_space<hbm>>
      tpu.enqueue_indirect_dma source(%dma_start3A_44 : memref<10240x128xf32, #tpu.memory_space<hbm>>) target(%arg8 : memref<128x128xf32, #tpu.memory_space<vmem>>) offsets(%dma_start3A_41 : memref<128xi32, #tpu.memory_space<vmem>>) semaphore(%arg11 : memref<!tpu.dma_semaphore, #tpu.memory_space<semaphore_mem>>)
      %dma_wait3A = arith.constant 0 : i32
      %dma_wait3A_45 = tpu.memref_slice %arg6[%while3A_38, %dma_wait3A] : memref<96x128xi32, #tpu.memory_space<vmem>> -> memref<1x128xi32, #tpu.memory_space<vmem>>
      %dma_wait3A_46 = tpu.memref_squeeze %dma_wait3A_45 : memref<1x128xi32, #tpu.memory_space<vmem>> -> memref<128xi32, #tpu.memory_space<vmem>>
      %dma_wait3A_47 = arith.constant 0 : i32
      %dma_wait3A_48 = arith.constant 0 : i32
      %dma_wait3A_49 = tpu.memref_slice %arg2[%dma_wait3A_47, %dma_wait3A_48] : memref<10240x128xf32, #tpu.memory_space<hbm>> -> memref<10240x128xf32, #tpu.memory_space<hbm>>
      tpu.wait_indirect_dma semaphore(%arg11 : memref<!tpu.dma_semaphore, #tpu.memory_space<semaphore_mem>>) src(%dma_wait3A_49 : memref<10240x128xf32, #tpu.memory_space<hbm>>) dst(%arg8 : memref<128x128xf32, #tpu.memory_space<vmem>>)
      "tpu.region"() ({
        %run_scoped3A = tpu.sem_alloc : memref<!tpu.dma_semaphore, #tpu.memory_space<semaphore_mem>>
        %dma_start3A_51 = arith.constant 0 : i32
        %dma_start3A_52 = tpu.memref_slice %arg7[%while3A_38, %dma_start3A_51] : memref<96x128xi32, #tpu.memory_space<vmem>> -> memref<1x128xi32, #tpu.memory_space<vmem>>
        %dma_start3A_53 = tpu.memref_squeeze %dma_start3A_52 : memref<1x128xi32, #tpu.memory_space<vmem>> -> memref<128xi32, #tpu.memory_space<vmem>>
        %dma_start3A_54 = arith.constant 0 : i32
        %dma_start3A_55 = arith.constant 0 : i32
        %dma_start3A_56 = tpu.memref_slice %arg10[%dma_start3A_54, %dma_start3A_55] : memref<10240x128xf32, #tpu.memory_space<vmem_shared>> -> memref<10240x128xf32, #tpu.memory_space<vmem_shared>>
        tpu.enqueue_indirect_dma source(%arg8 : memref<128x128xf32, #tpu.memory_space<vmem>>) target(%dma_start3A_56 : memref<10240x128xf32, #tpu.memory_space<vmem_shared>>) offsets(%dma_start3A_53 : memref<128xi32, #tpu.memory_space<vmem>>) semaphore(%run_scoped3A : memref<!tpu.dma_semaphore, #tpu.memory_space<semaphore_mem>>) {add = true}
        %dma_wait3A_57 = arith.constant 0 : i32
        %dma_wait3A_58 = tpu.memref_slice %arg7[%while3A_38, %dma_wait3A_57] : memref<96x128xi32, #tpu.memory_space<vmem>> -> memref<1x128xi32, #tpu.memory_space<vmem>>
        %dma_wait3A_59 = tpu.memref_squeeze %dma_wait3A_58 : memref<1x128xi32, #tpu.memory_space<vmem>> -> memref<128xi32, #tpu.memory_space<vmem>>
        %dma_wait3A_60 = arith.constant 0 : i32
        %dma_wait3A_61 = arith.constant 0 : i32
        %dma_wait3A_62 = tpu.memref_slice %arg10[%dma_wait3A_60, %dma_wait3A_61] : memref<10240x128xf32, #tpu.memory_space<vmem_shared>> -> memref<10240x128xf32, #tpu.memory_space<vmem_shared>>
        tpu.wait_indirect_dma semaphore(%run_scoped3A : memref<!tpu.dma_semaphore, #tpu.memory_space<semaphore_mem>>) src(%arg8 : memref<128x128xf32, #tpu.memory_space<vmem>>) dst(%dma_wait3A_62 : memref<10240x128xf32, #tpu.memory_space<vmem_shared>>)
        tpu.yield
      }) : () -> ()
      %while3A_50 = arith.constant 0 : i32
      scf.yield %while3A_50 : i32
    }
    %while3A_31 = arith.constant 1 : i32
    %while3A_32 = scf.for %while3A_38 = %while3A_28 to %while3A_24 step %while3A_31 iter_args(%while3A_39 = %while3A_30) -> (i32)  : i32 {
      %dma_start3A = arith.constant 0 : i32
      %dma_start3A_40 = tpu.memref_slice %arg6[%while3A_38, %dma_start3A] : memref<96x128xi32, #tpu.memory_space<vmem>> -> memref<1x128xi32, #tpu.memory_space<vmem>>
      %dma_start3A_41 = tpu.memref_squeeze %dma_start3A_40 : memref<1x128xi32, #tpu.memory_space<vmem>> -> memref<128xi32, #tpu.memory_space<vmem>>
      %dma_start3A_42 = arith.constant 0 : i32
      %dma_start3A_43 = arith.constant 0 : i32
      %dma_start3A_44 = tpu.memref_slice %arg2[%dma_start3A_42, %dma_start3A_43] : memref<10240x128xf32, #tpu.memory_space<hbm>> -> memref<10240x128xf32, #tpu.memory_space<hbm>>
      tpu.enqueue_indirect_dma source(%dma_start3A_44 : memref<10240x128xf32, #tpu.memory_space<hbm>>) target(%arg8 : memref<128x128xf32, #tpu.memory_space<vmem>>) offsets(%dma_start3A_41 : memref<128xi32, #tpu.memory_space<vmem>>) semaphore(%arg11 : memref<!tpu.dma_semaphore, #tpu.memory_space<semaphore_mem>>)
      %dma_wait3A = arith.constant 0 : i32
      %dma_wait3A_45 = tpu.memref_slice %arg6[%while3A_38, %dma_wait3A] : memref<96x128xi32, #tpu.memory_space<vmem>> -> memref<1x128xi32, #tpu.memory_space<vmem>>
      %dma_wait3A_46 = tpu.memref_squeeze %dma_wait3A_45 : memref<1x128xi32, #tpu.memory_space<vmem>> -> memref<128xi32, #tpu.memory_space<vmem>>
      %dma_wait3A_47 = arith.constant 0 : i32
      %dma_wait3A_48 = arith.constant 0 : i32
      %dma_wait3A_49 = tpu.memref_slice %arg2[%dma_wait3A_47, %dma_wait3A_48] : memref<10240x128xf32, #tpu.memory_space<hbm>> -> memref<10240x128xf32, #tpu.memory_space<hbm>>
      tpu.wait_indirect_dma semaphore(%arg11 : memref<!tpu.dma_semaphore, #tpu.memory_space<semaphore_mem>>) src(%dma_wait3A_49 : memref<10240x128xf32, #tpu.memory_space<hbm>>) dst(%arg8 : memref<128x128xf32, #tpu.memory_space<vmem>>)
      "tpu.region"() ({
        %run_scoped3A = tpu.sem_alloc : memref<!tpu.dma_semaphore, #tpu.memory_space<semaphore_mem>>
        %dma_start3A_51 = arith.constant 0 : i32
        %dma_start3A_52 = tpu.memref_slice %arg7[%while3A_38, %dma_start3A_51] : memref<96x128xi32, #tpu.memory_space<vmem>> -> memref<1x128xi32, #tpu.memory_space<vmem>>
        %dma_start3A_53 = tpu.memref_squeeze %dma_start3A_52 : memref<1x128xi32, #tpu.memory_space<vmem>> -> memref<128xi32, #tpu.memory_space<vmem>>
        %dma_start3A_54 = arith.constant 0 : i32
        %dma_start3A_55 = arith.constant 0 : i32
        %dma_start3A_56 = tpu.memref_slice %arg10[%dma_start3A_54, %dma_start3A_55] : memref<10240x128xf32, #tpu.memory_space<vmem_shared>> -> memref<10240x128xf32, #tpu.memory_space<vmem_shared>>
        tpu.enqueue_indirect_dma source(%arg8 : memref<128x128xf32, #tpu.memory_space<vmem>>) target(%dma_start3A_56 : memref<10240x128xf32, #tpu.memory_space<vmem_shared>>) offsets(%dma_start3A_53 : memref<128xi32, #tpu.memory_space<vmem>>) semaphore(%run_scoped3A : memref<!tpu.dma_semaphore, #tpu.memory_space<semaphore_mem>>) {add = true}
        %dma_wait3A_57 = arith.constant 0 : i32
        %dma_wait3A_58 = tpu.memref_slice %arg7[%while3A_38, %dma_wait3A_57] : memref<96x128xi32, #tpu.memory_space<vmem>> -> memref<1x128xi32, #tpu.memory_space<vmem>>
        %dma_wait3A_59 = tpu.memref_squeeze %dma_wait3A_58 : memref<1x128xi32, #tpu.memory_space<vmem>> -> memref<128xi32, #tpu.memory_space<vmem>>
        %dma_wait3A_60 = arith.constant 0 : i32
        %dma_wait3A_61 = arith.constant 0 : i32
        %dma_wait3A_62 = tpu.memref_slice %arg10[%dma_wait3A_60, %dma_wait3A_61] : memref<10240x128xf32, #tpu.memory_space<vmem_shared>> -> memref<10240x128xf32, #tpu.memory_space<vmem_shared>>
        tpu.wait_indirect_dma semaphore(%run_scoped3A : memref<!tpu.dma_semaphore, #tpu.memory_space<semaphore_mem>>) src(%arg8 : memref<128x128xf32, #tpu.memory_space<vmem>>) dst(%dma_wait3A_62 : memref<10240x128xf32, #tpu.memory_space<vmem_shared>>)
        tpu.yield
      }) : () -> ()
      %while3A_50 = arith.constant 0 : i32
      scf.yield %while3A_50 : i32
    }
    %barrier3A_33 = arith.constant 0 : index
    tpu.barrier barrier_id(%barrier3A_33)
    %mul3A_34 = arith.constant 640 : i32
    %mul3A_35 = arith.muli %arg1, %mul3A_34 : i32
    %mul3A_36 = arith.constant 640 : i32
    %mul3A_37 = arith.muli %arg1, %mul3A_36 : i32
    "tpu.region"() ({
      %run_scoped3A = tpu.sem_alloc : memref<!tpu.dma_semaphore, #tpu.memory_space<semaphore_mem>>
      %dma_start3A = arith.constant 0 : i32
      %dma_start3A_38 = tpu.memref_slice %arg5[%arg0, %mul3A_37, %dma_start3A] : memref<2x10240x128xf32, #tpu.memory_space<hbm>> -> memref<1x640x128xf32, #tpu.memory_space<hbm>>
      %dma_start3A_39 = tpu.memref_squeeze %dma_start3A_38 : memref<1x640x128xf32, #tpu.memory_space<hbm>> -> memref<640x128xf32, #tpu.memory_space<hbm>>
      %dma_start3A_40 = arith.constant 0 : i32
      %dma_start3A_41 = tpu.memref_slice %arg10[%mul3A_35, %dma_start3A_40] : memref<10240x128xf32, #tpu.memory_space<vmem_shared>> -> memref<640x128xf32, #tpu.memory_space<vmem_shared>>
      tpu.enqueue_dma source(%dma_start3A_41 : memref<640x128xf32, #tpu.memory_space<vmem_shared>>) target(%dma_start3A_39 : memref<640x128xf32, #tpu.memory_space<hbm>>) target_semaphore(%run_scoped3A : memref<!tpu.dma_semaphore, #tpu.memory_space<semaphore_mem>>)
      %dma_wait3A = arith.constant 0 : i32
      %dma_wait3A_42 = tpu.memref_slice %arg5[%arg0, %mul3A_37, %dma_wait3A] : memref<2x10240x128xf32, #tpu.memory_space<hbm>> -> memref<1x640x128xf32, #tpu.memory_space<hbm>>
      %dma_wait3A_43 = tpu.memref_squeeze %dma_wait3A_42 : memref<1x640x128xf32, #tpu.memory_space<hbm>> -> memref<640x128xf32, #tpu.memory_space<hbm>>
      %dma_wait3A_44 = arith.constant 0 : i32
      %dma_wait3A_45 = tpu.memref_slice %arg10[%mul3A_35, %dma_wait3A_44] : memref<10240x128xf32, #tpu.memory_space<vmem_shared>> -> memref<640x128xf32, #tpu.memory_space<vmem_shared>>
      tpu.wait_dma2 semaphore(%run_scoped3A : memref<!tpu.dma_semaphore, #tpu.memory_space<semaphore_mem>>) src(%dma_wait3A_45 : memref<640x128xf32, #tpu.memory_space<vmem_shared>>) dst(%dma_wait3A_43 : memref<640x128xf32, #tpu.memory_space<hbm>>)
      tpu.yield
    }) : () -> ()
    return
  }
}

#map = affine_map<(d0, d1) -> (0, 0)>
#map1 = affine_map<(d0, d1) -> (0, 0, 0)>
module attributes {stable_mosaic.version = 14 : i64} {
  func.func @_sc_agg_body(%arg0: i32, %arg1: i32, %arg2: memref<10240x128xf32, #tpu.memory_space<hbm>>, %arg3: memref<2592x128xi32, #tpu.memory_space<hbm>>, %arg4: memref<2592x128xi32, #tpu.memory_space<hbm>>, %arg5: memref<2x10240x128xf32, #tpu.memory_space<hbm>>, %arg6: memref<96x128xi32, #tpu.memory_space<vmem>>, %arg7: memref<96x128xi32, #tpu.memory_space<vmem>>, %arg8: memref<128x128xf32, #tpu.memory_space<vmem>>, %arg9: memref<64x128xf32, #tpu.memory_space<vmem>>, %arg10: memref<10240x128xf32, #tpu.memory_space<vmem_shared>>, %arg11: memref<!tpu.dma_semaphore, #tpu.memory_space<semaphore_mem>>) attributes {dimension_semantics = [#tpu.dimension_semantics<core_parallel>, #tpu.dimension_semantics<subcore_parallel>], iteration_bounds = array<i64: 2, 16>, scalar_prefetch = 0 : i64, scratch_operands = 6 : i64, tpu.core_type = #tpu.core_type<sc_vector_subcore>, window_params = [{transform_indices = #map}, {transform_indices = #map}, {transform_indices = #map}, {transform_indices = #map1}]} {
    %scan3A = arith.constant 0 : i32
    %scan3A_0 = arith.constant 0 : i32
    %scan3A_1 = arith.constant 512 : i32
    %scan3A_2 = arith.addi %scan3A_0, %scan3A_1 : i32
    %scan3A_3 = arith.constant 1 : i32
    %scan3A_4 = scf.for %scan3A_38 = %scan3A_0 to %scan3A_2 step %scan3A_3 iter_args(%scan3A_39 = %scan3A) -> (i32)  : i32 {
      %broadcast_in_dim3A = arith.constant 0.000000e+00 : f32
      %broadcast_in_dim3A_40 = vector.broadcast %broadcast_in_dim3A : f32 to vector<16xf32>
      %jit3A_41 = arith.constant 8 : i32
      %div3A = arith.divsi %scan3A_38, %jit3A_41 : i32
      %sign3A = arith.constant 0 : i32
      %sign3A_42 = arith.cmpi sgt, %scan3A_38, %sign3A : i32
      %sign3A_43 = arith.extui %sign3A_42 : i1 to i32
      %sign3A_44 = arith.constant 0 : i32
      %sign3A_45 = arith.cmpi slt, %scan3A_38, %sign3A_44 : i32
      %sign3A_46 = arith.extui %sign3A_45 : i1 to i32
      %sign3A_47 = arith.subi %sign3A_43, %sign3A_46 : i32
      %sign3A_48 = arith.constant 0 : i32
      %sign3A_49 = arith.cmpi sgt, %jit3A_41, %sign3A_48 : i32
      %sign3A_50 = arith.extui %sign3A_49 : i1 to i32
      %sign3A_51 = arith.constant 0 : i32
      %sign3A_52 = arith.cmpi slt, %jit3A_41, %sign3A_51 : i32
      %sign3A_53 = arith.extui %sign3A_52 : i1 to i32
      %sign3A_54 = arith.subi %sign3A_50, %sign3A_53 : i32
      %ne3A = arith.cmpi ne, %sign3A_47, %sign3A_54 : i32
      %rem3A = arith.remsi %scan3A_38, %jit3A_41 : i32
      %ne3A_55 = arith.constant 0 : i32
      %ne3A_56 = arith.cmpi ne, %rem3A, %ne3A_55 : i32
      %and3A = arith.andi %ne3A, %ne3A_56 : i1
      %sub3A = arith.constant 1 : i32
      %sub3A_57 = arith.subi %div3A, %sub3A : i32
      %select_n3A_58 = arith.select %and3A, %sub3A_57, %div3A : i32
      %jit3A_59 = arith.constant 8 : i32
      %eq3A_60 = arith.constant 0 : i32
      %eq3A_61 = arith.cmpi eq, %jit3A_59, %eq3A_60 : i32
      %jit3A_62 = arith.constant 1 : i32
      %select_n3A_63 = arith.select %eq3A_61, %jit3A_62, %jit3A_59 : i32
      %rem3A_64 = arith.remsi %scan3A_38, %select_n3A_63 : i32
      %ne3A_65 = arith.constant 0 : i32
      %ne3A_66 = arith.cmpi ne, %rem3A_64, %ne3A_65 : i32
      %lt3A = arith.constant 0 : i32
      %lt3A_67 = arith.cmpi slt, %rem3A_64, %lt3A : i32
      %lt3A_68 = arith.constant 0 : i32
      %lt3A_69 = arith.cmpi slt, %select_n3A_63, %lt3A_68 : i32
      %ne3A_70 = arith.xori %lt3A_67, %lt3A_69 : i1
      %and3A_71 = arith.andi %ne3A_70, %ne3A_66 : i1
      %add3A_72 = arith.addi %rem3A_64, %select_n3A_63 : i32
      %select_n3A_73 = arith.select %and3A_71, %add3A_72, %rem3A_64 : i32
      %mul3A_74 = arith.constant 16 : i32
      %mul3A_75 = arith.muli %select_n3A_73, %mul3A_74 : i32
      %swap3A = arith.index_cast %select_n3A_58 : i32 to index
      %swap3A_76 = arith.index_cast %mul3A_75 : i32 to index
      %swap3A_77 = tpu.vector_load %arg9[%swap3A, %swap3A_76] {strides = array<i32>} : memref<64x128xf32, #tpu.memory_space<vmem>>, vector<1x16xf32>,
      %swap3A_78 = vector.shape_cast %swap3A_77 : vector<1x16xf32> to vector<16xf32>
      %swap3A_79 = vector.shape_cast %broadcast_in_dim3A_40 : vector<16xf32> to vector<1x16xf32>
      tpu.vector_store %arg9[%swap3A, %swap3A_76], %swap3A_79 {strides = array<i32>} : memref<64x128xf32, #tpu.memory_space<vmem>>, vector<1x16xf32>,
      %scan3A_80 = arith.constant 0 : i32
      scf.yield %scan3A_80 : i32
    }
    %scan3A_5 = arith.constant 512 : i32
    %scan3A_6 = arith.constant 0 : i32
    %scan3A_7 = arith.constant 0 : i32
    %scan3A_8 = arith.constant 10 : i32
    %scan3A_9 = arith.addi %scan3A_7, %scan3A_8 : i32
    %scan3A_10 = arith.constant 1 : i32
    %scan3A_11 = scf.for %scan3A_38 = %scan3A_7 to %scan3A_9 step %scan3A_10 iter_args(%scan3A_39 = %scan3A_6) -> (i32)  : i32 {
      %mul3A_40 = arith.constant 640 : i32
      %mul3A_41 = arith.muli %arg1, %mul3A_40 : i32
      %mul3A_42 = arith.constant 64 : i32
      %mul3A_43 = arith.muli %scan3A_38, %mul3A_42 : i32
      %add3A_44 = arith.addi %mul3A_41, %mul3A_43 : i32
      "tpu.region"() ({
        %run_scoped3A = tpu.sem_alloc : memref<!tpu.dma_semaphore, #tpu.memory_space<semaphore_mem>>
        %dma_start3A = arith.constant 0 : i32
        %dma_start3A_46 = tpu.memref_slice %arg10[%add3A_44, %dma_start3A] : memref<10240x128xf32, #tpu.memory_space<vmem_shared>> -> memref<64x128xf32, #tpu.memory_space<vmem_shared>>
        %dma_start3A_47 = arith.constant 0 : i32
        %dma_start3A_48 = tpu.memref_slice %arg10[%add3A_44, %dma_start3A_47] : memref<10240x128xf32, #tpu.memory_space<vmem_shared>> -> memref<64x128xf32, #tpu.memory_space<vmem_shared>>
        tpu.enqueue_dma source(%arg9 : memref<64x128xf32, #tpu.memory_space<vmem>>) target(%dma_start3A_48 : memref<64x128xf32, #tpu.memory_space<vmem_shared>>) target_semaphore(%run_scoped3A : memref<!tpu.dma_semaphore, #tpu.memory_space<semaphore_mem>>)
        %dma_wait3A = arith.constant 0 : i32
        %dma_wait3A_49 = tpu.memref_slice %arg10[%add3A_44, %dma_wait3A] : memref<10240x128xf32, #tpu.memory_space<vmem_shared>> -> memref<64x128xf32, #tpu.memory_space<vmem_shared>>
        %dma_wait3A_50 = arith.constant 0 : i32
        %dma_wait3A_51 = tpu.memref_slice %arg10[%add3A_44, %dma_wait3A_50] : memref<10240x128xf32, #tpu.memory_space<vmem_shared>> -> memref<64x128xf32, #tpu.memory_space<vmem_shared>>
        tpu.wait_dma2 semaphore(%run_scoped3A : memref<!tpu.dma_semaphore, #tpu.memory_space<semaphore_mem>>) src(%arg9 : memref<64x128xf32, #tpu.memory_space<vmem>>) dst(%dma_wait3A_51 : memref<64x128xf32, #tpu.memory_space<vmem_shared>>)
        tpu.yield
      }) : () -> ()
      %scan3A_45 = arith.constant 0 : i32
      scf.yield %scan3A_45 : i32
    }
    %scan3A_12 = arith.constant 10 : i32
    %barrier3A = arith.constant 0 : index
    tpu.barrier barrier_id(%barrier3A)
    %eq3A = arith.constant 0 : i32
    %eq3A_13 = arith.cmpi eq, %arg0, %eq3A : i32
    %jit3A = arith.constant 96 : i32
    %jit3A_14 = arith.constant 64 : i32
    %select_n3A = arith.select %eq3A_13, %jit3A, %jit3A_14 : i32
    %eq3A_15 = arith.constant 0 : i32
    %eq3A_16 = arith.cmpi eq, %arg0, %eq3A_15 : i32
    %mul3A = arith.constant 96 : i32
    %mul3A_17 = arith.muli %arg1, %mul3A : i32
    %mul3A_18 = arith.constant 64 : i32
    %mul3A_19 = arith.muli %arg1, %mul3A_18 : i32
    %add3A = arith.constant 1536 : i32
    %add3A_20 = arith.addi %add3A, %mul3A_19 : i32
    %select_n3A_21 = arith.select %eq3A_16, %mul3A_17, %add3A_20 : i32
    "tpu.region"() ({
      %run_scoped3A = tpu.sem_alloc : memref<!tpu.dma_semaphore, #tpu.memory_space<semaphore_mem>>
      %dma_start3A = arith.constant 0 : i32
      %dma_start3A_38 = tpu.memref_slice %arg3[%select_n3A_21, %dma_start3A] : memref<2592x128xi32, #tpu.memory_space<hbm>> -> memref<96x128xi32, #tpu.memory_space<hbm>>
      %dma_start3A_39 = arith.constant 0 : i32
      %dma_start3A_40 = tpu.memref_slice %arg3[%select_n3A_21, %dma_start3A_39] : memref<2592x128xi32, #tpu.memory_space<hbm>> -> memref<96x128xi32, #tpu.memory_space<hbm>>
      tpu.enqueue_dma source(%dma_start3A_40 : memref<96x128xi32, #tpu.memory_space<hbm>>) target(%arg6 : memref<96x128xi32, #tpu.memory_space<vmem>>) target_semaphore(%run_scoped3A : memref<!tpu.dma_semaphore, #tpu.memory_space<semaphore_mem>>)
      %dma_wait3A = arith.constant 0 : i32
      %dma_wait3A_41 = tpu.memref_slice %arg3[%select_n3A_21, %dma_wait3A] : memref<2592x128xi32, #tpu.memory_space<hbm>> -> memref<96x128xi32, #tpu.memory_space<hbm>>
      %dma_wait3A_42 = arith.constant 0 : i32
      %dma_wait3A_43 = tpu.memref_slice %arg3[%select_n3A_21, %dma_wait3A_42] : memref<2592x128xi32, #tpu.memory_space<hbm>> -> memref<96x128xi32, #tpu.memory_space<hbm>>
      tpu.wait_dma2 semaphore(%run_scoped3A : memref<!tpu.dma_semaphore, #tpu.memory_space<semaphore_mem>>) src(%dma_wait3A_43 : memref<96x128xi32, #tpu.memory_space<hbm>>) dst(%arg6 : memref<96x128xi32, #tpu.memory_space<vmem>>)
      tpu.yield
    }) : () -> ()
    "tpu.region"() ({
      %run_scoped3A = tpu.sem_alloc : memref<!tpu.dma_semaphore, #tpu.memory_space<semaphore_mem>>
      %dma_start3A = arith.constant 0 : i32
      %dma_start3A_38 = tpu.memref_slice %arg4[%select_n3A_21, %dma_start3A] : memref<2592x128xi32, #tpu.memory_space<hbm>> -> memref<96x128xi32, #tpu.memory_space<hbm>>
      %dma_start3A_39 = arith.constant 0 : i32
      %dma_start3A_40 = tpu.memref_slice %arg4[%select_n3A_21, %dma_start3A_39] : memref<2592x128xi32, #tpu.memory_space<hbm>> -> memref<96x128xi32, #tpu.memory_space<hbm>>
      tpu.enqueue_dma source(%dma_start3A_40 : memref<96x128xi32, #tpu.memory_space<hbm>>) target(%arg7 : memref<96x128xi32, #tpu.memory_space<vmem>>) target_semaphore(%run_scoped3A : memref<!tpu.dma_semaphore, #tpu.memory_space<semaphore_mem>>)
      %dma_wait3A = arith.constant 0 : i32
      %dma_wait3A_41 = tpu.memref_slice %arg4[%select_n3A_21, %dma_wait3A] : memref<2592x128xi32, #tpu.memory_space<hbm>> -> memref<96x128xi32, #tpu.memory_space<hbm>>
      %dma_wait3A_42 = arith.constant 0 : i32
      %dma_wait3A_43 = tpu.memref_slice %arg4[%select_n3A_21, %dma_wait3A_42] : memref<2592x128xi32, #tpu.memory_space<hbm>> -> memref<96x128xi32, #tpu.memory_space<hbm>>
      tpu.wait_dma2 semaphore(%run_scoped3A : memref<!tpu.dma_semaphore, #tpu.memory_space<semaphore_mem>>) src(%dma_wait3A_43 : memref<96x128xi32, #tpu.memory_space<hbm>>) dst(%arg7 : memref<96x128xi32, #tpu.memory_space<vmem>>)
      tpu.yield
    }) : () -> ()
    %while3A = arith.constant 0 : i32
    %while3A_22 = arith.constant 0 : i32
    %while3A_23 = arith.subi %select_n3A, %while3A : i32
    %while3A_24 = arith.addi %while3A, %while3A_23 : i32
    %while3A_25 = arith.constant 1 : i32
    %while3A_26 = arith.divsi %while3A_23, %while3A_25 : i32
    %while3A_27 = arith.muli %while3A_26, %while3A_25 : i32
    %while3A_28 = arith.addi %while3A, %while3A_27 : i32
    %while3A_29 = arith.constant 1 : i32
    %while3A_30 = scf.for %while3A_38 = %while3A to %while3A_28 step %while3A_29 iter_args(%while3A_39 = %while3A_22) -> (i32)  : i32 {
      %dma_start3A = arith.constant 0 : i32
      %dma_start3A_40 = tpu.memref_slice %arg6[%while3A_38, %dma_start3A] : memref<96x128xi32, #tpu.memory_space<vmem>> -> memref<1x128xi32, #tpu.memory_space<vmem>>
      %dma_start3A_41 = tpu.memref_squeeze %dma_start3A_40 : memref<1x128xi32, #tpu.memory_space<vmem>> -> memref<128xi32, #tpu.memory_space<vmem>>
      %dma_start3A_42 = arith.constant 0 : i32
      %dma_start3A_43 = arith.constant 0 : i32
      %dma_start3A_44 = tpu.memref_slice %arg2[%dma_start3A_42, %dma_start3A_43] : memref<10240x128xf32, #tpu.memory_space<hbm>> -> memref<10240x128xf32, #tpu.memory_space<hbm>>
      tpu.enqueue_indirect_dma source(%dma_start3A_44 : memref<10240x128xf32, #tpu.memory_space<hbm>>) target(%arg8 : memref<128x128xf32, #tpu.memory_space<vmem>>) offsets(%dma_start3A_41 : memref<128xi32, #tpu.memory_space<vmem>>) semaphore(%arg11 : memref<!tpu.dma_semaphore, #tpu.memory_space<semaphore_mem>>)
      %dma_wait3A = arith.constant 0 : i32
      %dma_wait3A_45 = tpu.memref_slice %arg6[%while3A_38, %dma_wait3A] : memref<96x128xi32, #tpu.memory_space<vmem>> -> memref<1x128xi32, #tpu.memory_space<vmem>>
      %dma_wait3A_46 = tpu.memref_squeeze %dma_wait3A_45 : memref<1x128xi32, #tpu.memory_space<vmem>> -> memref<128xi32, #tpu.memory_space<vmem>>
      %dma_wait3A_47 = arith.constant 0 : i32
      %dma_wait3A_48 = arith.constant 0 : i32
      %dma_wait3A_49 = tpu.memref_slice %arg2[%dma_wait3A_47, %dma_wait3A_48] : memref<10240x128xf32, #tpu.memory_space<hbm>> -> memref<10240x128xf32, #tpu.memory_space<hbm>>
      tpu.wait_indirect_dma semaphore(%arg11 : memref<!tpu.dma_semaphore, #tpu.memory_space<semaphore_mem>>) src(%dma_wait3A_49 : memref<10240x128xf32, #tpu.memory_space<hbm>>) dst(%arg8 : memref<128x128xf32, #tpu.memory_space<vmem>>)
      "tpu.region"() ({
        %run_scoped3A = tpu.sem_alloc : memref<!tpu.dma_semaphore, #tpu.memory_space<semaphore_mem>>
        %dma_start3A_51 = arith.constant 0 : i32
        %dma_start3A_52 = tpu.memref_slice %arg7[%while3A_38, %dma_start3A_51] : memref<96x128xi32, #tpu.memory_space<vmem>> -> memref<1x128xi32, #tpu.memory_space<vmem>>
        %dma_start3A_53 = tpu.memref_squeeze %dma_start3A_52 : memref<1x128xi32, #tpu.memory_space<vmem>> -> memref<128xi32, #tpu.memory_space<vmem>>
        %dma_start3A_54 = arith.constant 0 : i32
        %dma_start3A_55 = arith.constant 0 : i32
        %dma_start3A_56 = tpu.memref_slice %arg10[%dma_start3A_54, %dma_start3A_55] : memref<10240x128xf32, #tpu.memory_space<vmem_shared>> -> memref<10240x128xf32, #tpu.memory_space<vmem_shared>>
        tpu.enqueue_indirect_dma source(%arg8 : memref<128x128xf32, #tpu.memory_space<vmem>>) target(%dma_start3A_56 : memref<10240x128xf32, #tpu.memory_space<vmem_shared>>) offsets(%dma_start3A_53 : memref<128xi32, #tpu.memory_space<vmem>>) semaphore(%run_scoped3A : memref<!tpu.dma_semaphore, #tpu.memory_space<semaphore_mem>>) {add = true}
        %dma_wait3A_57 = arith.constant 0 : i32
        %dma_wait3A_58 = tpu.memref_slice %arg7[%while3A_38, %dma_wait3A_57] : memref<96x128xi32, #tpu.memory_space<vmem>> -> memref<1x128xi32, #tpu.memory_space<vmem>>
        %dma_wait3A_59 = tpu.memref_squeeze %dma_wait3A_58 : memref<1x128xi32, #tpu.memory_space<vmem>> -> memref<128xi32, #tpu.memory_space<vmem>>
        %dma_wait3A_60 = arith.constant 0 : i32
        %dma_wait3A_61 = arith.constant 0 : i32
        %dma_wait3A_62 = tpu.memref_slice %arg10[%dma_wait3A_60, %dma_wait3A_61] : memref<10240x128xf32, #tpu.memory_space<vmem_shared>> -> memref<10240x128xf32, #tpu.memory_space<vmem_shared>>
        tpu.wait_indirect_dma semaphore(%run_scoped3A : memref<!tpu.dma_semaphore, #tpu.memory_space<semaphore_mem>>) src(%arg8 : memref<128x128xf32, #tpu.memory_space<vmem>>) dst(%dma_wait3A_62 : memref<10240x128xf32, #tpu.memory_space<vmem_shared>>)
        tpu.yield
      }) : () -> ()
      %while3A_50 = arith.constant 0 : i32
      scf.yield %while3A_50 : i32
    }
    %while3A_31 = arith.constant 1 : i32
    %while3A_32 = scf.for %while3A_38 = %while3A_28 to %while3A_24 step %while3A_31 iter_args(%while3A_39 = %while3A_30) -> (i32)  : i32 {
      %dma_start3A = arith.constant 0 : i32
      %dma_start3A_40 = tpu.memref_slice %arg6[%while3A_38, %dma_start3A] : memref<96x128xi32, #tpu.memory_space<vmem>> -> memref<1x128xi32, #tpu.memory_space<vmem>>
      %dma_start3A_41 = tpu.memref_squeeze %dma_start3A_40 : memref<1x128xi32, #tpu.memory_space<vmem>> -> memref<128xi32, #tpu.memory_space<vmem>>
      %dma_start3A_42 = arith.constant 0 : i32
      %dma_start3A_43 = arith.constant 0 : i32
      %dma_start3A_44 = tpu.memref_slice %arg2[%dma_start3A_42, %dma_start3A_43] : memref<10240x128xf32, #tpu.memory_space<hbm>> -> memref<10240x128xf32, #tpu.memory_space<hbm>>
      tpu.enqueue_indirect_dma source(%dma_start3A_44 : memref<10240x128xf32, #tpu.memory_space<hbm>>) target(%arg8 : memref<128x128xf32, #tpu.memory_space<vmem>>) offsets(%dma_start3A_41 : memref<128xi32, #tpu.memory_space<vmem>>) semaphore(%arg11 : memref<!tpu.dma_semaphore, #tpu.memory_space<semaphore_mem>>)
      %dma_wait3A = arith.constant 0 : i32
      %dma_wait3A_45 = tpu.memref_slice %arg6[%while3A_38, %dma_wait3A] : memref<96x128xi32, #tpu.memory_space<vmem>> -> memref<1x128xi32, #tpu.memory_space<vmem>>
      %dma_wait3A_46 = tpu.memref_squeeze %dma_wait3A_45 : memref<1x128xi32, #tpu.memory_space<vmem>> -> memref<128xi32, #tpu.memory_space<vmem>>
      %dma_wait3A_47 = arith.constant 0 : i32
      %dma_wait3A_48 = arith.constant 0 : i32
      %dma_wait3A_49 = tpu.memref_slice %arg2[%dma_wait3A_47, %dma_wait3A_48] : memref<10240x128xf32, #tpu.memory_space<hbm>> -> memref<10240x128xf32, #tpu.memory_space<hbm>>
      tpu.wait_indirect_dma semaphore(%arg11 : memref<!tpu.dma_semaphore, #tpu.memory_space<semaphore_mem>>) src(%dma_wait3A_49 : memref<10240x128xf32, #tpu.memory_space<hbm>>) dst(%arg8 : memref<128x128xf32, #tpu.memory_space<vmem>>)
      "tpu.region"() ({
        %run_scoped3A = tpu.sem_alloc : memref<!tpu.dma_semaphore, #tpu.memory_space<semaphore_mem>>
        %dma_start3A_51 = arith.constant 0 : i32
        %dma_start3A_52 = tpu.memref_slice %arg7[%while3A_38, %dma_start3A_51] : memref<96x128xi32, #tpu.memory_space<vmem>> -> memref<1x128xi32, #tpu.memory_space<vmem>>
        %dma_start3A_53 = tpu.memref_squeeze %dma_start3A_52 : memref<1x128xi32, #tpu.memory_space<vmem>> -> memref<128xi32, #tpu.memory_space<vmem>>
        %dma_start3A_54 = arith.constant 0 : i32
        %dma_start3A_55 = arith.constant 0 : i32
        %dma_start3A_56 = tpu.memref_slice %arg10[%dma_start3A_54, %dma_start3A_55] : memref<10240x128xf32, #tpu.memory_space<vmem_shared>> -> memref<10240x128xf32, #tpu.memory_space<vmem_shared>>
        tpu.enqueue_indirect_dma source(%arg8 : memref<128x128xf32, #tpu.memory_space<vmem>>) target(%dma_start3A_56 : memref<10240x128xf32, #tpu.memory_space<vmem_shared>>) offsets(%dma_start3A_53 : memref<128xi32, #tpu.memory_space<vmem>>) semaphore(%run_scoped3A : memref<!tpu.dma_semaphore, #tpu.memory_space<semaphore_mem>>) {add = true}
        %dma_wait3A_57 = arith.constant 0 : i32
        %dma_wait3A_58 = tpu.memref_slice %arg7[%while3A_38, %dma_wait3A_57] : memref<96x128xi32, #tpu.memory_space<vmem>> -> memref<1x128xi32, #tpu.memory_space<vmem>>
        %dma_wait3A_59 = tpu.memref_squeeze %dma_wait3A_58 : memref<1x128xi32, #tpu.memory_space<vmem>> -> memref<128xi32, #tpu.memory_space<vmem>>
        %dma_wait3A_60 = arith.constant 0 : i32
        %dma_wait3A_61 = arith.constant 0 : i32
        %dma_wait3A_62 = tpu.memref_slice %arg10[%dma_wait3A_60, %dma_wait3A_61] : memref<10240x128xf32, #tpu.memory_space<vmem_shared>> -> memref<10240x128xf32, #tpu.memory_space<vmem_shared>>
        tpu.wait_indirect_dma semaphore(%run_scoped3A : memref<!tpu.dma_semaphore, #tpu.memory_space<semaphore_mem>>) src(%arg8 : memref<128x128xf32, #tpu.memory_space<vmem>>) dst(%dma_wait3A_62 : memref<10240x128xf32, #tpu.memory_space<vmem_shared>>)
        tpu.yield
      }) : () -> ()
      %while3A_50 = arith.constant 0 : i32
      scf.yield %while3A_50 : i32
    }
    %barrier3A_33 = arith.constant 0 : index
    tpu.barrier barrier_id(%barrier3A_33)
    %mul3A_34 = arith.constant 640 : i32
    %mul3A_35 = arith.muli %arg1, %mul3A_34 : i32
    %mul3A_36 = arith.constant 640 : i32
    %mul3A_37 = arith.muli %arg1, %mul3A_36 : i32
    "tpu.region"() ({
      %run_scoped3A = tpu.sem_alloc : memref<!tpu.dma_semaphore, #tpu.memory_space<semaphore_mem>>
      %dma_start3A = arith.constant 0 : i32
      %dma_start3A_38 = tpu.memref_slice %arg5[%arg0, %mul3A_37, %dma_start3A] : memref<2x10240x128xf32, #tpu.memory_space<hbm>> -> memref<1x640x128xf32, #tpu.memory_space<hbm>>
      %dma_start3A_39 = tpu.memref_squeeze %dma_start3A_38 : memref<1x640x128xf32, #tpu.memory_space<hbm>> -> memref<640x128xf32, #tpu.memory_space<hbm>>
      %dma_start3A_40 = arith.constant 0 : i32
      %dma_start3A_41 = tpu.memref_slice %arg10[%mul3A_35, %dma_start3A_40] : memref<10240x128xf32, #tpu.memory_space<vmem_shared>> -> memref<640x128xf32, #tpu.memory_space<vmem_shared>>
      tpu.enqueue_dma source(%dma_start3A_41 : memref<640x128xf32, #tpu.memory_space<vmem_shared>>) target(%dma_start3A_39 : memref<640x128xf32, #tpu.memory_space<hbm>>) target_semaphore(%run_scoped3A : memref<!tpu.dma_semaphore, #tpu.memory_space<semaphore_mem>>)
      %dma_wait3A = arith.constant 0 : i32
      %dma_wait3A_42 = tpu.memref_slice %arg5[%arg0, %mul3A_37, %dma_wait3A] : memref<2x10240x128xf32, #tpu.memory_space<hbm>> -> memref<1x640x128xf32, #tpu.memory_space<hbm>>
      %dma_wait3A_43 = tpu.memref_squeeze %dma_wait3A_42 : memref<1x640x128xf32, #tpu.memory_space<hbm>> -> memref<640x128xf32, #tpu.memory_space<hbm>>
      %dma_wait3A_44 = arith.constant 0 : i32
      %dma_wait3A_45 = tpu.memref_slice %arg10[%mul3A_35, %dma_wait3A_44] : memref<10240x128xf32, #tpu.memory_space<vmem_shared>> -> memref<640x128xf32, #tpu.memory_space<vmem_shared>>
      tpu.wait_dma2 semaphore(%run_scoped3A : memref<!tpu.dma_semaphore, #tpu.memory_space<semaphore_mem>>) src(%dma_wait3A_45 : memref<640x128xf32, #tpu.memory_space<vmem_shared>>) dst(%dma_wait3A_43 : memref<640x128xf32, #tpu.memory_space<hbm>>)
      tpu.yield
    }) : () -> ()
    return
  }
}

module attributes {stable_mosaic.version = 14 : i64} {
  func.func @_tc_out_body(%arg0: i32, %arg1: memref<1280x128xf32, #tpu.memory_space<vmem>>, %arg2: memref<1280x128xf32, #tpu.memory_space<vmem>>, %arg3: memref<1280x1xf32, #tpu.memory_space<vmem>>, %arg4: memref<1x128xf32, #tpu.memory_space<vmem>>, %arg5: memref<128x1xf32, #tpu.memory_space<vmem>>, %arg6: memref<1280x128xf32, #tpu.memory_space<vmem>>, %arg7: memref<1280x1xf32, #tpu.memory_space<vmem>>) attributes {dimension_semantics = [#tpu.dimension_semantics<arbitrary>], iteration_bounds = array<i64: 8>, scalar_prefetch = 0 : i64, scratch_operands = 0 : i64, tpu.core_type = #tpu.core_type<tc>, window_params = [{transform_indices = @transform_0, window_bounds = array<i64: 1280, 128>}, {transform_indices = @transform_1, window_bounds = array<i64: 1280, 128>}, {transform_indices = @transform_2, window_bounds = array<i64: 1280, 1>}, {pipeline_mode = #tpu.pipeline_mode<synchronous>, transform_indices = @transform_3, window_bounds = array<i64: 1, 128>}, {pipeline_mode = #tpu.pipeline_mode<synchronous>, transform_indices = @transform_4, window_bounds = array<i64: 128, 1>}, {transform_indices = @transform_5, window_bounds = array<i64: 1280, 128>}, {transform_indices = @transform_6, window_bounds = array<i64: 1280, 1>}]} {
    %get3A = arith.constant 0 : index
    %get3A_0 = arith.constant 0 : index
    %get3A_1 = vector.load %arg3[%get3A, %get3A_0] : memref<1280x1xf32, #tpu.memory_space<vmem>>, vector<1280x1xf32>
    %get3A_2 = arith.constant 0 : index
    %get3A_3 = arith.constant 0 : index
    %get3A_4 = vector.load %arg1[%get3A_2, %get3A_3] : memref<1280x128xf32, #tpu.memory_space<vmem>>, vector<1280x128xf32>
    %mul3A = vector.broadcast %get3A_1 : vector<1280x1xf32> to vector<1280x128xf32>
    %mul3A_5 = arith.mulf %get3A_4, %mul3A : vector<1280x128xf32>
    %get3A_6 = arith.constant 0 : index
    %get3A_7 = arith.constant 0 : index
    %get3A_8 = vector.load %arg2[%get3A_6, %get3A_7] : memref<1280x128xf32, #tpu.memory_space<vmem>>, vector<1280x128xf32>
    %mul3A_9 = vector.broadcast %get3A_1 : vector<1280x1xf32> to vector<1280x128xf32>
    %mul3A_10 = arith.mulf %get3A_8, %mul3A_9 : vector<1280x128xf32>
    %mul3A_11 = vector.broadcast %get3A_1 : vector<1280x1xf32> to vector<1280x128xf32>
    %mul3A_12 = arith.mulf %mul3A_10, %mul3A_11 : vector<1280x128xf32>
    %add3A = arith.addf %mul3A_5, %mul3A_12 : vector<1280x128xf32>
    %get3A_13 = arith.constant 0 : index
    %get3A_14 = arith.constant 0 : index
    %get3A_15 = vector.load %arg4[%get3A_13, %get3A_14] : memref<1x128xf32, #tpu.memory_space<vmem>>, vector<1x128xf32>
    %add3A_16 = vector.broadcast %get3A_15 : vector<1x128xf32> to vector<1280x128xf32>
    %add3A_17 = arith.addf %add3A, %add3A_16 : vector<1280x128xf32>
    %max3A = arith.constant 0.000000e+00 : f32
    %max3A_18 = vector.broadcast %max3A : f32 to vector<1280x128xf32>
    %max3A_19 = arith.maximumf %add3A_17, %max3A_18 : vector<1280x128xf32>
    %get3A_20 = arith.constant 0 : index
    %get3A_21 = arith.constant 0 : index
    %get3A_22 = vector.load %arg5[%get3A_20, %get3A_21] : memref<128x1xf32, #tpu.memory_space<vmem>>, vector<128x1xf32>
    %mul3A_23 = arith.mulf %get3A_22, %get3A_22 : vector<128x1xf32>
    %reduce_sum3A = vector.shape_cast %mul3A_23 : vector<128x1xf32> to vector<1x128x1xf32>
    %reduce_sum3A_24 = arith.constant dense<0.000000e+00> : vector<1xf32>
    %reduce_sum3A_25 = vector.multi_reduction <add>, %reduce_sum3A, %reduce_sum3A_24 [1, 2] : vector<1x128x1xf32> to vector<1xf32>
    %reduce_sum3A_26 = vector.shape_cast %reduce_sum3A_25 : vector<1xf32> to vector<1x1x1xf32>
    %reduce_sum3A_27 = vector.extract %reduce_sum3A_26[0, 0, 0] : f32 from vector<1x1x1xf32>
    %sqrt3A = math.sqrt %reduce_sum3A_27 : f32
    %add3A_28 = arith.constant 1.000000e-16 : f32
    %add3A_29 = arith.addf %sqrt3A, %add3A_28 : f32
    %dot_general3A = arith.constant dense<0.000000e+00> : vector<1280x1xf32>
    %dot_general3A_30 = tpu.matmul %max3A_19, %get3A_22, %dot_general3A {dimension_numbers = #tpu.dot_dimension_numbers<[1], [0], [0], [1], [0, 0, 1, 1], [], []>, transpose_lhs_hint = false} : vector<1280x128xf32>, vector<128x1xf32>, vector<1280x1xf32> -> vector<1280x1xf32>
    %div3A = vector.broadcast %add3A_29 : f32 to vector<1280x1xf32>
    %div3A_31 = arith.divf %dot_general3A_30, %div3A : vector<1280x1xf32>
    %swap3A = arith.constant 0 : index
    %swap3A_32 = arith.constant 0 : index
    %swap3A_33 = vector.load %arg7[%swap3A, %swap3A_32] : memref<1280x1xf32, #tpu.memory_space<vmem>>, vector<1280x1xf32>
    tpu.vector_store %arg7[%swap3A, %swap3A_32], %div3A_31 {strides = array<i32>} : memref<1280x1xf32, #tpu.memory_space<vmem>>, vector<1280x1xf32>,
    %tanh3A = math.tanh %div3A_31 : vector<1280x1xf32>
    %mul3A_34 = vector.broadcast %tanh3A : vector<1280x1xf32> to vector<1280x128xf32>
    %mul3A_35 = arith.mulf %max3A_19, %mul3A_34 : vector<1280x128xf32>
    %swap3A_36 = arith.constant 0 : index
    %swap3A_37 = arith.constant 0 : index
    %swap3A_38 = vector.load %arg6[%swap3A_36, %swap3A_37] : memref<1280x128xf32, #tpu.memory_space<vmem>>, vector<1280x128xf32>
    tpu.vector_store %arg6[%swap3A_36, %swap3A_37], %mul3A_35 {strides = array<i32>} : memref<1280x128xf32, #tpu.memory_space<vmem>>, vector<1280x128xf32>,
    return
  }
  func.func @transform_0(%arg0: i32) -> (i32, i32) {
    %c0_i32 = arith.constant 0 : i32
    %c0_i32_0 = arith.constant 0 : i32
    return %arg0, %c0_i32 : i32, i32
  }
  func.func @transform_1(%arg0: i32) -> (i32, i32) {
    %c0_i32 = arith.constant 0 : i32
    %c0_i32_0 = arith.constant 0 : i32
    return %arg0, %c0_i32 : i32, i32
  }
  func.func @transform_2(%arg0: i32) -> (i32, i32) {
    %c0_i32 = arith.constant 0 : i32
    %c0_i32_0 = arith.constant 0 : i32
    return %arg0, %c0_i32 : i32, i32
  }
  func.func @transform_3(%arg0: i32) -> (i32, i32) {
    %c0_i32 = arith.constant 0 : i32
    %c0_i32_0 = arith.constant 0 : i32
    %c0_i32_1 = arith.constant 0 : i32
    return %c0_i32, %c0_i32_0 : i32, i32
  }
  func.func @transform_4(%arg0: i32) -> (i32, i32) {
    %c0_i32 = arith.constant 0 : i32
    %c0_i32_0 = arith.constant 0 : i32
    %c0_i32_1 = arith.constant 0 : i32
    return %c0_i32, %c0_i32_0 : i32, i32
  }
  func.func @transform_5(%arg0: i32) -> (i32, i32) {
    %c0_i32 = arith.constant 0 : i32
    %c0_i32_0 = arith.constant 0 : i32
    return %arg0, %c0_i32 : i32, i32
  }
  func.func @transform_6(%arg0: i32) -> (i32, i32) {
    %c0_i32 = arith.constant 0 : i32
    %c0_i32_0 = arith.constant 0 : i32
    return %arg0, %c0_i32 : i32, i32
  }
}

module attributes {stable_mosaic.version = 14 : i64} {
  func.func @_tc_h_body(%arg0: i32, %arg1: memref<1280x128xf32, #tpu.memory_space<vmem>>, %arg2: memref<128x128xf32, #tpu.memory_space<vmem>>, %arg3: memref<2x1280x1xf32, #tpu.memory_space<vmem>>, %arg4: memref<1280x128xf32, #tpu.memory_space<vmem>>, %arg5: memref<1280x128xf32, #tpu.memory_space<vmem>>, %arg6: memref<1280x1xf32, #tpu.memory_space<vmem>>) attributes {dimension_semantics = [#tpu.dimension_semantics<arbitrary>], iteration_bounds = array<i64: 8>, scalar_prefetch = 0 : i64, scratch_operands = 0 : i64, tpu.core_type = #tpu.core_type<tc>, window_params = [{transform_indices = @transform_0, window_bounds = array<i64: 1280, 128>}, {pipeline_mode = #tpu.pipeline_mode<synchronous>, transform_indices = @transform_1, window_bounds = array<i64: 128, 128>}, {transform_indices = @transform_2, window_bounds = array<i64: 2, 1280, 1>}, {transform_indices = @transform_3, window_bounds = array<i64: 1280, 128>}, {transform_indices = @transform_4, window_bounds = array<i64: 1280, 128>}, {transform_indices = @transform_5, window_bounds = array<i64: 1280, 1>}]} {
    %get3A = arith.constant 0 : index
    %get3A_0 = arith.constant 0 : index
    %get3A_1 = arith.constant 0 : index
    %get3A_2 = vector.load %arg3[%get3A, %get3A_0, %get3A_1] : memref<2x1280x1xf32, #tpu.memory_space<vmem>>, vector<1x1280x1xf32>
    %get3A_3 = vector.shape_cast %get3A_2 : vector<1x1280x1xf32> to vector<1280x1xf32>
    %get3A_4 = arith.constant 1 : index
    %get3A_5 = arith.constant 0 : index
    %get3A_6 = arith.constant 0 : index
    %get3A_7 = vector.load %arg3[%get3A_4, %get3A_5, %get3A_6] : memref<2x1280x1xf32, #tpu.memory_space<vmem>>, vector<1x1280x1xf32>
    %get3A_8 = vector.shape_cast %get3A_7 : vector<1x1280x1xf32> to vector<1280x1xf32>
    %add3A = arith.addf %get3A_3, %get3A_8 : vector<1280x1xf32>
    %add3A_9 = arith.constant 1.000000e+00 : f32
    %add3A_10 = vector.broadcast %add3A_9 : f32 to vector<1280x1xf32>
    %add3A_11 = arith.addf %add3A, %add3A_10 : vector<1280x1xf32>
    %rsqrt3A = math.rsqrt %add3A_11 : vector<1280x1xf32>
    %get3A_12 = arith.constant 0 : index
    %get3A_13 = arith.constant 0 : index
    %get3A_14 = vector.load %arg1[%get3A_12, %get3A_13] : memref<1280x128xf32, #tpu.memory_space<vmem>>, vector<1280x128xf32>
    %get3A_15 = arith.constant 0 : index
    %get3A_16 = arith.constant 0 : index
    %get3A_17 = vector.load %arg2[%get3A_15, %get3A_16] : memref<128x128xf32, #tpu.memory_space<vmem>>, vector<128x128xf32>
    %dot_general3A = arith.constant dense<0.000000e+00> : vector<1280x128xf32>
    %dot_general3A_18 = tpu.matmul %get3A_14, %get3A_17, %dot_general3A {dimension_numbers = #tpu.dot_dimension_numbers<[1], [0], [0], [1], [0, 0, 1, 1], [], []>, transpose_lhs_hint = false} : vector<1280x128xf32>, vector<128x128xf32>, vector<1280x128xf32> -> vector<1280x128xf32>
    %swap3A = arith.constant 0 : index
    %swap3A_19 = arith.constant 0 : index
    %swap3A_20 = vector.load %arg4[%swap3A, %swap3A_19] : memref<1280x128xf32, #tpu.memory_space<vmem>>, vector<1280x128xf32>
    tpu.vector_store %arg4[%swap3A, %swap3A_19], %dot_general3A_18 {strides = array<i32>} : memref<1280x128xf32, #tpu.memory_space<vmem>>, vector<1280x128xf32>,
    %mul3A = vector.broadcast %rsqrt3A : vector<1280x1xf32> to vector<1280x128xf32>
    %mul3A_21 = arith.mulf %dot_general3A_18, %mul3A : vector<1280x128xf32>
    %swap3A_22 = arith.constant 0 : index
    %swap3A_23 = arith.constant 0 : index
    %swap3A_24 = vector.load %arg5[%swap3A_22, %swap3A_23] : memref<1280x128xf32, #tpu.memory_space<vmem>>, vector<1280x128xf32>
    tpu.vector_store %arg5[%swap3A_22, %swap3A_23], %mul3A_21 {strides = array<i32>} : memref<1280x128xf32, #tpu.memory_space<vmem>>, vector<1280x128xf32>,
    %swap3A_25 = arith.constant 0 : index
    %swap3A_26 = arith.constant 0 : index
    %swap3A_27 = vector.load %arg6[%swap3A_25, %swap3A_26] : memref<1280x1xf32, #tpu.memory_space<vmem>>, vector<1280x1xf32>
    tpu.vector_store %arg6[%swap3A_25, %swap3A_26], %rsqrt3A {strides = array<i32>} : memref<1280x1xf32, #tpu.memory_space<vmem>>, vector<1280x1xf32>,
    return
  }
  func.func @transform_0(%arg0: i32) -> (i32, i32) {
    %c0_i32 = arith.constant 0 : i32
    %c0_i32_0 = arith.constant 0 : i32
    return %arg0, %c0_i32 : i32, i32
  }
  func.func @transform_1(%arg0: i32) -> (i32, i32) {
    %c0_i32 = arith.constant 0 : i32
    %c0_i32_0 = arith.constant 0 : i32
    %c0_i32_1 = arith.constant 0 : i32
    return %c0_i32, %c0_i32_0 : i32, i32
  }
  func.func @transform_2(%arg0: i32) -> (i32, i32, i32) {
    %c0_i32 = arith.constant 0 : i32
    %c0_i32_0 = arith.constant 0 : i32
    %c0_i32_1 = arith.constant 0 : i32
    return %c0_i32, %arg0, %c0_i32_0 : i32, i32, i32
  }
  func.func @transform_3(%arg0: i32) -> (i32, i32) {
    %c0_i32 = arith.constant 0 : i32
    %c0_i32_0 = arith.constant 0 : i32
    return %arg0, %c0_i32 : i32, i32
  }
  func.func @transform_4(%arg0: i32) -> (i32, i32) {
    %c0_i32 = arith.constant 0 : i32
    %c0_i32_0 = arith.constant 0 : i32
    return %arg0, %c0_i32 : i32, i32
  }
  func.func @transform_5(%arg0: i32) -> (i32, i32) {
    %c0_i32 = arith.constant 0 : i32
    %c0_i32_0 = arith.constant 0 : i32
    return %arg0, %c0_i32 : i32, i32
  }
}

module attributes {stable_mosaic.version = 14 : i64} {
  func.func @_tc_topk_body(%arg0: memref<80x128xf32, #tpu.memory_space<vmem>>, %arg1: memref<80x128xi32, #tpu.memory_space<vmem>>, %arg2: memref<80x128xi32, #tpu.memory_space<vmem>>) attributes {dimension_semantics = [], scalar_prefetch = 0 : i64, scratch_operands = 0 : i64, tpu.core_type = #tpu.core_type<tc>} {
    %get3A = arith.constant 0 : index
    %get3A_0 = arith.constant 0 : index
    %get3A_1 = vector.load %arg0[%get3A, %get3A_0] : memref<80x128xf32, #tpu.memory_space<vmem>>, vector<80x128xf32>
    %bitcast_convert_type3A = tpu.bitcast %get3A_1 : vector<80x128xf32> -> vector<80x128xi32>
    %ge3A = arith.constant 0 : i32
    %ge3A_2 = vector.broadcast %ge3A : i32 to vector<80x128xi32>
    %ge3A_3 = arith.cmpi sge, %bitcast_convert_type3A, %ge3A_2 : vector<80x128xi32>
    %xor3A = arith.constant 2147483647 : i32
    %xor3A_4 = vector.broadcast %xor3A : i32 to vector<80x128xi32>
    %xor3A_5 = arith.xori %bitcast_convert_type3A, %xor3A_4 : vector<80x128xi32>
    %select_n3A = arith.select %ge3A_3, %bitcast_convert_type3A, %xor3A_5 : vector<80x128xi1>, vector<80x128xi32>
    %get3A_6 = arith.constant 0 : index
    %get3A_7 = arith.constant 0 : index
    %get3A_8 = vector.load %arg1[%get3A_6, %get3A_7] : memref<80x128xi32, #tpu.memory_space<vmem>>, vector<80x128xi32>
    %gt3A = arith.constant 0 : i32
    %gt3A_9 = vector.broadcast %gt3A : i32 to vector<80x128xi32>
    %gt3A_10 = arith.cmpi sgt, %get3A_8, %gt3A_9 : vector<80x128xi32>
    %jit3A = arith.constant -2147483648 : i32
    %broadcast_in_dim3A = vector.broadcast %jit3A : i32 to vector<80x128xi32>
    %select_n3A_11 = arith.select %gt3A_10, %select_n3A, %broadcast_in_dim3A : vector<80x128xi1>, vector<80x128xi32>
    %ge3A_12 = arith.constant 0 : i32
    %ge3A_13 = vector.broadcast %ge3A_12 : i32 to vector<80x128xi32>
    %ge3A_14 = arith.cmpi sge, %select_n3A_11, %ge3A_13 : vector<80x128xi32>
    %convert_element_type3A = arith.extui %ge3A_14 : vector<80x128xi1> to vector<80x128xi32>
    %reduce_sum3A = vector.shape_cast %convert_element_type3A : vector<80x128xi32> to vector<1x80x128xi32>
    %reduce_sum3A_15 = arith.constant dense<0> : vector<1xi32>
    %reduce_sum3A_16 = vector.multi_reduction <add>, %reduce_sum3A, %reduce_sum3A_15 [1, 2] : vector<1x80x128xi32> to vector<1xi32>
    %reduce_sum3A_17 = vector.shape_cast %reduce_sum3A_16 : vector<1xi32> to vector<1x1x1xi32>
    %reduce_sum3A_18 = vector.extract %reduce_sum3A_17[0, 0, 0] : i32 from vector<1x1x1xi32>
    %ge3A_19 = arith.constant 8000 : i32
    %ge3A_20 = arith.cmpi sge, %reduce_sum3A_18, %ge3A_19 : i32
    %jit3A_21 = arith.constant 0 : i32
    %jit3A_22 = arith.constant -2147483648 : i32
    %select_n3A_23 = arith.select %ge3A_20, %jit3A_21, %jit3A_22 : i32
    %scan3A = arith.constant 0 : i32
    %scan3A_24 = arith.constant 31 : i32
    %scan3A_25 = arith.addi %scan3A, %scan3A_24 : i32
    %scan3A_26 = arith.constant 1 : i32
    %scan3A_27 = scf.for %scan3A_63 = %scan3A to %scan3A_25 step %scan3A_26 iter_args(%scan3A_64 = %select_n3A_23) -> (i32)  : i32 {
      %sub3A_65 = arith.constant 30 : i32
      %sub3A_66 = arith.subi %sub3A_65, %scan3A_63 : i32
      %shift_left3A = arith.constant 1 : i32
      %shift_left3A_67 = arith.shli %shift_left3A, %sub3A_66 : i32
      %or3A_68 = arith.ori %scan3A_64, %shift_left3A_67 : i32
      %ge3A_69 = vector.broadcast %or3A_68 : i32 to vector<80x128xi32>
      %ge3A_70 = arith.cmpi sge, %select_n3A_11, %ge3A_69 : vector<80x128xi32>
      %convert_element_type3A_71 = arith.extui %ge3A_70 : vector<80x128xi1> to vector<80x128xi32>
      %reduce_sum3A_72 = vector.shape_cast %convert_element_type3A_71 : vector<80x128xi32> to vector<1x80x128xi32>
      %reduce_sum3A_73 = arith.constant dense<0> : vector<1xi32>
      %reduce_sum3A_74 = vector.multi_reduction <add>, %reduce_sum3A_72, %reduce_sum3A_73 [1, 2] : vector<1x80x128xi32> to vector<1xi32>
      %reduce_sum3A_75 = vector.shape_cast %reduce_sum3A_74 : vector<1xi32> to vector<1x1x1xi32>
      %reduce_sum3A_76 = vector.extract %reduce_sum3A_75[0, 0, 0] : i32 from vector<1x1x1xi32>
      %ge3A_77 = arith.constant 8000 : i32
      %ge3A_78 = arith.cmpi sge, %reduce_sum3A_76, %ge3A_77 : i32
      %select_n3A_79 = arith.select %ge3A_78, %or3A_68, %scan3A_64 : i32
      scf.yield %select_n3A_79 : i32
    }
    %scan3A_28 = arith.constant 31 : i32
    %gt3A_29 = vector.broadcast %scan3A_27 : i32 to vector<80x128xi32>
    %gt3A_30 = arith.cmpi sgt, %select_n3A_11, %gt3A_29 : vector<80x128xi32>
    %convert_element_type3A_31 = arith.extui %gt3A_30 : vector<80x128xi1> to vector<80x128xi32>
    %reduce_sum3A_32 = vector.shape_cast %convert_element_type3A_31 : vector<80x128xi32> to vector<1x80x128xi32>
    %reduce_sum3A_33 = arith.constant dense<0> : vector<1xi32>
    %reduce_sum3A_34 = vector.multi_reduction <add>, %reduce_sum3A_32, %reduce_sum3A_33 [1, 2] : vector<1x80x128xi32> to vector<1xi32>
    %reduce_sum3A_35 = vector.shape_cast %reduce_sum3A_34 : vector<1xi32> to vector<1x1x1xi32>
    %reduce_sum3A_36 = vector.extract %reduce_sum3A_35[0, 0, 0] : i32 from vector<1x1x1xi32>
    %eq3A = vector.broadcast %scan3A_27 : i32 to vector<80x128xi32>
    %eq3A_37 = arith.cmpi eq, %select_n3A_11, %eq3A : vector<80x128xi32>
    %and3A = arith.andi %gt3A_10, %eq3A_37 : vector<80x128xi1>
    %sub3A = arith.constant 8000 : i32
    %sub3A_38 = arith.subi %sub3A, %reduce_sum3A_36 : i32
    %convert_element_type3A_39 = arith.sitofp %sub3A_38 : i32 to f32
    %convert_element_type3A_40 = arith.extui %and3A : vector<80x128xi1> to vector<80x128xi32>
    %convert_element_type3A_41 = arith.sitofp %convert_element_type3A_40 : vector<80x128xi32> to vector<80x128xf32>
    %iota3A = tpu.iota {dimensions = array<i32: 0>} : vector<80x80xi32>
    %iota3A_42 = tpu.iota {dimensions = array<i32: 1>} : vector<80x80xi32>
    %lt3A = arith.cmpi slt, %iota3A_42, %iota3A : vector<80x80xi32>
    %convert_element_type3A_43 = arith.extui %lt3A : vector<80x80xi1> to vector<80x80xi32>
    %convert_element_type3A_44 = arith.sitofp %convert_element_type3A_43 : vector<80x80xi32> to vector<80x80xf32>
    %iota3A_45 = tpu.iota {dimensions = array<i32: 0>} : vector<128x128xi32>
    %iota3A_46 = tpu.iota {dimensions = array<i32: 1>} : vector<128x128xi32>
    %lt3A_47 = arith.cmpi slt, %iota3A_45, %iota3A_46 : vector<128x128xi32>
    %convert_element_type3A_48 = arith.extui %lt3A_47 : vector<128x128xi1> to vector<128x128xi32>
    %convert_element_type3A_49 = arith.sitofp %convert_element_type3A_48 : vector<128x128xi32> to vector<128x128xf32>
    %reduce_sum3A_50 = arith.constant dense<0.000000e+00> : vector<80xf32>
    %reduce_sum3A_51 = vector.multi_reduction <add>, %convert_element_type3A_41, %reduce_sum3A_50 [1] : vector<80x128xf32> to vector<80xf32>
    %broadcast_in_dim3A_52 = vector.shape_cast %reduce_sum3A_51 : vector<80xf32> to vector<80x1xf32>
    %dot_general3A = arith.constant dense<0.000000e+00> : vector<80x1xf32>
    %dot_general3A_53 = tpu.matmul %convert_element_type3A_44, %broadcast_in_dim3A_52, %dot_general3A {dimension_numbers = #tpu.dot_dimension_numbers<[1], [0], [0], [1], [0, 0, 1, 1], [], []>, transpose_lhs_hint = false} : vector<80x80xf32>, vector<80x1xf32>, vector<80x1xf32> -> vector<80x1xf32>
    %dot_general3A_54 = arith.constant dense<0.000000e+00> : vector<80x128xf32>
    %dot_general3A_55 = tpu.matmul %convert_element_type3A_41, %convert_element_type3A_49, %dot_general3A_54 {dimension_numbers = #tpu.dot_dimension_numbers<[1], [0], [0], [1], [0, 0, 1, 1], [], []>, transpose_lhs_hint = false} : vector<80x128xf32>, vector<128x128xf32>, vector<80x128xf32> -> vector<80x128xf32>
    %add3A = vector.broadcast %dot_general3A_53 : vector<80x1xf32> to vector<80x128xf32>
    %add3A_56 = arith.addf %dot_general3A_55, %add3A : vector<80x128xf32>
    %lt3A_57 = vector.broadcast %convert_element_type3A_39 : f32 to vector<80x128xf32>
    %lt3A_58 = arith.cmpf olt, %add3A_56, %lt3A_57 : vector<80x128xf32>
    %and3A_59 = arith.andi %and3A, %lt3A_58 : vector<80x128xi1>
    %or3A = arith.ori %gt3A_30, %and3A_59 : vector<80x128xi1>
    %convert_element_type3A_60 = arith.extui %or3A : vector<80x128xi1> to vector<80x128xi32>
    %swap3A = arith.constant 0 : index
    %swap3A_61 = arith.constant 0 : index
    %swap3A_62 = vector.load %arg2[%swap3A, %swap3A_61] : memref<80x128xi32, #tpu.memory_space<vmem>>, vector<80x128xi32>
    tpu.vector_store %arg2[%swap3A, %swap3A_61], %convert_element_type3A_60 {strides = array<i32>} : memref<80x128xi32, #tpu.memory_space<vmem>>, vector<80x128xi32>,
    return
  }
}

module attributes {stable_mosaic.version = 14 : i64} {
  func.func @_tc_topk_body(%arg0: memref<80x128xf32, #tpu.memory_space<vmem>>, %arg1: memref<80x128xi32, #tpu.memory_space<vmem>>, %arg2: memref<80x128xi32, #tpu.memory_space<vmem>>) attributes {dimension_semantics = [], scalar_prefetch = 0 : i64, scratch_operands = 0 : i64, tpu.core_type = #tpu.core_type<tc>} {
    %get3A = arith.constant 0 : index
    %get3A_0 = arith.constant 0 : index
    %get3A_1 = vector.load %arg0[%get3A, %get3A_0] : memref<80x128xf32, #tpu.memory_space<vmem>>, vector<80x128xf32>
    %bitcast_convert_type3A = tpu.bitcast %get3A_1 : vector<80x128xf32> -> vector<80x128xi32>
    %ge3A = arith.constant 0 : i32
    %ge3A_2 = vector.broadcast %ge3A : i32 to vector<80x128xi32>
    %ge3A_3 = arith.cmpi sge, %bitcast_convert_type3A, %ge3A_2 : vector<80x128xi32>
    %xor3A = arith.constant 2147483647 : i32
    %xor3A_4 = vector.broadcast %xor3A : i32 to vector<80x128xi32>
    %xor3A_5 = arith.xori %bitcast_convert_type3A, %xor3A_4 : vector<80x128xi32>
    %select_n3A = arith.select %ge3A_3, %bitcast_convert_type3A, %xor3A_5 : vector<80x128xi1>, vector<80x128xi32>
    %get3A_6 = arith.constant 0 : index
    %get3A_7 = arith.constant 0 : index
    %get3A_8 = vector.load %arg1[%get3A_6, %get3A_7] : memref<80x128xi32, #tpu.memory_space<vmem>>, vector<80x128xi32>
    %gt3A = arith.constant 0 : i32
    %gt3A_9 = vector.broadcast %gt3A : i32 to vector<80x128xi32>
    %gt3A_10 = arith.cmpi sgt, %get3A_8, %gt3A_9 : vector<80x128xi32>
    %jit3A = arith.constant -2147483648 : i32
    %broadcast_in_dim3A = vector.broadcast %jit3A : i32 to vector<80x128xi32>
    %select_n3A_11 = arith.select %gt3A_10, %select_n3A, %broadcast_in_dim3A : vector<80x128xi1>, vector<80x128xi32>
    %ge3A_12 = arith.constant 0 : i32
    %ge3A_13 = vector.broadcast %ge3A_12 : i32 to vector<80x128xi32>
    %ge3A_14 = arith.cmpi sge, %select_n3A_11, %ge3A_13 : vector<80x128xi32>
    %convert_element_type3A = arith.extui %ge3A_14 : vector<80x128xi1> to vector<80x128xi32>
    %reduce_sum3A = vector.shape_cast %convert_element_type3A : vector<80x128xi32> to vector<1x80x128xi32>
    %reduce_sum3A_15 = arith.constant dense<0> : vector<1xi32>
    %reduce_sum3A_16 = vector.multi_reduction <add>, %reduce_sum3A, %reduce_sum3A_15 [1, 2] : vector<1x80x128xi32> to vector<1xi32>
    %reduce_sum3A_17 = vector.shape_cast %reduce_sum3A_16 : vector<1xi32> to vector<1x1x1xi32>
    %reduce_sum3A_18 = vector.extract %reduce_sum3A_17[0, 0, 0] : i32 from vector<1x1x1xi32>
    %ge3A_19 = arith.constant 6400 : i32
    %ge3A_20 = arith.cmpi sge, %reduce_sum3A_18, %ge3A_19 : i32
    %jit3A_21 = arith.constant 0 : i32
    %jit3A_22 = arith.constant -2147483648 : i32
    %select_n3A_23 = arith.select %ge3A_20, %jit3A_21, %jit3A_22 : i32
    %scan3A = arith.constant 0 : i32
    %scan3A_24 = arith.constant 31 : i32
    %scan3A_25 = arith.addi %scan3A, %scan3A_24 : i32
    %scan3A_26 = arith.constant 1 : i32
    %scan3A_27 = scf.for %scan3A_63 = %scan3A to %scan3A_25 step %scan3A_26 iter_args(%scan3A_64 = %select_n3A_23) -> (i32)  : i32 {
      %sub3A_65 = arith.constant 30 : i32
      %sub3A_66 = arith.subi %sub3A_65, %scan3A_63 : i32
      %shift_left3A = arith.constant 1 : i32
      %shift_left3A_67 = arith.shli %shift_left3A, %sub3A_66 : i32
      %or3A_68 = arith.ori %scan3A_64, %shift_left3A_67 : i32
      %ge3A_69 = vector.broadcast %or3A_68 : i32 to vector<80x128xi32>
      %ge3A_70 = arith.cmpi sge, %select_n3A_11, %ge3A_69 : vector<80x128xi32>
      %convert_element_type3A_71 = arith.extui %ge3A_70 : vector<80x128xi1> to vector<80x128xi32>
      %reduce_sum3A_72 = vector.shape_cast %convert_element_type3A_71 : vector<80x128xi32> to vector<1x80x128xi32>
      %reduce_sum3A_73 = arith.constant dense<0> : vector<1xi32>
      %reduce_sum3A_74 = vector.multi_reduction <add>, %reduce_sum3A_72, %reduce_sum3A_73 [1, 2] : vector<1x80x128xi32> to vector<1xi32>
      %reduce_sum3A_75 = vector.shape_cast %reduce_sum3A_74 : vector<1xi32> to vector<1x1x1xi32>
      %reduce_sum3A_76 = vector.extract %reduce_sum3A_75[0, 0, 0] : i32 from vector<1x1x1xi32>
      %ge3A_77 = arith.constant 6400 : i32
      %ge3A_78 = arith.cmpi sge, %reduce_sum3A_76, %ge3A_77 : i32
      %select_n3A_79 = arith.select %ge3A_78, %or3A_68, %scan3A_64 : i32
      scf.yield %select_n3A_79 : i32
    }
    %scan3A_28 = arith.constant 31 : i32
    %gt3A_29 = vector.broadcast %scan3A_27 : i32 to vector<80x128xi32>
    %gt3A_30 = arith.cmpi sgt, %select_n3A_11, %gt3A_29 : vector<80x128xi32>
    %convert_element_type3A_31 = arith.extui %gt3A_30 : vector<80x128xi1> to vector<80x128xi32>
    %reduce_sum3A_32 = vector.shape_cast %convert_element_type3A_31 : vector<80x128xi32> to vector<1x80x128xi32>
    %reduce_sum3A_33 = arith.constant dense<0> : vector<1xi32>
    %reduce_sum3A_34 = vector.multi_reduction <add>, %reduce_sum3A_32, %reduce_sum3A_33 [1, 2] : vector<1x80x128xi32> to vector<1xi32>
    %reduce_sum3A_35 = vector.shape_cast %reduce_sum3A_34 : vector<1xi32> to vector<1x1x1xi32>
    %reduce_sum3A_36 = vector.extract %reduce_sum3A_35[0, 0, 0] : i32 from vector<1x1x1xi32>
    %eq3A = vector.broadcast %scan3A_27 : i32 to vector<80x128xi32>
    %eq3A_37 = arith.cmpi eq, %select_n3A_11, %eq3A : vector<80x128xi32>
    %and3A = arith.andi %gt3A_10, %eq3A_37 : vector<80x128xi1>
    %sub3A = arith.constant 6400 : i32
    %sub3A_38 = arith.subi %sub3A, %reduce_sum3A_36 : i32
    %convert_element_type3A_39 = arith.sitofp %sub3A_38 : i32 to f32
    %convert_element_type3A_40 = arith.extui %and3A : vector<80x128xi1> to vector<80x128xi32>
    %convert_element_type3A_41 = arith.sitofp %convert_element_type3A_40 : vector<80x128xi32> to vector<80x128xf32>
    %iota3A = tpu.iota {dimensions = array<i32: 0>} : vector<80x80xi32>
    %iota3A_42 = tpu.iota {dimensions = array<i32: 1>} : vector<80x80xi32>
    %lt3A = arith.cmpi slt, %iota3A_42, %iota3A : vector<80x80xi32>
    %convert_element_type3A_43 = arith.extui %lt3A : vector<80x80xi1> to vector<80x80xi32>
    %convert_element_type3A_44 = arith.sitofp %convert_element_type3A_43 : vector<80x80xi32> to vector<80x80xf32>
    %iota3A_45 = tpu.iota {dimensions = array<i32: 0>} : vector<128x128xi32>
    %iota3A_46 = tpu.iota {dimensions = array<i32: 1>} : vector<128x128xi32>
    %lt3A_47 = arith.cmpi slt, %iota3A_45, %iota3A_46 : vector<128x128xi32>
    %convert_element_type3A_48 = arith.extui %lt3A_47 : vector<128x128xi1> to vector<128x128xi32>
    %convert_element_type3A_49 = arith.sitofp %convert_element_type3A_48 : vector<128x128xi32> to vector<128x128xf32>
    %reduce_sum3A_50 = arith.constant dense<0.000000e+00> : vector<80xf32>
    %reduce_sum3A_51 = vector.multi_reduction <add>, %convert_element_type3A_41, %reduce_sum3A_50 [1] : vector<80x128xf32> to vector<80xf32>
    %broadcast_in_dim3A_52 = vector.shape_cast %reduce_sum3A_51 : vector<80xf32> to vector<80x1xf32>
    %dot_general3A = arith.constant dense<0.000000e+00> : vector<80x1xf32>
    %dot_general3A_53 = tpu.matmul %convert_element_type3A_44, %broadcast_in_dim3A_52, %dot_general3A {dimension_numbers = #tpu.dot_dimension_numbers<[1], [0], [0], [1], [0, 0, 1, 1], [], []>, transpose_lhs_hint = false} : vector<80x80xf32>, vector<80x1xf32>, vector<80x1xf32> -> vector<80x1xf32>
    %dot_general3A_54 = arith.constant dense<0.000000e+00> : vector<80x128xf32>
    %dot_general3A_55 = tpu.matmul %convert_element_type3A_41, %convert_element_type3A_49, %dot_general3A_54 {dimension_numbers = #tpu.dot_dimension_numbers<[1], [0], [0], [1], [0, 0, 1, 1], [], []>, transpose_lhs_hint = false} : vector<80x128xf32>, vector<128x128xf32>, vector<80x128xf32> -> vector<80x128xf32>
    %add3A = vector.broadcast %dot_general3A_53 : vector<80x1xf32> to vector<80x128xf32>
    %add3A_56 = arith.addf %dot_general3A_55, %add3A : vector<80x128xf32>
    %lt3A_57 = vector.broadcast %convert_element_type3A_39 : f32 to vector<80x128xf32>
    %lt3A_58 = arith.cmpf olt, %add3A_56, %lt3A_57 : vector<80x128xf32>
    %and3A_59 = arith.andi %and3A, %lt3A_58 : vector<80x128xi1>
    %or3A = arith.ori %gt3A_30, %and3A_59 : vector<80x128xi1>
    %convert_element_type3A_60 = arith.extui %or3A : vector<80x128xi1> to vector<80x128xi32>
    %swap3A = arith.constant 0 : index
    %swap3A_61 = arith.constant 0 : index
    %swap3A_62 = vector.load %arg2[%swap3A, %swap3A_61] : memref<80x128xi32, #tpu.memory_space<vmem>>, vector<80x128xi32>
    tpu.vector_store %arg2[%swap3A, %swap3A_61], %convert_element_type3A_60 {strides = array<i32>} : memref<80x128xi32, #tpu.memory_space<vmem>>, vector<80x128xi32>,
    return
  }
}

module attributes {stable_mosaic.version = 14 : i64} {
  func.func @_tc_pool_body(%arg0: i32, %arg1: memref<10240x128xf32, #tpu.memory_space<vmem>>, %arg2: memref<10240x1xi32, #tpu.memory_space<vmem>>, %arg3: memref<10240x128xf32, #tpu.memory_space<vmem>>, %arg4: memref<10240x1xi32, #tpu.memory_space<vmem>>, %arg5: memref<10240x1xi32, #tpu.memory_space<vmem>>, %arg6: memref<1x1x128xf32, #tpu.memory_space<vmem>>, %arg7: memref<1x1x128xf32, #tpu.memory_space<vmem>>, %arg8: memref<1x1x1xf32, #tpu.memory_space<vmem>>, %arg9: memref<1x1x128xf32, #tpu.memory_space<vmem>>, %arg10: memref<1x1x128xf32, #tpu.memory_space<vmem>>, %arg11: memref<1x1x1xf32, #tpu.memory_space<vmem>>) attributes {dimension_semantics = [#tpu.dimension_semantics<arbitrary>], iteration_bounds = array<i64: 64>, scalar_prefetch = 0 : i64, scratch_operands = 0 : i64, tpu.core_type = #tpu.core_type<tc>, window_params = [{pipeline_mode = #tpu.pipeline_mode<synchronous>, transform_indices = @transform_0, window_bounds = array<i64: 10240, 128>}, {pipeline_mode = #tpu.pipeline_mode<synchronous>, transform_indices = @transform_1, window_bounds = array<i64: 10240, 1>}, {pipeline_mode = #tpu.pipeline_mode<synchronous>, transform_indices = @transform_2, window_bounds = array<i64: 10240, 128>}, {pipeline_mode = #tpu.pipeline_mode<synchronous>, transform_indices = @transform_3, window_bounds = array<i64: 10240, 1>}, {pipeline_mode = #tpu.pipeline_mode<synchronous>, transform_indices = @transform_4, window_bounds = array<i64: 10240, 1>}, {transform_indices = @transform_5, window_bounds = array<i64: 1, 1, 128>}, {transform_indices = @transform_6, window_bounds = array<i64: 1, 1, 128>}, {transform_indices = @transform_7, window_bounds = array<i64: 1, 1, 1>}, {transform_indices = @transform_8, window_bounds = array<i64: 1, 1, 128>}, {transform_indices = @transform_9, window_bounds = array<i64: 1, 1, 128>}, {transform_indices = @transform_10, window_bounds = array<i64: 1, 1, 1>}]} {
    %get3A = arith.constant 0 : index
    %get3A_0 = arith.constant 0 : index
    %get3A_1 = vector.load %arg5[%get3A, %get3A_0] : memref<10240x1xi32, #tpu.memory_space<vmem>>, vector<10240x1xi32>
    %eq3A = vector.broadcast %arg0 : i32 to vector<10240x1xi32>
    %eq3A_2 = arith.cmpi eq, %get3A_1, %eq3A : vector<10240x1xi32>
    %get3A_3 = arith.constant 0 : index
    %get3A_4 = arith.constant 0 : index
    %get3A_5 = vector.load %arg2[%get3A_3, %get3A_4] : memref<10240x1xi32, #tpu.memory_space<vmem>>, vector<10240x1xi32>
    %gt3A = arith.constant 0 : i32
    %gt3A_6 = vector.broadcast %gt3A : i32 to vector<10240x1xi32>
    %gt3A_7 = arith.cmpi sgt, %get3A_5, %gt3A_6 : vector<10240x1xi32>
    %and3A = arith.andi %eq3A_2, %gt3A_7 : vector<10240x1xi1>
    %get3A_8 = arith.constant 0 : index
    %get3A_9 = arith.constant 0 : index
    %get3A_10 = vector.load %arg1[%get3A_8, %get3A_9] : memref<10240x128xf32, #tpu.memory_space<vmem>>, vector<10240x128xf32>
    %jit3A = arith.constant 0xFF800000 : f32
    %broadcast_in_dim3A = vector.shape_cast %and3A : vector<10240x1xi1> to vector<10240x1xi1>
    %broadcast_in_dim3A_11 = vector.broadcast %broadcast_in_dim3A : vector<10240x1xi1> to vector<10240x128xi1>
    %broadcast_in_dim3A_12 = vector.broadcast %jit3A : f32 to vector<10240x128xf32>
    %select_n3A = arith.select %broadcast_in_dim3A_11, %get3A_10, %broadcast_in_dim3A_12 : vector<10240x128xi1>, vector<10240x128xf32>
    %reduce_max3A = arith.constant dense<0xFF800000> : vector<128xf32>
    %reduce_max3A_13 = vector.multi_reduction <maximumf>, %select_n3A, %reduce_max3A [0] : vector<10240x128xf32> to vector<128xf32>
    %broadcast_in_dim3A_14 = vector.shape_cast %reduce_max3A_13 : vector<128xf32> to vector<1x128xf32>
    %swap3A = arith.constant 0 : index
    %swap3A_15 = arith.constant 0 : index
    %swap3A_16 = arith.constant 0 : index
    %swap3A_17 = vector.load %arg6[%swap3A, %swap3A_15, %swap3A_16] : memref<1x1x128xf32, #tpu.memory_space<vmem>>, vector<1x1x128xf32>
    %swap3A_18 = vector.shape_cast %swap3A_17 : vector<1x1x128xf32> to vector<1x128xf32>
    %swap3A_19 = vector.shape_cast %broadcast_in_dim3A_14 : vector<1x128xf32> to vector<1x1x128xf32>
    tpu.vector_store %arg6[%swap3A, %swap3A_15, %swap3A_16], %swap3A_19 {strides = array<i32>} : memref<1x1x128xf32, #tpu.memory_space<vmem>>, vector<1x1x128xf32>,
    %jit3A_20 = arith.constant 0.000000e+00 : f32
    %broadcast_in_dim3A_21 = vector.shape_cast %and3A : vector<10240x1xi1> to vector<10240x1xi1>
    %broadcast_in_dim3A_22 = vector.broadcast %broadcast_in_dim3A_21 : vector<10240x1xi1> to vector<10240x128xi1>
    %broadcast_in_dim3A_23 = vector.broadcast %jit3A_20 : f32 to vector<10240x128xf32>
    %select_n3A_24 = arith.select %broadcast_in_dim3A_22, %get3A_10, %broadcast_in_dim3A_23 : vector<10240x128xi1>, vector<10240x128xf32>
    %reduce_sum3A = arith.constant dense<0.000000e+00> : vector<128xf32>
    %reduce_sum3A_25 = vector.multi_reduction <add>, %select_n3A_24, %reduce_sum3A [0] : vector<10240x128xf32> to vector<128xf32>
    %broadcast_in_dim3A_26 = vector.shape_cast %reduce_sum3A_25 : vector<128xf32> to vector<1x128xf32>
    %swap3A_27 = arith.constant 0 : index
    %swap3A_28 = arith.constant 0 : index
    %swap3A_29 = arith.constant 0 : index
    %swap3A_30 = vector.load %arg7[%swap3A_27, %swap3A_28, %swap3A_29] : memref<1x1x128xf32, #tpu.memory_space<vmem>>, vector<1x1x128xf32>
    %swap3A_31 = vector.shape_cast %swap3A_30 : vector<1x1x128xf32> to vector<1x128xf32>
    %swap3A_32 = vector.shape_cast %broadcast_in_dim3A_26 : vector<1x128xf32> to vector<1x1x128xf32>
    tpu.vector_store %arg7[%swap3A_27, %swap3A_28, %swap3A_29], %swap3A_32 {strides = array<i32>} : memref<1x1x128xf32, #tpu.memory_space<vmem>>, vector<1x1x128xf32>,
    %convert_element_type3A = arith.extui %and3A : vector<10240x1xi1> to vector<10240x1xi32>
    %convert_element_type3A_33 = arith.sitofp %convert_element_type3A : vector<10240x1xi32> to vector<10240x1xf32>
    %reduce_sum3A_34 = arith.constant dense<0.000000e+00> : vector<1xf32>
    %reduce_sum3A_35 = vector.multi_reduction <add>, %convert_element_type3A_33, %reduce_sum3A_34 [0] : vector<10240x1xf32> to vector<1xf32>
    %broadcast_in_dim3A_36 = vector.shape_cast %reduce_sum3A_35 : vector<1xf32> to vector<1x1xf32>
    %swap3A_37 = arith.constant 0 : index
    %swap3A_38 = arith.constant 0 : index
    %swap3A_39 = arith.constant 0 : index
    %swap3A_40 = vector.load %arg8[%swap3A_37, %swap3A_38, %swap3A_39] : memref<1x1x1xf32, #tpu.memory_space<vmem>>, vector<1x1x1xf32>
    %swap3A_41 = vector.shape_cast %swap3A_40 : vector<1x1x1xf32> to vector<1x1xf32>
    %swap3A_42 = vector.shape_cast %broadcast_in_dim3A_36 : vector<1x1xf32> to vector<1x1x1xf32>
    tpu.vector_store %arg8[%swap3A_37, %swap3A_38, %swap3A_39], %swap3A_42 {strides = array<i32>} : memref<1x1x1xf32, #tpu.memory_space<vmem>>, vector<1x1x1xf32>,
    %eq3A_43 = vector.broadcast %arg0 : i32 to vector<10240x1xi32>
    %eq3A_44 = arith.cmpi eq, %get3A_1, %eq3A_43 : vector<10240x1xi32>
    %get3A_45 = arith.constant 0 : index
    %get3A_46 = arith.constant 0 : index
    %get3A_47 = vector.load %arg4[%get3A_45, %get3A_46] : memref<10240x1xi32, #tpu.memory_space<vmem>>, vector<10240x1xi32>
    %gt3A_48 = arith.constant 0 : i32
    %gt3A_49 = vector.broadcast %gt3A_48 : i32 to vector<10240x1xi32>
    %gt3A_50 = arith.cmpi sgt, %get3A_47, %gt3A_49 : vector<10240x1xi32>
    %and3A_51 = arith.andi %eq3A_44, %gt3A_50 : vector<10240x1xi1>
    %get3A_52 = arith.constant 0 : index
    %get3A_53 = arith.constant 0 : index
    %get3A_54 = vector.load %arg3[%get3A_52, %get3A_53] : memref<10240x128xf32, #tpu.memory_space<vmem>>, vector<10240x128xf32>
    %jit3A_55 = arith.constant 0xFF800000 : f32
    %broadcast_in_dim3A_56 = vector.shape_cast %and3A_51 : vector<10240x1xi1> to vector<10240x1xi1>
    %broadcast_in_dim3A_57 = vector.broadcast %broadcast_in_dim3A_56 : vector<10240x1xi1> to vector<10240x128xi1>
    %broadcast_in_dim3A_58 = vector.broadcast %jit3A_55 : f32 to vector<10240x128xf32>
    %select_n3A_59 = arith.select %broadcast_in_dim3A_57, %get3A_54, %broadcast_in_dim3A_58 : vector<10240x128xi1>, vector<10240x128xf32>
    %reduce_max3A_60 = arith.constant dense<0xFF800000> : vector<128xf32>
    %reduce_max3A_61 = vector.multi_reduction <maximumf>, %select_n3A_59, %reduce_max3A_60 [0] : vector<10240x128xf32> to vector<128xf32>
    %broadcast_in_dim3A_62 = vector.shape_cast %reduce_max3A_61 : vector<128xf32> to vector<1x128xf32>
    %swap3A_63 = arith.constant 0 : index
    %swap3A_64 = arith.constant 0 : index
    %swap3A_65 = arith.constant 0 : index
    %swap3A_66 = vector.load %arg9[%swap3A_63, %swap3A_64, %swap3A_65] : memref<1x1x128xf32, #tpu.memory_space<vmem>>, vector<1x1x128xf32>
    %swap3A_67 = vector.shape_cast %swap3A_66 : vector<1x1x128xf32> to vector<1x128xf32>
    %swap3A_68 = vector.shape_cast %broadcast_in_dim3A_62 : vector<1x128xf32> to vector<1x1x128xf32>
    tpu.vector_store %arg9[%swap3A_63, %swap3A_64, %swap3A_65], %swap3A_68 {strides = array<i32>} : memref<1x1x128xf32, #tpu.memory_space<vmem>>, vector<1x1x128xf32>,
    %jit3A_69 = arith.constant 0.000000e+00 : f32
    %broadcast_in_dim3A_70 = vector.shape_cast %and3A_51 : vector<10240x1xi1> to vector<10240x1xi1>
    %broadcast_in_dim3A_71 = vector.broadcast %broadcast_in_dim3A_70 : vector<10240x1xi1> to vector<10240x128xi1>
    %broadcast_in_dim3A_72 = vector.broadcast %jit3A_69 : f32 to vector<10240x128xf32>
    %select_n3A_73 = arith.select %broadcast_in_dim3A_71, %get3A_54, %broadcast_in_dim3A_72 : vector<10240x128xi1>, vector<10240x128xf32>
    %reduce_sum3A_74 = arith.constant dense<0.000000e+00> : vector<128xf32>
    %reduce_sum3A_75 = vector.multi_reduction <add>, %select_n3A_73, %reduce_sum3A_74 [0] : vector<10240x128xf32> to vector<128xf32>
    %broadcast_in_dim3A_76 = vector.shape_cast %reduce_sum3A_75 : vector<128xf32> to vector<1x128xf32>
    %swap3A_77 = arith.constant 0 : index
    %swap3A_78 = arith.constant 0 : index
    %swap3A_79 = arith.constant 0 : index
    %swap3A_80 = vector.load %arg10[%swap3A_77, %swap3A_78, %swap3A_79] : memref<1x1x128xf32, #tpu.memory_space<vmem>>, vector<1x1x128xf32>
    %swap3A_81 = vector.shape_cast %swap3A_80 : vector<1x1x128xf32> to vector<1x128xf32>
    %swap3A_82 = vector.shape_cast %broadcast_in_dim3A_76 : vector<1x128xf32> to vector<1x1x128xf32>
    tpu.vector_store %arg10[%swap3A_77, %swap3A_78, %swap3A_79], %swap3A_82 {strides = array<i32>} : memref<1x1x128xf32, #tpu.memory_space<vmem>>, vector<1x1x128xf32>,
    %convert_element_type3A_83 = arith.extui %and3A_51 : vector<10240x1xi1> to vector<10240x1xi32>
    %convert_element_type3A_84 = arith.sitofp %convert_element_type3A_83 : vector<10240x1xi32> to vector<10240x1xf32>
    %reduce_sum3A_85 = arith.constant dense<0.000000e+00> : vector<1xf32>
    %reduce_sum3A_86 = vector.multi_reduction <add>, %convert_element_type3A_84, %reduce_sum3A_85 [0] : vector<10240x1xf32> to vector<1xf32>
    %broadcast_in_dim3A_87 = vector.shape_cast %reduce_sum3A_86 : vector<1xf32> to vector<1x1xf32>
    %swap3A_88 = arith.constant 0 : index
    %swap3A_89 = arith.constant 0 : index
    %swap3A_90 = arith.constant 0 : index
    %swap3A_91 = vector.load %arg11[%swap3A_88, %swap3A_89, %swap3A_90] : memref<1x1x1xf32, #tpu.memory_space<vmem>>, vector<1x1x1xf32>
    %swap3A_92 = vector.shape_cast %swap3A_91 : vector<1x1x1xf32> to vector<1x1xf32>
    %swap3A_93 = vector.shape_cast %broadcast_in_dim3A_87 : vector<1x1xf32> to vector<1x1x1xf32>
    tpu.vector_store %arg11[%swap3A_88, %swap3A_89, %swap3A_90], %swap3A_93 {strides = array<i32>} : memref<1x1x1xf32, #tpu.memory_space<vmem>>, vector<1x1x1xf32>,
    return
  }
  func.func @transform_0(%arg0: i32) -> (i32, i32) {
    %c0_i32 = arith.constant 0 : i32
    %c0_i32_0 = arith.constant 0 : i32
    %c0_i32_1 = arith.constant 0 : i32
    return %c0_i32, %c0_i32_0 : i32, i32
  }
  func.func @transform_1(%arg0: i32) -> (i32, i32) {
    %c0_i32 = arith.constant 0 : i32
    %c0_i32_0 = arith.constant 0 : i32
    %c0_i32_1 = arith.constant 0 : i32
    return %c0_i32, %c0_i32_0 : i32, i32
  }
  func.func @transform_2(%arg0: i32) -> (i32, i32) {
    %c0_i32 = arith.constant 0 : i32
    %c0_i32_0 = arith.constant 0 : i32
    %c0_i32_1 = arith.constant 0 : i32
    return %c0_i32, %c0_i32_0 : i32, i32
  }
  func.func @transform_3(%arg0: i32) -> (i32, i32) {
    %c0_i32 = arith.constant 0 : i32
    %c0_i32_0 = arith.constant 0 : i32
    %c0_i32_1 = arith.constant 0 : i32
    return %c0_i32, %c0_i32_0 : i32, i32
  }
  func.func @transform_4(%arg0: i32) -> (i32, i32) {
    %c0_i32 = arith.constant 0 : i32
    %c0_i32_0 = arith.constant 0 : i32
    %c0_i32_1 = arith.constant 0 : i32
    return %c0_i32, %c0_i32_0 : i32, i32
  }
  func.func @transform_5(%arg0: i32) -> (i32, i32, i32) {
    %c0_i32 = arith.constant 0 : i32
    %c0_i32_0 = arith.constant 0 : i32
    %c0_i32_1 = arith.constant 0 : i32
    return %arg0, %c0_i32, %c0_i32_0 : i32, i32, i32
  }
  func.func @transform_6(%arg0: i32) -> (i32, i32, i32) {
    %c0_i32 = arith.constant 0 : i32
    %c0_i32_0 = arith.constant 0 : i32
    %c0_i32_1 = arith.constant 0 : i32
    return %arg0, %c0_i32, %c0_i32_0 : i32, i32, i32
  }
  func.func @transform_7(%arg0: i32) -> (i32, i32, i32) {
    %c0_i32 = arith.constant 0 : i32
    %c0_i32_0 = arith.constant 0 : i32
    %c0_i32_1 = arith.constant 0 : i32
    return %arg0, %c0_i32, %c0_i32_0 : i32, i32, i32
  }
  func.func @transform_8(%arg0: i32) -> (i32, i32, i32) {
    %c0_i32 = arith.constant 0 : i32
    %c0_i32_0 = arith.constant 0 : i32
    %c0_i32_1 = arith.constant 0 : i32
    return %arg0, %c0_i32, %c0_i32_0 : i32, i32, i32
  }
  func.func @transform_9(%arg0: i32) -> (i32, i32, i32) {
    %c0_i32 = arith.constant 0 : i32
    %c0_i32_0 = arith.constant 0 : i32
    %c0_i32_1 = arith.constant 0 : i32
    return %arg0, %c0_i32, %c0_i32_0 : i32, i32, i32
  }
  func.func @transform_10(%arg0: i32) -> (i32, i32, i32) {
    %c0_i32 = arith.constant 0 : i32
    %c0_i32_0 = arith.constant 0 : i32
    %c0_i32_1 = arith.constant 0 : i32
    return %arg0, %c0_i32, %c0_i32_0 : i32, i32, i32
  }
}

module attributes {stable_mosaic.version = 14 : i64} {
  func.func @_tc_mlp_body(%arg0: memref<64x128xf32, #tpu.memory_space<vmem>>, %arg1: memref<64x128xf32, #tpu.memory_space<vmem>>, %arg2: memref<64x1xf32, #tpu.memory_space<vmem>>, %arg3: memref<64x128xf32, #tpu.memory_space<vmem>>, %arg4: memref<64x128xf32, #tpu.memory_space<vmem>>, %arg5: memref<64x1xf32, #tpu.memory_space<vmem>>, %arg6: memref<256x128xf32, #tpu.memory_space<vmem>>, %arg7: memref<1x128xf32, #tpu.memory_space<vmem>>, %arg8: memref<128x64xf32, #tpu.memory_space<vmem>>, %arg9: memref<1x64xf32, #tpu.memory_space<vmem>>, %arg10: memref<64x1xf32, #tpu.memory_space<vmem>>, %arg11: memref<1x1xf32, #tpu.memory_space<vmem>>, %arg12: memref<64x1xf32, #tpu.memory_space<vmem>>) attributes {dimension_semantics = [], scalar_prefetch = 0 : i64, scratch_operands = 0 : i64, tpu.core_type = #tpu.core_type<tc>} {
    %get3A = arith.constant 0 : index
    %get3A_0 = arith.constant 0 : index
    %get3A_1 = vector.load %arg0[%get3A, %get3A_0] : memref<64x128xf32, #tpu.memory_space<vmem>>, vector<64x128xf32>
    %gt3A = arith.constant -3.000000e+38 : f32
    %gt3A_2 = vector.broadcast %gt3A : f32 to vector<64x128xf32>
    %gt3A_3 = arith.cmpf ogt, %get3A_1, %gt3A_2 : vector<64x128xf32>
    %jit3A = arith.constant 0.000000e+00 : f32
    %broadcast_in_dim3A = vector.broadcast %jit3A : f32 to vector<64x128xf32>
    %select_n3A = arith.select %gt3A_3, %get3A_1, %broadcast_in_dim3A : vector<64x128xi1>, vector<64x128xf32>
    %get3A_4 = arith.constant 0 : index
    %get3A_5 = arith.constant 0 : index
    %get3A_6 = vector.load %arg3[%get3A_4, %get3A_5] : memref<64x128xf32, #tpu.memory_space<vmem>>, vector<64x128xf32>
    %gt3A_7 = arith.constant -3.000000e+38 : f32
    %gt3A_8 = vector.broadcast %gt3A_7 : f32 to vector<64x128xf32>
    %gt3A_9 = arith.cmpf ogt, %get3A_6, %gt3A_8 : vector<64x128xf32>
    %jit3A_10 = arith.constant 0.000000e+00 : f32
    %broadcast_in_dim3A_11 = vector.broadcast %jit3A_10 : f32 to vector<64x128xf32>
    %select_n3A_12 = arith.select %gt3A_9, %get3A_6, %broadcast_in_dim3A_11 : vector<64x128xi1>, vector<64x128xf32>
    %get3A_13 = arith.constant 0 : index
    %get3A_14 = arith.constant 0 : index
    %get3A_15 = vector.load %arg1[%get3A_13, %get3A_14] : memref<64x128xf32, #tpu.memory_space<vmem>>, vector<64x128xf32>
    %get3A_16 = arith.constant 0 : index
    %get3A_17 = arith.constant 0 : index
    %get3A_18 = vector.load %arg2[%get3A_16, %get3A_17] : memref<64x1xf32, #tpu.memory_space<vmem>>, vector<64x1xf32>
    %max3A = arith.constant 1.000000e+00 : f32
    %max3A_19 = vector.broadcast %max3A : f32 to vector<64x1xf32>
    %max3A_20 = arith.maximumf %get3A_18, %max3A_19 : vector<64x1xf32>
    %div3A = vector.broadcast %max3A_20 : vector<64x1xf32> to vector<64x128xf32>
    %div3A_21 = arith.divf %get3A_15, %div3A : vector<64x128xf32>
    %get3A_22 = arith.constant 0 : index
    %get3A_23 = arith.constant 0 : index
    %get3A_24 = vector.load %arg4[%get3A_22, %get3A_23] : memref<64x128xf32, #tpu.memory_space<vmem>>, vector<64x128xf32>
    %get3A_25 = arith.constant 0 : index
    %get3A_26 = arith.constant 0 : index
    %get3A_27 = vector.load %arg5[%get3A_25, %get3A_26] : memref<64x1xf32, #tpu.memory_space<vmem>>, vector<64x1xf32>
    %max3A_28 = arith.constant 1.000000e+00 : f32
    %max3A_29 = vector.broadcast %max3A_28 : f32 to vector<64x1xf32>
    %max3A_30 = arith.maximumf %get3A_27, %max3A_29 : vector<64x1xf32>
    %div3A_31 = vector.broadcast %max3A_30 : vector<64x1xf32> to vector<64x128xf32>
    %div3A_32 = arith.divf %get3A_24, %div3A_31 : vector<64x128xf32>
    %add3A = arith.addf %select_n3A, %select_n3A_12 : vector<64x128xf32>
    %add3A_33 = arith.addf %div3A_21, %div3A_32 : vector<64x128xf32>
    %get3A_34 = arith.constant 0 : index
    %get3A_35 = arith.constant 0 : index
    %get3A_36 = vector.load %arg6[%get3A_34, %get3A_35] : memref<256x128xf32, #tpu.memory_space<vmem>>, vector<256x128xf32>
    %slice3A = vector.extract_strided_slice %get3A_36 {offsets = [0, 0], sizes = [128, 128], strides = [1, 1]} : vector<256x128xf32> to vector<128x128xf32>
    %dot_general3A = arith.constant dense<0.000000e+00> : vector<64x128xf32>
    %dot_general3A_37 = tpu.matmul %add3A, %slice3A, %dot_general3A {dimension_numbers = #tpu.dot_dimension_numbers<[1], [0], [0], [1], [0, 0, 1, 1], [], []>, transpose_lhs_hint = false} : vector<64x128xf32>, vector<128x128xf32>, vector<64x128xf32> -> vector<64x128xf32>
    %slice3A_38 = vector.extract_strided_slice %get3A_36 {offsets = [128, 0], sizes = [128, 128], strides = [1, 1]} : vector<256x128xf32> to vector<128x128xf32>
    %dot_general3A_39 = arith.constant dense<0.000000e+00> : vector<64x128xf32>
    %dot_general3A_40 = tpu.matmul %add3A_33, %slice3A_38, %dot_general3A_39 {dimension_numbers = #tpu.dot_dimension_numbers<[1], [0], [0], [1], [0, 0, 1, 1], [], []>, transpose_lhs_hint = false} : vector<64x128xf32>, vector<128x128xf32>, vector<64x128xf32> -> vector<64x128xf32>
    %add3A_41 = arith.addf %dot_general3A_37, %dot_general3A_40 : vector<64x128xf32>
    %get3A_42 = arith.constant 0 : index
    %get3A_43 = arith.constant 0 : index
    %get3A_44 = vector.load %arg7[%get3A_42, %get3A_43] : memref<1x128xf32, #tpu.memory_space<vmem>>, vector<1x128xf32>
    %add3A_45 = vector.broadcast %get3A_44 : vector<1x128xf32> to vector<64x128xf32>
    %add3A_46 = arith.addf %add3A_41, %add3A_45 : vector<64x128xf32>
    %max3A_47 = arith.constant 0.000000e+00 : f32
    %max3A_48 = vector.broadcast %max3A_47 : f32 to vector<64x128xf32>
    %max3A_49 = arith.maximumf %add3A_46, %max3A_48 : vector<64x128xf32>
    %get3A_50 = arith.constant 0 : index
    %get3A_51 = arith.constant 0 : index
    %get3A_52 = vector.load %arg8[%get3A_50, %get3A_51] : memref<128x64xf32, #tpu.memory_space<vmem>>, vector<128x64xf32>
    %dot_general3A_53 = arith.constant dense<0.000000e+00> : vector<64x64xf32>
    %dot_general3A_54 = tpu.matmul %max3A_49, %get3A_52, %dot_general3A_53 {dimension_numbers = #tpu.dot_dimension_numbers<[1], [0], [0], [1], [0, 0, 1, 1], [], []>, transpose_lhs_hint = false} : vector<64x128xf32>, vector<128x64xf32>, vector<64x64xf32> -> vector<64x64xf32>
    %get3A_55 = arith.constant 0 : index
    %get3A_56 = arith.constant 0 : index
    %get3A_57 = vector.load %arg9[%get3A_55, %get3A_56] : memref<1x64xf32, #tpu.memory_space<vmem>>, vector<1x64xf32>
    %add3A_58 = vector.broadcast %get3A_57 : vector<1x64xf32> to vector<64x64xf32>
    %add3A_59 = arith.addf %dot_general3A_54, %add3A_58 : vector<64x64xf32>
    %max3A_60 = arith.constant 0.000000e+00 : f32
    %max3A_61 = vector.broadcast %max3A_60 : f32 to vector<64x64xf32>
    %max3A_62 = arith.maximumf %add3A_59, %max3A_61 : vector<64x64xf32>
    %get3A_63 = arith.constant 0 : index
    %get3A_64 = arith.constant 0 : index
    %get3A_65 = vector.load %arg10[%get3A_63, %get3A_64] : memref<64x1xf32, #tpu.memory_space<vmem>>, vector<64x1xf32>
    %dot_general3A_66 = arith.constant dense<0.000000e+00> : vector<64x1xf32>
    %dot_general3A_67 = tpu.matmul %max3A_62, %get3A_65, %dot_general3A_66 {dimension_numbers = #tpu.dot_dimension_numbers<[1], [0], [0], [1], [0, 0, 1, 1], [], []>, transpose_lhs_hint = false} : vector<64x64xf32>, vector<64x1xf32>, vector<64x1xf32> -> vector<64x1xf32>
    %get3A_68 = arith.constant 0 : index
    %get3A_69 = arith.constant 0 : index
    %get3A_70 = vector.load %arg11[%get3A_68, %get3A_69] : memref<1x1xf32, #tpu.memory_space<vmem>>, vector<1x1xf32>
    %add3A_71 = vector.broadcast %get3A_70 : vector<1x1xf32> to vector<64x1xf32>
    %add3A_72 = arith.addf %dot_general3A_67, %add3A_71 : vector<64x1xf32>
    %neg3A = arith.constant 0.000000e+00 : f32
    %neg3A_73 = vector.broadcast %neg3A : f32 to vector<64x1xf32>
    %neg3A_74 = arith.subf %neg3A_73, %add3A_72 : vector<64x1xf32>
    %exp3A = math.exp %neg3A_74 : vector<64x1xf32>
    %add3A_75 = arith.constant 1.000000e+00 : f32
    %add3A_76 = vector.broadcast %add3A_75 : f32 to vector<64x1xf32>
    %add3A_77 = arith.addf %add3A_76, %exp3A : vector<64x1xf32>
    %div3A_78 = arith.constant 1.000000e+00 : f32
    %div3A_79 = vector.broadcast %div3A_78 : f32 to vector<64x1xf32>
    %div3A_80 = arith.divf %div3A_79, %add3A_77 : vector<64x1xf32>
    %swap3A = arith.constant 0 : index
    %swap3A_81 = arith.constant 0 : index
    %swap3A_82 = vector.load %arg12[%swap3A, %swap3A_81] : memref<64x1xf32, #tpu.memory_space<vmem>>, vector<64x1xf32>
    tpu.vector_store %arg12[%swap3A, %swap3A_81], %div3A_80 {strides = array<i32>} : memref<64x1xf32, #tpu.memory_space<vmem>>, vector<64x1xf32>,
    return
  }
}

</mosaic_0001>

<sc_bundles>
// kernel: kernel.14.cloned.1.call-start
scs
__scs_entry_jumppad:
0x0: {  	(pc) =	sbr.rel $0x88, $3  }
0x1: {  	(tag) =	ssettag $0x0;
	lr =	simm.s32 $0x1  }
0x2: {  	[smem:$0x3F92] =	sst lr;
	_ =	strace $0xD0000000  }
0x3: {  	_ = 	snop  }
0x4: {  	_ = 	snop  }
0x5: {  	_ = 	snop  }
0x6: {  	_ = 	snop  }
0x7: {  	_ = 	snop  }
__scs_overlays_trampoline_lowered:
0x8: {  	[smem:$0x3FA1] =	sst s0  }
0x9: {  	[smem:$0x3FA2] =	sst s1  }
0xa: {  	[smem:$0x3FA3] =	sst s2  }
0xb: {  	[smem:$0x3FA4] =	sst s3  }
0xc: {  	[smem:$0x3FA5] =	sst s4  }
0xd: {  	[smem:$0x3FA6] =	sst s5  }
0xe: {  	[smem:$0x3FA7] =	sst s6  }
0xf: {  	[smem:$0x3FA8] =	sst s7  }
0x10: {  	[smem:$0x3FA9] =	sst s8  }
0x11: {  	[smem:$0x3FAA] =	sst s9;
	s0 =	simm.s32 @!p0 $0x0  }
0x12: {  	s1 =	sld [smem:$0x3F90];
	s0 =	simm.s32 @p0 $0x1  }
0x13: {  	[smem:$0x3FAB] =	sst s0;
	s0 =	simm.s32 @!p1 $0x0  }
0x14: {  	s2 =	sld [smem:$0x3F8F];
	s0 =	simm.s32 @p1 $0x1  }
0x15: {  	[smem:$0x3FAC] =	sst s0;
	s0 =	simm.s32 @!p2 $0x0  }
0x16: {  	s3 =	sld [smem:$0x3FDB];
	s0 =	simm.s32 @p2 $0x1  }
0x17: {  	s4 =	simm.s32 $0x1BF5;
	[smem:$0x3FAE] =	sst s0  }
0x18: {  	s0 =	sld [smem:$0x3F91];
	_ =	swait.ge [sflag:s4], $0x0  }
0x19: {  	s7 =	sld [smem:$0x3F92]  }
0x1a: {  	s8 =	sadd.s32 $0xFFFFE003, lr  }
0x1b: {  	s9 =	sadd.s32 $0xFFFFFEF7, lr;
	s5 =	simm.s32 $0xFFFFFFFF;
	p2 =	slt.u32 s8, $0xFFFFF086  }
0x1c: {  	p1 =	slt.u32 s9, $0xF7A;
	s5 =	simm.s32 @!p2 $0x0  }
0x1d: {  	s5 =	simm.s32 @p1 $0x1;
	p0 =	seq.s32 s7, s2  }
0x1e: {  	s7 =	smul.u32 @!p0 $0xF7A, s2;
	p2 =	seq.s32 @!p0 s5, $0x0  }
0x1f: {  	s9 =	smul.u32 $0xF7A, s1;
	s8 =	simm.s32 @!p0 $0x1BF5;
	p2 =	por !p2, p0  }
0x20: {  	[sflag:s8] =	ssyncset.s32 @!p0 $0xFFFFF086;
	s6 =	sadd.s32 @!p0 s3, s7;
	s7 =	simm.s32 @!p0 $0x108  }
0x21: {  	s3 =	sadd.s32 s3, s9;
	s6 =	sadd.s32 @!p0 $0x88, s6;
	s7 =	simm.s32 @p2 $0x1082  }
0x22: {  	[simem:s7], [sflag:s8] =	dma.local @!p0 [hbm:s6], $0xF7A  }
0x23: {  	s9 =	sor.u32 $0xD0000000, s2;
	s6 =	simm.s32 $0x108;
	_ =	swait.ge @!p0 [sflag:s8], $0x0  }
0x24: {  	s3 =	sadd.s32 $0x88, s3;
	s6 =	simm.s32 @!p1 $0x1082;
	[sflag:s4] =	ssyncset.s32 $0xFFFFF086  }
0x25: {  	[simem:s6], [sflag:s4] =	dma.local [hbm:s3], $0xF7A  }
0x26: {  	[smem:$0x3F92] =	sst s1;
	(tag) =	ssettag s2;
	_ =	strace s9  }
0x27: {  	s1 =	sld [smem:$0x3FA2]  }
0x28: {  	s2 =	sld [smem:$0x3FA3]  }
0x29: {  	s4 =	sld [smem:$0x3FA5]  }
0x2a: {  	p0 =	seq.s32 s5, $0x0;
	s5 =	sld [smem:$0x3FA6]  }
0x2b: {  	s6 =	sld [smem:$0x3FA7]  }
0x2c: {  	s7 =	sld [smem:$0x3FA8]  }
0x2d: {  	s3 =	simm.s32 $0x108;
	s8 =	sld [smem:$0x3FA9]  }
0x2e: {  	s3 =	simm.s32 @!p0 $0x1082;
	s9 =	sld [smem:$0x3FAA]  }
0x2f: {  	lr =	sadd.s32 s0, s3;
	s0 =	sld [smem:$0x3FA1]  }
0x30: {  	s3 =	sld [smem:$0x3FA4]  }
0x31: {  	[smem:$0x3FAD] =	sst s10  }
0x32: {  	s10 =	sld [smem:$0x3FAB];
	_ =	sdelay $0x3  }
0x33: {  	p0 =	seq.s32 s10, $0x1;
	s10 =	sld [smem:$0x3FAD];
	_ =	sdelay $0x3  }
0x34: {  	[smem:$0x3FAD] =	sst s10  }
0x35: {  	s10 =	sld [smem:$0x3FAC];
	_ =	sdelay $0x3  }
0x36: {  	p1 =	seq.s32 s10, $0x1;
	s10 =	sld [smem:$0x3FAD];
	_ =	sdelay $0x3  }
0x37: {  	[smem:$0x3FAD] =	sst s10  }
0x38: {  	s10 =	sld [smem:$0x3FAE]  }
0x39: {  	_ = 	snop;
	(pc) =	sbr.ind lr, $3  }
0x3a: {  	_ = 	snop  }
0x3b: {  	_ = 	snop  }
0x3c: {  	p2 =	seq.s32 s10, $0x1;
	s10 =	sld [smem:$0x3FAD]  }
0x3d: {  	_ =	shalt  }
0x3e: {  	_ =	shalt  }
0x3f: {  	_ =	shalt  }
0x40: {  	_ =	shalt  }
0x41: {  	_ =	shalt  }
0x42: {  	_ =	shalt  }
0x43: {  	_ =	shalt  }
0x44: {  	_ =	shalt  }
0x45: {  	_ =	shalt  }
0x46: {  	_ =	shalt  }
0x47: {  	_ =	shalt  }
0x48: {  	_ =	shalt  }
0x49: {  	_ =	shalt  }
0x4a: {  	_ =	shalt  }
0x4b: {  	_ =	shalt  }
0x4c: {  	_ =	shalt  }
0x4d: {  	_ =	shalt  }
0x4e: {  	_ =	shalt  }
0x4f: {  	_ =	shalt  }
0x50: {  	_ =	shalt  }
0x51: {  	_ =	shalt  }
0x52: {  	_ =	shalt  }
0x53: {  	_ =	shalt  }
0x54: {  	_ =	shalt  }
0x55: {  	_ =	shalt  }
0x56: {  	_ =	shalt  }
0x57: {  	_ =	shalt  }
0x58: {  	_ =	shalt  }
0x59: {  	_ =	shalt  }
0x5a: {  	_ =	shalt  }
0x5b: {  	_ =	shalt  }
0x5c: {  	_ =	shalt  }
0x5d: {  	_ =	shalt  }
0x5e: {  	_ =	shalt  }
0x5f: {  	_ =	shalt  }
0x60: {  	_ =	shalt  }
0x61: {  	_ =	shalt  }
0x62: {  	_ =	shalt  }
0x63: {  	_ =	shalt  }
0x64: {  	_ =	shalt  }
0x65: {  	_ =	shalt  }
0x66: {  	_ =	shalt  }
0x67: {  	_ =	shalt  }
0x68: {  	_ =	shalt  }
0x69: {  	_ =	shalt  }
0x6a: {  	_ =	shalt  }
0x6b: {  	_ =	shalt  }
0x6c: {  	_ =	shalt  }
0x6d: {  	_ =	shalt  }
0x6e: {  	_ =	shalt  }
0x6f: {  	_ =	shalt  }
0x70: {  	_ =	shalt  }
0x71: {  	_ =	shalt  }
0x72: {  	_ =	shalt  }
0x73: {  	_ =	shalt  }
0x74: {  	_ =	shalt  }
0x75: {  	_ =	shalt  }
0x76: {  	_ =	shalt  }
0x77: {  	_ =	shalt  }
0x78: {  	_ =	shalt  }
0x79: {  	_ =	shalt  }
0x7a: {  	_ =	shalt  }
0x7b: {  	_ =	shalt  }
0x7c: {  	_ =	shalt  }
0x7d: {  	_ =	shalt  }
0x7e: {  	_ =	shalt  }
0x7f: {  	_ =	shalt  }
0x80: {  	_ =	shalt  }
0x81: {  	_ =	shalt  }
0x82: {  	_ =	shalt  }
0x83: {  	_ =	shalt  }
0x84: {  	_ =	shalt  }
0x85: {  	_ =	shalt  }
0x86: {  	_ =	shalt  }
0x87: {  	_ =	shalt  }
.Lfunc_end0:
.L_simem_size_0:
called_computation_lowered:
.L_overlay_start_0:
0x88: {  	s2 =	sld [smem:$0x3FD9]  }
0x89: {  	s3 =	sld [smem:$0x3FFE];
	_ =	sdelay $0x1  }
0x8a: {  	s1 =	srdreg.scid  }
0x8b: {  	s0 =	sand.u32 $0x1, s1  }
0x8c: {  	s16 =	sshll.u32 s0, $0xA;
	s2 =	sadd.s32 s3, s2  }
0x8d: {  	s2 =	sadd.s32 s2, s16  }
0x8e: {  	[smem:$0x3FB9] =	sst s2  }
0x8f: {  	_ = 	snop  }
0x90: {  	(tm) =	ssettm $0x1  }
0x91: {  	s17 =	sld [smem:$0x3FFB];
	_ =	sdelay $0x3  }
0x92: {  	_ =	strace s17  }
0x93: {  	s2 =	sld [smem:$0x3FFC];
	_ =	sdelay $0x3  }
0x94: {  	_ =	strace s2  }
0x95: {  	s2 =	sld [smem:$0x3FFD];
	_ =	sdelay $0x3  }
0x96: {  	_ =	strace s2  }
0x97: {  	_ =	strace $0x8FFFFFFF  }
0x98: {  	s18 =	sld [smem:$0x3FDB];
	_ =	sdelay $0x1  }
0x99: {  	s19 =	simm.s32 $_scs_section_size  }
0x9a: {  	s4 =	simm.s32 $_size__tile_overlayer_lowered;
	s5 =	simm.s32 $_tile_overlayer_lowered  }
0x9b: {  	s22 =	simm.s32 $0x1BFF;
	s21 =	sshll.u32 s5, $0x1;
	s2 =	sadd.s32 s19, s18  }
0x9c: {  	s6 =	simm.s32 $0x0;
	s20 =	sshll.u32 s4, $0x1;
	s4 =	sadd.s32 s21, s2  }
0x9d: {  	[timem:s6], [sflag:s22] =	dma.local [hbm:s4], s20  }
0x9e: {  	_ =	swait.ge [sflag:s22], s20  }
0x9f: {  	s3 =	ssub.s32 $0x0, s20;
	[sflag:s22] =	ssyncset.done $0x0  }
0xa0: {  	[sflag:s22] =	ssyncadd.s32 s3;
	_ =	sdelay $0x1  }
0xa1: {  	s23 =	simm.s32 $0x1B8B  }
0xa2: {  	_ =	swait.ge [sflag:s23], $0x1  }
0xa3: {  	[sflag:s23] =	ssyncset.done $0x0  }
0xa4: {  	s25 =	simm.s32 $0x1B8E;
	s24 =	sld [smem:$0x3FFE];
	[sflag:s23] =	ssyncadd.s32 $0xFFFFFFFF  }
0xa5: {  	s26 =	simm.s32 $execute0_lowered;
	[smem:$0x3FD2] =	sst s25  }
0xa6: {  	s4 =	sshll.u32 s26, $0x1;
	_ =	strace $0x80000046;
	[dreg:$0x1] =	wrdreg $0xFFFFFFFF  }
0xa7: {  	s28 =	simm.s32 $_size_execute0_lowered;
	s2 =	sadd.s32 s2, s4;
	[dreg:$0x0] =	wrdreg $0x0  }
0xa8: {  	s4 =	sshll.u32 s28, $0x1;
	[dreg:$0x2] =	wrdreg s2  }
0xa9: {  	[dreg:$0x3] =	wrdreg s4  }
0xaa: {  	[dreg:$0x4] =	wrdreg $0xC0  }
0xab: {  	_ =	task [dreg:s6], $0x5FFFF  }
0xac: {  	[dreg:$0x1] =	wrdreg $0xFFFFFFFF  }
0xad: {  	[dreg:$0x0] =	wrdreg $0x60  }
0xae: {  	[dreg:$0x2] =	wrdreg s24  }
0xaf: {  	[dreg:$0x3] =	wrdreg $0x2B800  }
0xb0: {  	[dreg:$0x4] =	wrdreg $0x9  }
0xb1: {  	_ =	task.clear_ibuf [dreg:s6], $0x5FFFF;
	_ =	strace $0x90000046  }
0xb2: {  	s29 =	simm.s32 $0x9;
	_ =	strace $0x80000048  }
0xb3: {  	_ =	swait.ge [sflag:s29], $0x1  }
0xb4: {  	[sflag:s29] =	ssyncadd.s32 $0xFFFFFFFF  }
0xb5: {  	_ =	strace $0x90000048  }
0xb6: {  	_ =	sfence  }
0xb7: {  	s30 =	sld [smem:$0x0];
	_ =	sdelay $0x2  }
0xb8: {  	s31 =	sshll.u32 s1, $0xD;
	s1 =	sshrl.u32 s1, $0x2  }
0xb9: {  	s3 =	sand.u32 $0x4000, s31;
	s1 =	sadd.s32 s1, s30  }
0xba: {  	s0 =	sor.u32 s3, s0;
	s1 =	sshll.u32 s1, $0x11  }
0xbb: {  	s0 =	sor.u32 s1, s0  }
0xbc: {  	s0 =	sadd.s32 $0x8F2B, s0  }
0xbd: {  	[sflag:s0] =	ssyncadd.remote.s32 $0x1  }
0xbe: {  	_ =	sfence.sel $0xFFFF  }
0xbf: {  	[dreg:$0x0] =	wrdreg $0xFFFFFFFF;
	(pc) =	sbr.abs _section_cstart, $3  }
0xc0: {  	[dreg:$0x1] =	wrdreg $0xFFFFFFFF  }
0xc1: {  	_ =	task.clear_ibuf [dreg:s6], $0x2FFFF;
	_ =	strace $0x9FFFFFFF  }
0xc2: {  	(tm) =	ssettm $0x7FFFFFFF  }
0xc3: {  	_ =	shalt  }
tec
execute0_lowered:
.L_overlay_start_1:
0x0: {  	(tag) =	ssettag $0x1  }
0x1: {  	s4 =	rddreg [dreg:$0x0]  }
0x2: {  	s2 =	rddreg [dreg:$0x1];
	s3 =	srdreg.scid  }
0x3: {  	s1 =	stileid.u32;
	s0 =	rddreg [dreg:$0x2];
	s10 =	simm.s32 $0x80  }
0x4: {  	s11 =	simm.s32 $0x2800;
	s14 =	simm.s32 $0x0;
	s5 =	sand.u32 $0x1, s3  }
0x5: {  	s6 =	smul.u32 $0x300, s1;
	s3 =	simm.s32 $0x0;
	s12 =	sshll.u32 s1, $0x6  }
0x6: {  	s7 =	sshll.u32 s5, $0x4;
	s8 =	smul.u32 $0x3000, s5;
	[smem:$0x7FF] =	sst s3  }
0x7: {  	s5 =	ssub.s32 $0x2, s5;
	s12 =	sor.u32 $0x1C01, s12;
	s7 =	sor.u32 s1, s7  }
0x8: {  	s9 =	sshrl.u32 s5, $0x1;
	s7 =	smul.u32 $0x500, s7;
	s8 =	sadd.s32 s6, s8  }
0x9: {  	_ =	strace $0x80000047;
	s9 =	ssub.s32 s5, s9;
	s8 =	sshrl.u32 s8, $0x3  }
0xa: {  	s7 =	sadd.s32 s7, s4;
	s8 =	sadd.s32 s8, s4;
	s4 =	sadd.s32 s6, s2  }
0xb: {  	s5 =	sadd.s32 $0x4400, s7;
	s6 =	sadd.s32 $0x18400, s8;
	s7 =	smax.u32 s9, $0x1  }
0xc: {  	v0 =	vimm.f32 $1.000000000e+00;
	v1 =	vimm.f32 $0.0e+00;
	s8 =	simm.s32 $0x2880;
	s9 =	simm.s32 $0x1;
	s13 =	sshrl.u32 s4, $0x3  }
.LBB2_1:
0xd: {  	[tilespmem:$0x2800] =	vst v0  }
0xe: {  	[tilespmem:$0x2810] =	vst v0  }
0xf: {  	[tilespmem:$0x2820] =	vst v0  }
0x10: {  	[tilespmem:$0x2830] =	vst v0  }
0x11: {  	[tilespmem:$0x2840] =	vst v0  }
0x12: {  	[tilespmem:$0x2850] =	vst v0  }
0x13: {  	[tilespmem:$0x2860] =	vst v0  }
0x14: {  	[tilespmem:$0x2870] =	vst v0  }
0x15: {  	[tilespmem:$0x2880] =	vst v1  }
0x16: {  	[tilespmem:$0x2890] =	vst v1  }
0x17: {  	[tilespmem:$0x28A0] =	vst v1  }
0x18: {  	[tilespmem:$0x28B0] =	vst v1  }
0x19: {  	[tilespmem:$0x28C0] =	vst v1  }
0x1a: {  	[tilespmem:$0x28D0] =	vst v1  }
0x1b: {  	[tilespmem:$0x28E0] =	vst v1  }
0x1c: {  	[tilespmem:$0x28F0] =	vst v1  }
0x1d: {  	[tilespmem:$0x2900] =	vst v1  }
0x1e: {  	[tilespmem:$0x2910] =	vst v1  }
0x1f: {  	[tilespmem:$0x2920] =	vst v1  }
0x20: {  	[tilespmem:$0x2930] =	vst v1  }
0x21: {  	[tilespmem:$0x2940] =	vst v1  }
0x22: {  	[tilespmem:$0x2950] =	vst v1  }
0x23: {  	[tilespmem:$0x2960] =	vst v1  }
0x24: {  	[tilespmem:$0x2970] =	vst v1  }
0x25: {  	[tilespmem:$0x2980] =	vst v1  }
0x26: {  	[tilespmem:$0x2990] =	vst v1  }
0x27: {  	[tilespmem:$0x29A0] =	vst v1  }
0x28: {  	[tilespmem:$0x29B0] =	vst v1  }
0x29: {  	[tilespmem:$0x29C0] =	vst v1  }
0x2a: {  	[tilespmem:$0x29D0] =	vst v1  }
0x2b: {  	[tilespmem:$0x29E0] =	vst v1  }
0x2c: {  	[tilespmem:$0x29F0] =	vst v1  }
0x2d: {  	[tilespmem:$0x2A00] =	vst v1  }
0x2e: {  	[tilespmem:$0x2A10] =	vst v1  }
0x2f: {  	[tilespmem:$0x2A20] =	vst v1  }
0x30: {  	[tilespmem:$0x2A30] =	vst v1  }
0x31: {  	[tilespmem:$0x2A40] =	vst v1  }
0x32: {  	[tilespmem:$0x2A50] =	vst v1  }
0x33: {  	[tilespmem:$0x2A60] =	vst v1  }
0x34: {  	[tilespmem:$0x2A70] =	vst v1  }
0x35: {  	[tilespmem:$0x2A80] =	vst v1  }
0x36: {  	[tilespmem:$0x2A90] =	vst v1  }
0x37: {  	[tilespmem:$0x2AA0] =	vst v1  }
0x38: {  	[tilespmem:$0x2AB0] =	vst v1  }
0x39: {  	[tilespmem:$0x2AC0] =	vst v1  }
0x3a: {  	[tilespmem:$0x2AD0] =	vst v1  }
0x3b: {  	[tilespmem:$0x2AE0] =	vst v1  }
0x3c: {  	[tilespmem:$0x2AF0] =	vst v1  }
0x3d: {  	[tilespmem:$0x2B00] =	vst v1  }
0x3e: {  	[tilespmem:$0x2B10] =	vst v1  }
0x3f: {  	[tilespmem:$0x2B20] =	vst v1  }
0x40: {  	[tilespmem:$0x2B30] =	vst v1  }
0x41: {  	[tilespmem:$0x2B40] =	vst v1  }
0x42: {  	[tilespmem:$0x2B50] =	vst v1  }
0x43: {  	[tilespmem:$0x2B60] =	vst v1  }
0x44: {  	[tilespmem:$0x2B70] =	vst v1  }
0x45: {  	[spmem:s4] =	stream.linear.scatter [tilespmem:s8], [sflag:$0x1], $0x300, $0x38;
	[tilespmem:$0x2E80] =	vst v63  }
0x46: {  	_ =	swait.ge [sflag:s9], $0x300  }
0x47: {  	[sflag:s9] =	ssyncset.done $0x0  }
0x48: {  	[sflag:s9] =	ssyncadd.s32 $0xFFFFFD00  }
0x49: {  	[bflag:$0x0] =	sbarrier.arrive $0xFFFF  }
0x4a: {  	[tilespmem:s3], [sflag:$0x1] =	stream.linear.gather [hbm4b:s5+s3], $0x2800, $0x38;
	[tilespmem:$0x2E80] =	vst v63  }
0x4b: {  	_ =	swait.ge [sflag:s9], $0x2800  }
0x4c: {  	[sflag:s9] =	ssyncset.done $0x0  }
0x4d: {  	s15 =	simm.s32 $0x0;
	[sflag:s9] =	ssyncadd.s32 $0xFFFFD800  }
0x4e: {  	[spmem:s2] =	stream.indirect.scatter.add.f32 [tilespmem:s11], [sflag:$0x1], $0x1, s15, s10, $0xb8;
	[tilespmem:$0x2E80] =	vst v63  }
0x4f: {  	_ =	swait.ge [sflag:s9], $0x80  }
0x50: {  	s15 =	simm.s32 $0x200;
	[sflag:s9] =	ssyncset.done $0x0  }
.LBB2_2:
0x51: {  	s16 =	sshra.s32 s15, $0x2;
	[sflag:s9] =	ssyncadd.s32 $0xFFFFFF80;
	p0 =	sne.s32 s15, $0x9E00  }
0x52: {  	[spmem:s2] =	stream.indirect.scatter.add.f32 [tilespmem:s11], [sflag:$0x1], $0x1, s16, s10, $0xb8;
	[tilespmem:$0x2E80] =	vst v63  }
.Ltmp0:
0x53: {  	_ = 	snop;
	(pc) =	sbr.rel @p0 .LBB2_2-.Ltmp0, $4  }
0x54: {  	_ = 	snop  }
0x55: {  	s15 =	sadd.s32 $0x200, s15  }
0x56: {  	_ =	swait.ge [sflag:s9], $0x80  }
0x57: {  	[sflag:s9] =	ssyncset.done $0x0  }
0x58: {  	s14 =	sadd.s32 $0x1, s14  }
0x59: {  	[sflag:s9] =	ssyncadd.s32 $0xFFFFFF80;
	p0 =	sne.s32 s14, s7  }
.Ltmp1:
0x5a: {  	[bflag:$0x0] =	sbarrier.arrive $0xFFFF;
	(pc) =	sbr.rel @p0 .LBB2_1-.Ltmp1, $4  }
0x5b: {  	[hbm:s6], [sflag:s12] =	dma.local [spmem:s13], $0x60  }
0x5c: {  	_ =	swait.ge [sflag:s9], $0x60  }
0x5d: {  	[sflag:s9] =	ssyncset.done $0x0  }
0x5e: {  	[sflag:s9] =	ssyncadd.s32 $0xFFFFFFA0  }
0x5f: {  	_ =	sfence.sel $0x180000  }
0x60: {  	[bflag:$0x0] =	sbarrier.arrive $0xFFFF  }
0x61: {  	p0 =	sne.s32 s1, $0x0;
	_ =	strace $0x90000047  }
0x62: {  	s0 =	sadd.s32 @!p0 $0x100000, s0;
	[bflag:$0x2] =	sbarrier.arrive $0xFFFF  }
0x63: {  	[sflag:s0] =	ssyncadd.tile.s32 @!p0 $0x1;
	_ =	shalt  }
.Lfunc_end2:
_tile_overlayer_lowered:
.L_overlay_start_2:
0x64: {  	(tag) =	ssettag $0x2  }
0x65: {  	s0 =	rddreg [dreg:$0x0];
	s2 =	stileid.u32  }
0x66: {  	s1 =	rddreg [dreg:$0x1];
	p0 =	sne.s32 s2, $0x0  }
0x67: {  	s3 =	rddreg [dreg:$0x2];
	[bflag:$0x3] =	sbarrier.arrive $0xFFFF;
	s2 =	simm.s32 @!p0 $0x1C01  }
0x68: {  	[timem:s3], [sflag:s2] =	dma.local @!p0 [hbm:s0], s1  }
0x69: {  	s0 =	simm.s32 @!p0 $0x1  }
0x6a: {  	_ =	swait.ge @!p0 [sflag:s0], s1  }
0x6b: {  	s1 =	ssub.s32 @!p0 $0x0, s1;
	[sflag:s0] =	ssyncset.done @!p0 $0x0  }
0x6c: {  	[sflag:s0] =	ssyncadd.s32 @!p0 s1  }
0x6d: {  	[bflag:$0x3] =	sbarrier.arrive $0xFFFF  }
0x6e: {  	_ =	shalt  }

// kernel: kernel.17.cloned.1.call-start
scs
__scs_entry_jumppad:
0x0: {  	(pc) =	sbr.rel $0x88, $3  }
0x1: {  	(tag) =	ssettag $0x0;
	lr =	simm.s32 $0x1  }
0x2: {  	[smem:$0x3F92] =	sst lr;
	_ =	strace $0xD0000000  }
0x3: {  	_ = 	snop  }
0x4: {  	_ = 	snop  }
0x5: {  	_ = 	snop  }
0x6: {  	_ = 	snop  }
0x7: {  	_ = 	snop  }
__scs_overlays_trampoline_lowered:
0x8: {  	[smem:$0x3FA1] =	sst s0  }
0x9: {  	[smem:$0x3FA2] =	sst s1  }
0xa: {  	[smem:$0x3FA3] =	sst s2  }
0xb: {  	[smem:$0x3FA4] =	sst s3  }
0xc: {  	[smem:$0x3FA5] =	sst s4  }
0xd: {  	[smem:$0x3FA6] =	sst s5  }
0xe: {  	[smem:$0x3FA7] =	sst s6  }
0xf: {  	[smem:$0x3FA8] =	sst s7  }
0x10: {  	[smem:$0x3FA9] =	sst s8  }
0x11: {  	[smem:$0x3FAA] =	sst s9;
	s0 =	simm.s32 @!p0 $0x0  }
0x12: {  	s1 =	sld [smem:$0x3F90];
	s0 =	simm.s32 @p0 $0x1  }
0x13: {  	[smem:$0x3FAB] =	sst s0;
	s0 =	simm.s32 @!p1 $0x0  }
0x14: {  	s2 =	sld [smem:$0x3F8F];
	s0 =	simm.s32 @p1 $0x1  }
0x15: {  	[smem:$0x3FAC] =	sst s0;
	s0 =	simm.s32 @!p2 $0x0  }
0x16: {  	s3 =	sld [smem:$0x3FDB];
	s0 =	simm.s32 @p2 $0x1  }
0x17: {  	s4 =	simm.s32 $0x1BF5;
	[smem:$0x3FAE] =	sst s0  }
0x18: {  	s0 =	sld [smem:$0x3F91];
	_ =	swait.ge [sflag:s4], $0x0  }
0x19: {  	s7 =	sld [smem:$0x3F92]  }
0x1a: {  	s8 =	sadd.s32 $0xFFFFE003, lr  }
0x1b: {  	s9 =	sadd.s32 $0xFFFFFEF7, lr;
	s5 =	simm.s32 $0xFFFFFFFF;
	p2 =	slt.u32 s8, $0xFFFFF086  }
0x1c: {  	p1 =	slt.u32 s9, $0xF7A;
	s5 =	simm.s32 @!p2 $0x0  }
0x1d: {  	s5 =	simm.s32 @p1 $0x1;
	p0 =	seq.s32 s7, s2  }
0x1e: {  	s7 =	smul.u32 @!p0 $0xF7A, s2;
	p2 =	seq.s32 @!p0 s5, $0x0  }
0x1f: {  	s9 =	smul.u32 $0xF7A, s1;
	s8 =	simm.s32 @!p0 $0x1BF5;
	p2 =	por !p2, p0  }
0x20: {  	[sflag:s8] =	ssyncset.s32 @!p0 $0xFFFFF086;
	s6 =	sadd.s32 @!p0 s3, s7;
	s7 =	simm.s32 @!p0 $0x108  }
0x21: {  	s3 =	sadd.s32 s3, s9;
	s6 =	sadd.s32 @!p0 $0x88, s6;
	s7 =	simm.s32 @p2 $0x1082  }
0x22: {  	[simem:s7], [sflag:s8] =	dma.local @!p0 [hbm:s6], $0xF7A  }
0x23: {  	s9 =	sor.u32 $0xD0000000, s2;
	s6 =	simm.s32 $0x108;
	_ =	swait.ge @!p0 [sflag:s8], $0x0  }
0x24: {  	s3 =	sadd.s32 $0x88, s3;
	s6 =	simm.s32 @!p1 $0x1082;
	[sflag:s4] =	ssyncset.s32 $0xFFFFF086  }
0x25: {  	[simem:s6], [sflag:s4] =	dma.local [hbm:s3], $0xF7A  }
0x26: {  	[smem:$0x3F92] =	sst s1;
	(tag) =	ssettag s2;
	_ =	strace s9  }
0x27: {  	s1 =	sld [smem:$0x3FA2]  }
0x28: {  	s2 =	sld [smem:$0x3FA3]  }
0x29: {  	s4 =	sld [smem:$0x3FA5]  }
0x2a: {  	p0 =	seq.s32 s5, $0x0;
	s5 =	sld [smem:$0x3FA6]  }
0x2b: {  	s6 =	sld [smem:$0x3FA7]  }
0x2c: {  	s7 =	sld [smem:$0x3FA8]  }
0x2d: {  	s3 =	simm.s32 $0x108;
	s8 =	sld [smem:$0x3FA9]  }
0x2e: {  	s3 =	simm.s32 @!p0 $0x1082;
	s9 =	sld [smem:$0x3FAA]  }
0x2f: {  	lr =	sadd.s32 s0, s3;
	s0 =	sld [smem:$0x3FA1]  }
0x30: {  	s3 =	sld [smem:$0x3FA4]  }
0x31: {  	[smem:$0x3FAD] =	sst s10  }
0x32: {  	s10 =	sld [smem:$0x3FAB];
	_ =	sdelay $0x3  }
0x33: {  	p0 =	seq.s32 s10, $0x1;
	s10 =	sld [smem:$0x3FAD];
	_ =	sdelay $0x3  }
0x34: {  	[smem:$0x3FAD] =	sst s10  }
0x35: {  	s10 =	sld [smem:$0x3FAC];
	_ =	sdelay $0x3  }
0x36: {  	p1 =	seq.s32 s10, $0x1;
	s10 =	sld [smem:$0x3FAD];
	_ =	sdelay $0x3  }
0x37: {  	[smem:$0x3FAD] =	sst s10  }
0x38: {  	s10 =	sld [smem:$0x3FAE]  }
0x39: {  	_ = 	snop;
	(pc) =	sbr.ind lr, $3  }
0x3a: {  	_ = 	snop  }
0x3b: {  	_ = 	snop  }
0x3c: {  	p2 =	seq.s32 s10, $0x1;
	s10 =	sld [smem:$0x3FAD]  }
0x3d: {  	_ =	shalt  }
0x3e: {  	_ =	shalt  }
0x3f: {  	_ =	shalt  }
0x40: {  	_ =	shalt  }
0x41: {  	_ =	shalt  }
0x42: {  	_ =	shalt  }
0x43: {  	_ =	shalt  }
0x44: {  	_ =	shalt  }
0x45: {  	_ =	shalt  }
0x46: {  	_ =	shalt  }
0x47: {  	_ =	shalt  }
0x48: {  	_ =	shalt  }
0x49: {  	_ =	shalt  }
0x4a: {  	_ =	shalt  }
0x4b: {  	_ =	shalt  }
0x4c: {  	_ =	shalt  }
0x4d: {  	_ =	shalt  }
0x4e: {  	_ =	shalt  }
0x4f: {  	_ =	shalt  }
0x50: {  	_ =	shalt  }
0x51: {  	_ =	shalt  }
0x52: {  	_ =	shalt  }
0x53: {  	_ =	shalt  }
0x54: {  	_ =	shalt  }
0x55: {  	_ =	shalt  }
0x56: {  	_ =	shalt  }
0x57: {  	_ =	shalt  }
0x58: {  	_ =	shalt  }
0x59: {  	_ =	shalt  }
0x5a: {  	_ =	shalt  }
0x5b: {  	_ =	shalt  }
0x5c: {  	_ =	shalt  }
0x5d: {  	_ =	shalt  }
0x5e: {  	_ =	shalt  }
0x5f: {  	_ =	shalt  }
0x60: {  	_ =	shalt  }
0x61: {  	_ =	shalt  }
0x62: {  	_ =	shalt  }
0x63: {  	_ =	shalt  }
0x64: {  	_ =	shalt  }
0x65: {  	_ =	shalt  }
0x66: {  	_ =	shalt  }
0x67: {  	_ =	shalt  }
0x68: {  	_ =	shalt  }
0x69: {  	_ =	shalt  }
0x6a: {  	_ =	shalt  }
0x6b: {  	_ =	shalt  }
0x6c: {  	_ =	shalt  }
0x6d: {  	_ =	shalt  }
0x6e: {  	_ =	shalt  }
0x6f: {  	_ =	shalt  }
0x70: {  	_ =	shalt  }
0x71: {  	_ =	shalt  }
0x72: {  	_ =	shalt  }
0x73: {  	_ =	shalt  }
0x74: {  	_ =	shalt  }
0x75: {  	_ =	shalt  }
0x76: {  	_ =	shalt  }
0x77: {  	_ =	shalt  }
0x78: {  	_ =	shalt  }
0x79: {  	_ =	shalt  }
0x7a: {  	_ =	shalt  }
0x7b: {  	_ =	shalt  }
0x7c: {  	_ =	shalt  }
0x7d: {  	_ =	shalt  }
0x7e: {  	_ =	shalt  }
0x7f: {  	_ =	shalt  }
0x80: {  	_ =	shalt  }
0x81: {  	_ =	shalt  }
0x82: {  	_ =	shalt  }
0x83: {  	_ =	shalt  }
0x84: {  	_ =	shalt  }
0x85: {  	_ =	shalt  }
0x86: {  	_ =	shalt  }
0x87: {  	_ =	shalt  }
.Lfunc_end0:
.L_simem_size_0:
called_computation.1_lowered:
.L_overlay_start_0:
0x88: {  	s2 =	sld [smem:$0x3FD9]  }
0x89: {  	s3 =	sld [smem:$0x3FFE];
	_ =	sdelay $0x1  }
0x8a: {  	s1 =	srdreg.scid  }
0x8b: {  	s0 =	sand.u32 $0x1, s1  }
0x8c: {  	s16 =	sshll.u32 s0, $0xA;
	s2 =	sadd.s32 s3, s2  }
0x8d: {  	s2 =	sadd.s32 s2, s16  }
0x8e: {  	[smem:$0x3FB9] =	sst s2  }
0x8f: {  	_ = 	snop  }
0x90: {  	(tm) =	ssettm $0x1  }
0x91: {  	s17 =	sld [smem:$0x3FFB];
	_ =	sdelay $0x3  }
0x92: {  	_ =	strace s17  }
0x93: {  	s2 =	sld [smem:$0x3FFC];
	_ =	sdelay $0x3  }
0x94: {  	_ =	strace s2  }
0x95: {  	s2 =	sld [smem:$0x3FFD];
	_ =	sdelay $0x3  }
0x96: {  	_ =	strace s2  }
0x97: {  	_ =	strace $0x8FFFFFFF  }
0x98: {  	s18 =	sld [smem:$0x3FDB];
	_ =	sdelay $0x1  }
0x99: {  	s19 =	simm.s32 $_scs_section_size  }
0x9a: {  	s4 =	simm.s32 $_size__tile_overlayer_lowered;
	s5 =	simm.s32 $_tile_overlayer_lowered  }
0x9b: {  	s22 =	simm.s32 $0x1BFF;
	s21 =	sshll.u32 s5, $0x1;
	s2 =	sadd.s32 s19, s18  }
0x9c: {  	s6 =	simm.s32 $0x0;
	s20 =	sshll.u32 s4, $0x1;
	s4 =	sadd.s32 s21, s2  }
0x9d: {  	[timem:s6], [sflag:s22] =	dma.local [hbm:s4], s20  }
0x9e: {  	_ =	swait.ge [sflag:s22], s20  }
0x9f: {  	s3 =	ssub.s32 $0x0, s20;
	[sflag:s22] =	ssyncset.done $0x0  }
0xa0: {  	[sflag:s22] =	ssyncadd.s32 s3;
	_ =	sdelay $0x1  }
0xa1: {  	s23 =	simm.s32 $0x1B8B  }
0xa2: {  	_ =	swait.ge [sflag:s23], $0x1  }
0xa3: {  	[sflag:s23] =	ssyncset.done $0x0  }
0xa4: {  	s25 =	simm.s32 $0x1B8E;
	s24 =	sld [smem:$0x3FFE];
	[sflag:s23] =	ssyncadd.s32 $0xFFFFFFFF  }
0xa5: {  	s26 =	simm.s32 $execute0_lowered;
	[smem:$0x3FD2] =	sst s25  }
0xa6: {  	s4 =	sshll.u32 s26, $0x1;
	_ =	strace $0x80000049;
	[dreg:$0x1] =	wrdreg $0xFFFFFFFF  }
0xa7: {  	s28 =	simm.s32 $_size_execute0_lowered;
	s2 =	sadd.s32 s2, s4;
	[dreg:$0x0] =	wrdreg $0x0  }
0xa8: {  	s4 =	sshll.u32 s28, $0x1;
	[dreg:$0x2] =	wrdreg s2  }
0xa9: {  	[dreg:$0x3] =	wrdreg s4  }
0xaa: {  	[dreg:$0x4] =	wrdreg $0xC0  }
0xab: {  	_ =	task [dreg:s6], $0x5FFFF  }
0xac: {  	[dreg:$0x1] =	wrdreg $0xFFFFFFFF  }
0xad: {  	[dreg:$0x0] =	wrdreg $0x60  }
0xae: {  	[dreg:$0x2] =	wrdreg s24  }
0xaf: {  	[dreg:$0x3] =	wrdreg $0xC0000  }
0xb0: {  	[dreg:$0x4] =	wrdreg $0x9  }
0xb1: {  	_ =	task.clear_ibuf [dreg:s6], $0x5FFFF;
	_ =	strace $0x90000049  }
0xb2: {  	s29 =	simm.s32 $0x9;
	_ =	strace $0x8000004B  }
0xb3: {  	_ =	swait.ge [sflag:s29], $0x1  }
0xb4: {  	[sflag:s29] =	ssyncadd.s32 $0xFFFFFFFF  }
0xb5: {  	_ =	strace $0x9000004B  }
0xb6: {  	_ =	sfence  }
0xb7: {  	s30 =	sld [smem:$0x0];
	_ =	sdelay $0x2  }
0xb8: {  	s31 =	sshll.u32 s1, $0xD;
	s1 =	sshrl.u32 s1, $0x2  }
0xb9: {  	s3 =	sand.u32 $0x4000, s31;
	s1 =	sadd.s32 s1, s30  }
0xba: {  	s0 =	sor.u32 s3, s0;
	s1 =	sshll.u32 s1, $0x11  }
0xbb: {  	s0 =	sor.u32 s1, s0  }
0xbc: {  	s0 =	sadd.s32 $0x8F2B, s0  }
0xbd: {  	[sflag:s0] =	ssyncadd.remote.s32 $0x1  }
0xbe: {  	_ =	sfence.sel $0xFFFF  }
0xbf: {  	[dreg:$0x0] =	wrdreg $0xFFFFFFFF;
	(pc) =	sbr.abs _section_cstart, $3  }
0xc0: {  	[dreg:$0x1] =	wrdreg $0xFFFFFFFF  }
0xc1: {  	_ =	task.clear_ibuf [dreg:s6], $0x2FFFF;
	_ =	strace $0x9FFFFFFF  }
0xc2: {  	(tm) =	ssettm $0x7FFFFFFF  }
0xc3: {  	_ =	shalt  }
tec
execute0_lowered:
.L_overlay_start_1:
0x0: {  	(tag) =	ssettag $0x1  }
0x1: {  	s6 =	rddreg [dreg:$0x0]  }
0x2: {  	s2 =	rddreg [dreg:$0x1]  }
0x3: {  	s0 =	rddreg [dreg:$0x2];
	s4 =	srdreg.scid  }
0x4: {  	s1 =	stileid.u32;
	s3 =	simm.s32 $0x0;
	s21 =	simm.s32 $0xA000  }
0x5: {  	s22 =	simm.s32 $0x2;
	s23 =	simm.s32 $0x80;
	s5 =	smul.u32 $0x60, s1  }
0x6: {  	s24 =	simm.s32 $0x6000;
	s25 =	simm.s32 $0x1;
	s10 =	smul.u32 $0x14000, s1  }
0x7: {  	s26 =	simm.s32 $0x0;
	s7 =	sand.u32 $0x1, s4;
	s29 =	smul.u32 $0x50000, s1  }
0x8: {  	[smem:$0x7FF] =	sst s3;
	s4 =	sshll.u32 s1, $0x6;
	s8 =	smul.u32 $0x140000, s7  }
0x9: {  	p0 =	seq.s32 s7, $0x0;
	s9 =	sadd.s32 $0x600, s4;
	_ =	strace $0x8000004A  }
0xa: {  	s7 =	ssub.s32 $0x2, s7;
	s9 =	smov.u32 @p0 s5;
	s5 =	sadd.s32 $0x2D400, s6  }
0xb: {  	s30 =	sshrl.u32 s7, $0x1;
	s31 =	sshrl.u32 s29, $0x2;
	s9 =	sshll.u32 s9, $0x4  }
0xc: {  	s8 =	sadd.s32 s10, s8;
	s12 =	ssub.s32 s7, s30;
	s7 =	sadd.s32 s31, s2  }
0xd: {  	s8 =	sshrl.u32 s8, $0x3;
	s9 =	sadd.s32 s9, s6;
	s13 =	sadd.s32 $0x4000, s7  }
0xe: {  	s14 =	sadd.s32 $0x6000, s7;
	s15 =	sadd.s32 $0x8000, s7;
	s16 =	sadd.s32 $0xA000, s7  }
0xf: {  	s17 =	sadd.s32 $0xC000, s7;
	s18 =	sadd.s32 $0xE000, s7;
	s19 =	sadd.s32 $0x10000, s7  }
0x10: {  	s20 =	sadd.s32 $0x12000, s7;
	s11 =	sadd.s32 s8, s6;
	s6 =	simm.s32 $0x60  }
0x11: {  	s8 =	sadd.s32 $0x23200, s9;
	s9 =	sadd.s32 $0x19000, s9;
	s6 =	simm.s32 @!p0 $0x40  }
0x12: {  	v0 =	vimm.f32 $0.0e+00;
	s10 =	sadd.s32 $0x7D400, s11;
	s11 =	smax.u32 s12, $0x1;
	s12 =	sadd.s32 $0x2000, s7  }
.LBB2_1:
0x13: {  	s28 =	sand.u32 $0x7E00, s3  }
0x14: {  	s29 =	sand.u32 $0x70, s3;
	s30 =	sshrl.u32 s28, $0x2  }
0x15: {  	s28 =	simm.s32 $0x40;
	s30 =	sor.u32 s29, s30;
	s29 =	simm.s32 $0x0  }
.LBB2_2:
0x16: {  	p0 =	sne.s32 s28, $0x7FC0  }
0x17: {  	[tilespmem:s30+$0xA000] =	vst v0;
	s29 =	sadd.s32 $0x10, s29;
	s30 =	smov.u32 s28;
	s28 =	sadd.s32 $0x40, s28  }
.Ltmp0:
0x18: {  	(pc) =	sbr.rel @p0 .LBB2_2-.Ltmp0, $4  }
0x19: {  	_ = 	snop  }
0x1a: {  	s30 =	sand.u32 $0x7E00, s30  }
0x1b: {  	s31 =	sand.u32 $0x70, s29;
	s30 =	sshrl.u32 s30, $0x2  }
0x1c: {  	s30 =	sor.u32 s31, s30  }
0x1d: {  	[tilespmem:s30+$0xA000] =	vst v0  }
0x1e: {  	[spmem:s7] =	stream.linear.scatter [tilespmem:s21], [sflag:$0x2], $0x2000, $0x38;
	v63 =	vld [tilespmem:$0x0]  }
0x1f: {  	_ =	swait.ge [sflag:s22], $0x2000  }
0x20: {  	[sflag:s22] =	ssyncset.done $0x0  }
0x21: {  	[sflag:s22] =	ssyncadd.s32 $0xFFFFE000  }
0x22: {  	[spmem:s12] =	stream.linear.scatter [tilespmem:s21], [sflag:$0x2], $0x2000, $0x38;
	v63 =	vld [tilespmem:$0x0]  }
0x23: {  	_ =	swait.ge [sflag:s22], $0x2000  }
0x24: {  	[sflag:s22] =	ssyncset.done $0x0  }
0x25: {  	[sflag:s22] =	ssyncadd.s32 $0xFFFFE000  }
0x26: {  	[spmem:s13] =	stream.linear.scatter [tilespmem:s21], [sflag:$0x2], $0x2000, $0x38;
	v63 =	vld [tilespmem:$0x0]  }
0x27: {  	_ =	swait.ge [sflag:s22], $0x2000  }
0x28: {  	[sflag:s22] =	ssyncset.done $0x0  }
0x29: {  	[sflag:s22] =	ssyncadd.s32 $0xFFFFE000  }
0x2a: {  	[spmem:s14] =	stream.linear.scatter [tilespmem:s21], [sflag:$0x2], $0x2000, $0x38;
	v63 =	vld [tilespmem:$0x0]  }
0x2b: {  	_ =	swait.ge [sflag:s22], $0x2000  }
0x2c: {  	[sflag:s22] =	ssyncset.done $0x0  }
0x2d: {  	[sflag:s22] =	ssyncadd.s32 $0xFFFFE000  }
0x2e: {  	[spmem:s15] =	stream.linear.scatter [tilespmem:s21], [sflag:$0x2], $0x2000, $0x38;
	v63 =	vld [tilespmem:$0x0]  }
0x2f: {  	_ =	swait.ge [sflag:s22], $0x2000  }
0x30: {  	[sflag:s22] =	ssyncset.done $0x0  }
0x31: {  	[sflag:s22] =	ssyncadd.s32 $0xFFFFE000  }
0x32: {  	[spmem:s16] =	stream.linear.scatter [tilespmem:s21], [sflag:$0x2], $0x2000, $0x38;
	v63 =	vld [tilespmem:$0x0]  }
0x33: {  	_ =	swait.ge [sflag:s22], $0x2000  }
0x34: {  	[sflag:s22] =	ssyncset.done $0x0  }
0x35: {  	[sflag:s22] =	ssyncadd.s32 $0xFFFFE000  }
0x36: {  	[spmem:s17] =	stream.linear.scatter [tilespmem:s21], [sflag:$0x2], $0x2000, $0x38;
	v63 =	vld [tilespmem:$0x0]  }
0x37: {  	_ =	swait.ge [sflag:s22], $0x2000  }
0x38: {  	[sflag:s22] =	ssyncset.done $0x0  }
0x39: {  	[sflag:s22] =	ssyncadd.s32 $0xFFFFE000  }
0x3a: {  	[spmem:s18] =	stream.linear.scatter [tilespmem:s21], [sflag:$0x2], $0x2000, $0x38;
	v63 =	vld [tilespmem:$0x0]  }
0x3b: {  	_ =	swait.ge [sflag:s22], $0x2000  }
0x3c: {  	[sflag:s22] =	ssyncset.done $0x0  }
0x3d: {  	[sflag:s22] =	ssyncadd.s32 $0xFFFFE000  }
0x3e: {  	[spmem:s19] =	stream.linear.scatter [tilespmem:s21], [sflag:$0x2], $0x2000, $0x38;
	v63 =	vld [tilespmem:$0x0]  }
0x3f: {  	_ =	swait.ge [sflag:s22], $0x2000  }
0x40: {  	[sflag:s22] =	ssyncset.done $0x0  }
0x41: {  	[sflag:s22] =	ssyncadd.s32 $0xFFFFE000  }
0x42: {  	[spmem:s20] =	stream.linear.scatter [tilespmem:s21], [sflag:$0x2], $0x2000, $0x38;
	v63 =	vld [tilespmem:$0x0]  }
0x43: {  	_ =	swait.ge [sflag:s22], $0x2000  }
0x44: {  	[sflag:s22] =	ssyncset.done $0x0  }
0x45: {  	[sflag:s22] =	ssyncadd.s32 $0xFFFFE000  }
0x46: {  	s28 =	simm.s32 $0x0;
	[bflag:$0x0] =	sbarrier.arrive $0xFFFF  }
0x47: {  	[tilespmem:s28], [sflag:$0x2] =	stream.linear.gather [hbm4b:s8+s28], $0x3000, $0x38;
	v63 =	vld [tilespmem:$0x0]  }
0x48: {  	_ =	swait.ge [sflag:s22], $0x3000  }
0x49: {  	[sflag:s22] =	ssyncset.done $0x0  }
0x4a: {  	s29 =	simm.s32 $0x3000;
	[sflag:s22] =	ssyncadd.s32 $0xFFFFD000  }
0x4b: {  	[tilespmem:s29], [sflag:$0x2] =	stream.linear.gather [hbm4b:s9+s28], $0x3000, $0x38;
	v63 =	vld [tilespmem:$0x0]  }
0x4c: {  	_ =	swait.ge [sflag:s22], $0x3000  }
0x4d: {  	[sflag:s22] =	ssyncset.done $0x0  }
0x4e: {  	[sflag:s22] =	ssyncadd.s32 $0xFFFFD000  }
0x4f: {  	[tilespmem:s24], [sflag:$0x1] =	stream.indirect.gather [hbm4b:s5+s23], $0x80, s28, s23, $0xb8;
	v63 =	vld [tilespmem:$0x0]  }
0x50: {  	p0 =	sne.s32 s6, $0x1;
	_ =	swait.ge [sflag:s25], $0x4000  }
.Ltmp1:
0x51: {  	[sflag:s25] =	ssyncset.done $0x0;
	(pc) =	sbr.rel @!p0 .LBB2_5-.Ltmp1, $4  }
0x52: {  	[sflag:s25] =	ssyncadd.s32 $0xFFFFC000  }
0x53: {  	[spmem:s2] =	stream.indirect.scatter.add.f32 [tilespmem:s24], [sflag:$0x2], $0x80, s29, s23, $0xb8;
	v63 =	vld [tilespmem:$0x0]  }
0x54: {  	_ =	swait.ge [sflag:s22], $0x4000  }
0x55: {  	s30 =	sadd.s32 $0xFFFFFFFF, s6;
	[sflag:s22] =	ssyncset.done $0x0  }
.LBB2_4:
0x56: {  	[sflag:s22] =	ssyncadd.s32 $0xFFFFC000;
	s28 =	sadd.s32 $0x80, s28;
	s29 =	sadd.s32 $0x80, s29  }
0x57: {  	[tilespmem:s24], [sflag:$0x1] =	stream.indirect.gather [hbm4b:s5+s23], $0x80, s28, s23, $0xb8;
	v63 =	vld [tilespmem:$0x0]  }
0x58: {  	p0 =	sne.s32 s30, $0x1;
	s30 =	sadd.s32 $0xFFFFFFFF, s30;
	_ =	swait.ge [sflag:s25], $0x4000  }
.Ltmp2:
0x59: {  	[sflag:s25] =	ssyncset.done $0x0;
	(pc) =	sbr.rel @p0 .LBB2_4-.Ltmp2, $4  }
0x5a: {  	[sflag:s25] =	ssyncadd.s32 $0xFFFFC000  }
0x5b: {  	[spmem:s2] =	stream.indirect.scatter.add.f32 [tilespmem:s24], [sflag:$0x2], $0x80, s29, s23, $0xb8;
	v63 =	vld [tilespmem:$0x0]  }
0x5c: {  	_ =	swait.ge [sflag:s22], $0x4000  }
0x5d: {  	[sflag:s22] =	ssyncset.done $0x0  }
.LBB2_5:
0x5e: {  	s26 =	sadd.s32 $0x1, s26  }
0x5f: {  	[sflag:s22] =	ssyncadd.s32 $0xFFFFC000;
	s28 =	sor.u32 $0x1C02, s4;
	p0 =	sne.s32 s26, s11  }
.Ltmp3:
0x60: {  	s29 =	sshrl.u32 s7, $0x3;
	[bflag:$0x0] =	sbarrier.arrive $0xFFFF;
	(pc) =	sbr.rel @p0 .LBB2_1-.Ltmp3, $4  }
0x61: {  	[hbm:s10], [sflag:s28] =	dma.local [spmem:s29], $0x2800  }
0x62: {  	_ =	swait.ge [sflag:s22], $0x2800  }
0x63: {  	[sflag:s22] =	ssyncset.done $0x0  }
0x64: {  	[sflag:s22] =	ssyncadd.s32 $0xFFFFD800  }
0x65: {  	_ =	sfence.sel $0x180000  }
0x66: {  	[bflag:$0x0] =	sbarrier.arrive $0xFFFF  }
0x67: {  	p0 =	sne.s32 s1, $0x0;
	_ =	strace $0x9000004A  }
0x68: {  	s0 =	sadd.s32 @!p0 $0x100000, s0;
	[bflag:$0x2] =	sbarrier.arrive $0xFFFF  }
0x69: {  	[sflag:s0] =	ssyncadd.tile.s32 @!p0 $0x1;
	_ =	shalt  }
.Lfunc_end2:
_tile_overlayer_lowered:
.L_overlay_start_2:
0x6a: {  	(tag) =	ssettag $0x2  }
0x6b: {  	s0 =	rddreg [dreg:$0x0];
	s2 =	stileid.u32  }
0x6c: {  	s1 =	rddreg [dreg:$0x1];
	p0 =	sne.s32 s2, $0x0  }
0x6d: {  	s3 =	rddreg [dreg:$0x2];
	[bflag:$0x3] =	sbarrier.arrive $0xFFFF;
	s2 =	simm.s32 @!p0 $0x1C02  }
0x6e: {  	[timem:s3], [sflag:s2] =	dma.local @!p0 [hbm:s0], s1  }
0x6f: {  	s0 =	simm.s32 @!p0 $0x2  }
0x70: {  	_ =	swait.ge @!p0 [sflag:s0], s1  }
0x71: {  	s1 =	ssub.s32 @!p0 $0x0, s1;
	[sflag:s0] =	ssyncset.done @!p0 $0x0  }
0x72: {  	[sflag:s0] =	ssyncadd.s32 @!p0 s1  }
0x73: {  	[bflag:$0x3] =	sbarrier.arrive $0xFFFF  }
0x74: {  	_ =	shalt  }

// kernel: kernel.20.cloned.1.call-start
scs
__scs_entry_jumppad:
0x0: {  	(pc) =	sbr.rel $0x88, $3  }
0x1: {  	(tag) =	ssettag $0x0;
	lr =	simm.s32 $0x1  }
0x2: {  	[smem:$0x3F92] =	sst lr;
	_ =	strace $0xD0000000  }
0x3: {  	_ = 	snop  }
0x4: {  	_ = 	snop  }
0x5: {  	_ = 	snop  }
0x6: {  	_ = 	snop  }
0x7: {  	_ = 	snop  }
__scs_overlays_trampoline_lowered:
0x8: {  	[smem:$0x3FA1] =	sst s0  }
0x9: {  	[smem:$0x3FA2] =	sst s1  }
0xa: {  	[smem:$0x3FA3] =	sst s2  }
0xb: {  	[smem:$0x3FA4] =	sst s3  }
0xc: {  	[smem:$0x3FA5] =	sst s4  }
0xd: {  	[smem:$0x3FA6] =	sst s5  }
0xe: {  	[smem:$0x3FA7] =	sst s6  }
0xf: {  	[smem:$0x3FA8] =	sst s7  }
0x10: {  	[smem:$0x3FA9] =	sst s8  }
0x11: {  	[smem:$0x3FAA] =	sst s9;
	s0 =	simm.s32 @!p0 $0x0  }
0x12: {  	s1 =	sld [smem:$0x3F90];
	s0 =	simm.s32 @p0 $0x1  }
0x13: {  	[smem:$0x3FAB] =	sst s0;
	s0 =	simm.s32 @!p1 $0x0  }
0x14: {  	s2 =	sld [smem:$0x3F8F];
	s0 =	simm.s32 @p1 $0x1  }
0x15: {  	[smem:$0x3FAC] =	sst s0;
	s0 =	simm.s32 @!p2 $0x0  }
0x16: {  	s3 =	sld [smem:$0x3FDB];
	s0 =	simm.s32 @p2 $0x1  }
0x17: {  	s4 =	simm.s32 $0x1BF5;
	[smem:$0x3FAE] =	sst s0  }
0x18: {  	s0 =	sld [smem:$0x3F91];
	_ =	swait.ge [sflag:s4], $0x0  }
0x19: {  	s7 =	sld [smem:$0x3F92]  }
0x1a: {  	s8 =	sadd.s32 $0xFFFFE003, lr  }
0x1b: {  	s9 =	sadd.s32 $0xFFFFFEF7, lr;
	s5 =	simm.s32 $0xFFFFFFFF;
	p2 =	slt.u32 s8, $0xFFFFF086  }
0x1c: {  	p1 =	slt.u32 s9, $0xF7A;
	s5 =	simm.s32 @!p2 $0x0  }
0x1d: {  	s5 =	simm.s32 @p1 $0x1;
	p0 =	seq.s32 s7, s2  }
0x1e: {  	s7 =	smul.u32 @!p0 $0xF7A, s2;
	p2 =	seq.s32 @!p0 s5, $0x0  }
0x1f: {  	s9 =	smul.u32 $0xF7A, s1;
	s8 =	simm.s32 @!p0 $0x1BF5;
	p2 =	por !p2, p0  }
0x20: {  	[sflag:s8] =	ssyncset.s32 @!p0 $0xFFFFF086;
	s6 =	sadd.s32 @!p0 s3, s7;
	s7 =	simm.s32 @!p0 $0x108  }
0x21: {  	s3 =	sadd.s32 s3, s9;
	s6 =	sadd.s32 @!p0 $0x88, s6;
	s7 =	simm.s32 @p2 $0x1082  }
0x22: {  	[simem:s7], [sflag:s8] =	dma.local @!p0 [hbm:s6], $0xF7A  }
0x23: {  	s9 =	sor.u32 $0xD0000000, s2;
	s6 =	simm.s32 $0x108;
	_ =	swait.ge @!p0 [sflag:s8], $0x0  }
0x24: {  	s3 =	sadd.s32 $0x88, s3;
	s6 =	simm.s32 @!p1 $0x1082;
	[sflag:s4] =	ssyncset.s32 $0xFFFFF086  }
0x25: {  	[simem:s6], [sflag:s4] =	dma.local [hbm:s3], $0xF7A  }
0x26: {  	[smem:$0x3F92] =	sst s1;
	(tag) =	ssettag s2;
	_ =	strace s9  }
0x27: {  	s1 =	sld [smem:$0x3FA2]  }
0x28: {  	s2 =	sld [smem:$0x3FA3]  }
0x29: {  	s4 =	sld [smem:$0x3FA5]  }
0x2a: {  	p0 =	seq.s32 s5, $0x0;
	s5 =	sld [smem:$0x3FA6]  }
0x2b: {  	s6 =	sld [smem:$0x3FA7]  }
0x2c: {  	s7 =	sld [smem:$0x3FA8]  }
0x2d: {  	s3 =	simm.s32 $0x108;
	s8 =	sld [smem:$0x3FA9]  }
0x2e: {  	s3 =	simm.s32 @!p0 $0x1082;
	s9 =	sld [smem:$0x3FAA]  }
0x2f: {  	lr =	sadd.s32 s0, s3;
	s0 =	sld [smem:$0x3FA1]  }
0x30: {  	s3 =	sld [smem:$0x3FA4]  }
0x31: {  	[smem:$0x3FAD] =	sst s10  }
0x32: {  	s10 =	sld [smem:$0x3FAB];
	_ =	sdelay $0x3  }
0x33: {  	p0 =	seq.s32 s10, $0x1;
	s10 =	sld [smem:$0x3FAD];
	_ =	sdelay $0x3  }
0x34: {  	[smem:$0x3FAD] =	sst s10  }
0x35: {  	s10 =	sld [smem:$0x3FAC];
	_ =	sdelay $0x3  }
0x36: {  	p1 =	seq.s32 s10, $0x1;
	s10 =	sld [smem:$0x3FAD];
	_ =	sdelay $0x3  }
0x37: {  	[smem:$0x3FAD] =	sst s10  }
0x38: {  	s10 =	sld [smem:$0x3FAE]  }
0x39: {  	_ = 	snop;
	(pc) =	sbr.ind lr, $3  }
0x3a: {  	_ = 	snop  }
0x3b: {  	_ = 	snop  }
0x3c: {  	p2 =	seq.s32 s10, $0x1;
	s10 =	sld [smem:$0x3FAD]  }
0x3d: {  	_ =	shalt  }
0x3e: {  	_ =	shalt  }
0x3f: {  	_ =	shalt  }
0x40: {  	_ =	shalt  }
0x41: {  	_ =	shalt  }
0x42: {  	_ =	shalt  }
0x43: {  	_ =	shalt  }
0x44: {  	_ =	shalt  }
0x45: {  	_ =	shalt  }
0x46: {  	_ =	shalt  }
0x47: {  	_ =	shalt  }
0x48: {  	_ =	shalt  }
0x49: {  	_ =	shalt  }
0x4a: {  	_ =	shalt  }
0x4b: {  	_ =	shalt  }
0x4c: {  	_ =	shalt  }
0x4d: {  	_ =	shalt  }
0x4e: {  	_ =	shalt  }
0x4f: {  	_ =	shalt  }
0x50: {  	_ =	shalt  }
0x51: {  	_ =	shalt  }
0x52: {  	_ =	shalt  }
0x53: {  	_ =	shalt  }
0x54: {  	_ =	shalt  }
0x55: {  	_ =	shalt  }
0x56: {  	_ =	shalt  }
0x57: {  	_ =	shalt  }
0x58: {  	_ =	shalt  }
0x59: {  	_ =	shalt  }
0x5a: {  	_ =	shalt  }
0x5b: {  	_ =	shalt  }
0x5c: {  	_ =	shalt  }
0x5d: {  	_ =	shalt  }
0x5e: {  	_ =	shalt  }
0x5f: {  	_ =	shalt  }
0x60: {  	_ =	shalt  }
0x61: {  	_ =	shalt  }
0x62: {  	_ =	shalt  }
0x63: {  	_ =	shalt  }
0x64: {  	_ =	shalt  }
0x65: {  	_ =	shalt  }
0x66: {  	_ =	shalt  }
0x67: {  	_ =	shalt  }
0x68: {  	_ =	shalt  }
0x69: {  	_ =	shalt  }
0x6a: {  	_ =	shalt  }
0x6b: {  	_ =	shalt  }
0x6c: {  	_ =	shalt  }
0x6d: {  	_ =	shalt  }
0x6e: {  	_ =	shalt  }
0x6f: {  	_ =	shalt  }
0x70: {  	_ =	shalt  }
0x71: {  	_ =	shalt  }
0x72: {  	_ =	shalt  }
0x73: {  	_ =	shalt  }
0x74: {  	_ =	shalt  }
0x75: {  	_ =	shalt  }
0x76: {  	_ =	shalt  }
0x77: {  	_ =	shalt  }
0x78: {  	_ =	shalt  }
0x79: {  	_ =	shalt  }
0x7a: {  	_ =	shalt  }
0x7b: {  	_ =	shalt  }
0x7c: {  	_ =	shalt  }
0x7d: {  	_ =	shalt  }
0x7e: {  	_ =	shalt  }
0x7f: {  	_ =	shalt  }
0x80: {  	_ =	shalt  }
0x81: {  	_ =	shalt  }
0x82: {  	_ =	shalt  }
0x83: {  	_ =	shalt  }
0x84: {  	_ =	shalt  }
0x85: {  	_ =	shalt  }
0x86: {  	_ =	shalt  }
0x87: {  	_ =	shalt  }
.Lfunc_end0:
.L_simem_size_0:
called_computation.2_lowered:
.L_overlay_start_0:
0x88: {  	s2 =	sld [smem:$0x3FD9]  }
0x89: {  	s3 =	sld [smem:$0x3FFE];
	_ =	sdelay $0x1  }
0x8a: {  	s1 =	srdreg.scid  }
0x8b: {  	s0 =	sand.u32 $0x1, s1  }
0x8c: {  	s16 =	sshll.u32 s0, $0xA;
	s2 =	sadd.s32 s3, s2  }
0x8d: {  	s2 =	sadd.s32 s2, s16  }
0x8e: {  	[smem:$0x3FB9] =	sst s2  }
0x8f: {  	_ = 	snop  }
0x90: {  	(tm) =	ssettm $0x1  }
0x91: {  	s17 =	sld [smem:$0x3FFB];
	_ =	sdelay $0x3  }
0x92: {  	_ =	strace s17  }
0x93: {  	s2 =	sld [smem:$0x3FFC];
	_ =	sdelay $0x3  }
0x94: {  	_ =	strace s2  }
0x95: {  	s2 =	sld [smem:$0x3FFD];
	_ =	sdelay $0x3  }
0x96: {  	_ =	strace s2  }
0x97: {  	_ =	strace $0x8FFFFFFF  }
0x98: {  	s18 =	sld [smem:$0x3FDB];
	_ =	sdelay $0x1  }
0x99: {  	s19 =	simm.s32 $_scs_section_size  }
0x9a: {  	s4 =	simm.s32 $_size__tile_overlayer_lowered;
	s5 =	simm.s32 $_tile_overlayer_lowered  }
0x9b: {  	s22 =	simm.s32 $0x1BFF;
	s21 =	sshll.u32 s5, $0x1;
	s2 =	sadd.s32 s19, s18  }
0x9c: {  	s6 =	simm.s32 $0x0;
	s20 =	sshll.u32 s4, $0x1;
	s4 =	sadd.s32 s21, s2  }
0x9d: {  	[timem:s6], [sflag:s22] =	dma.local [hbm:s4], s20  }
0x9e: {  	_ =	swait.ge [sflag:s22], s20  }
0x9f: {  	s3 =	ssub.s32 $0x0, s20;
	[sflag:s22] =	ssyncset.done $0x0  }
0xa0: {  	[sflag:s22] =	ssyncadd.s32 s3;
	_ =	sdelay $0x1  }
0xa1: {  	s23 =	simm.s32 $0x1B8B  }
0xa2: {  	_ =	swait.ge [sflag:s23], $0x1  }
0xa3: {  	[sflag:s23] =	ssyncset.done $0x0  }
0xa4: {  	s25 =	simm.s32 $0x1B8E;
	s24 =	sld [smem:$0x3FFE];
	[sflag:s23] =	ssyncadd.s32 $0xFFFFFFFF  }
0xa5: {  	s26 =	simm.s32 $execute0_lowered;
	[smem:$0x3FD2] =	sst s25  }
0xa6: {  	s4 =	sshll.u32 s26, $0x1;
	_ =	strace $0x8000004C;
	[dreg:$0x1] =	wrdreg $0xFFFFFFFF  }
0xa7: {  	s28 =	simm.s32 $_size_execute0_lowered;
	s2 =	sadd.s32 s2, s4;
	[dreg:$0x0] =	wrdreg $0x0  }
0xa8: {  	s4 =	sshll.u32 s28, $0x1;
	[dreg:$0x2] =	wrdreg s2  }
0xa9: {  	[dreg:$0x3] =	wrdreg s4  }
0xaa: {  	[dreg:$0x4] =	wrdreg $0xC0  }
0xab: {  	_ =	task [dreg:s6], $0x5FFFF  }
0xac: {  	[dreg:$0x1] =	wrdreg $0xFFFFFFFF  }
0xad: {  	[dreg:$0x0] =	wrdreg $0x60  }
0xae: {  	[dreg:$0x2] =	wrdreg s24  }
0xaf: {  	[dreg:$0x3] =	wrdreg $0xA7800  }
0xb0: {  	[dreg:$0x4] =	wrdreg $0x9  }
0xb1: {  	_ =	task.clear_ibuf [dreg:s6], $0x5FFFF;
	_ =	strace $0x9000004C  }
0xb2: {  	s29 =	simm.s32 $0x9;
	_ =	strace $0x8000004E  }
0xb3: {  	_ =	swait.ge [sflag:s29], $0x1  }
0xb4: {  	[sflag:s29] =	ssyncadd.s32 $0xFFFFFFFF  }
0xb5: {  	_ =	strace $0x9000004E  }
0xb6: {  	_ =	sfence  }
0xb7: {  	s30 =	sld [smem:$0x0];
	_ =	sdelay $0x2  }
0xb8: {  	s31 =	sshll.u32 s1, $0xD;
	s1 =	sshrl.u32 s1, $0x2  }
0xb9: {  	s3 =	sand.u32 $0x4000, s31;
	s1 =	sadd.s32 s1, s30  }
0xba: {  	s0 =	sor.u32 s3, s0;
	s1 =	sshll.u32 s1, $0x11  }
0xbb: {  	s0 =	sor.u32 s1, s0  }
0xbc: {  	s0 =	sadd.s32 $0x8F2B, s0  }
0xbd: {  	[sflag:s0] =	ssyncadd.remote.s32 $0x1  }
0xbe: {  	_ =	sfence.sel $0xFFFF  }
0xbf: {  	[dreg:$0x0] =	wrdreg $0xFFFFFFFF;
	(pc) =	sbr.abs _section_cstart, $3  }
0xc0: {  	[dreg:$0x1] =	wrdreg $0xFFFFFFFF  }
0xc1: {  	_ =	task.clear_ibuf [dreg:s6], $0x2FFFF;
	_ =	strace $0x9FFFFFFF  }
0xc2: {  	(tm) =	ssettm $0x7FFFFFFF  }
0xc3: {  	_ =	shalt  }
tec
execute0_lowered:
.L_overlay_start_1:
0x0: {  	(tag) =	ssettag $0x1  }
0x1: {  	s5 =	rddreg [dreg:$0x0]  }
0x2: {  	s2 =	rddreg [dreg:$0x1];
	s3 =	srdreg.scid  }
0x3: {  	s1 =	stileid.u32;
	s0 =	rddreg [dreg:$0x2];
	s12 =	simm.s32 $0x1  }
0x4: {  	s13 =	simm.s32 $0x7800;
	s14 =	simm.s32 $0x2800;
	s15 =	simm.s32 $0x80  }
0x5: {  	s16 =	simm.s32 $0xA400;
	s17 =	simm.s32 $0x5000;
	s20 =	simm.s32 $0x0  }
0x6: {  	s6 =	sand.u32 $0x1, s3;
	s7 =	smul.u32 $0x300, s1;
	s3 =	simm.s32 $0x0  }
0x7: {  	s18 =	sshll.u32 s1, $0x6;
	s4 =	sshll.u32 s6, $0x4;
	s8 =	smul.u32 $0x3000, s6  }
0x8: {  	[smem:$0x7FF] =	sst s3;
	s6 =	ssub.s32 $0x2, s6;
	s4 =	sor.u32 s1, s4  }
0x9: {  	s18 =	sor.u32 $0x1C01, s18;
	_ =	strace $0x8000004D;
	s9 =	smul.u32 $0x500, s4  }
0xa: {  	s31 =	sshrl.u32 s6, $0x1;
	s8 =	sadd.s32 s7, s8;
	s4 =	sadd.s32 $0x18400, s5  }
0xb: {  	s11 =	ssub.s32 s6, s31;
	s8 =	sshrl.u32 s8, $0x3;
	s9 =	sadd.s32 s9, s5  }
0xc: {  	s10 =	sadd.s32 s8, s5;
	s5 =	sadd.s32 s7, s2;
	s6 =	sadd.s32 $0xE400, s9  }
0xd: {  	s7 =	sadd.s32 $0x4400, s9;
	s8 =	sadd.s32 $0x2D400, s9;
	s9 =	sadd.s32 $0x18A00, s10  }
0xe: {  	v0 =	vimm.f32 $1.000000000e+00;
	v1 =	vimm.f32 $0.0e+00;
	v2 =	vimm.s32 $0x0;
	s10 =	smax.u32 s11, $0x1;
	s11 =	simm.s32 $0xA480;
	s19 =	sshrl.u32 s5, $0x3  }
.LBB2_1:
0xf: {  	[tilespmem:$0xA400] =	vst v0  }
0x10: {  	[tilespmem:$0xA410] =	vst v0  }
0x11: {  	[tilespmem:$0xA420] =	vst v0  }
0x12: {  	[tilespmem:$0xA430] =	vst v0  }
0x13: {  	[tilespmem:$0xA440] =	vst v0  }
0x14: {  	[tilespmem:$0xA450] =	vst v0  }
0x15: {  	[tilespmem:$0xA460] =	vst v0  }
0x16: {  	[tilespmem:$0xA470] =	vst v0  }
0x17: {  	[tilespmem:$0xA480] =	vst v1  }
0x18: {  	[tilespmem:$0xA490] =	vst v1  }
0x19: {  	[tilespmem:$0xA4A0] =	vst v1  }
0x1a: {  	[tilespmem:$0xA4B0] =	vst v1  }
0x1b: {  	[tilespmem:$0xA4C0] =	vst v1  }
0x1c: {  	[tilespmem:$0xA4D0] =	vst v1  }
0x1d: {  	[tilespmem:$0xA4E0] =	vst v1  }
0x1e: {  	[tilespmem:$0xA4F0] =	vst v1  }
0x1f: {  	[tilespmem:$0xA500] =	vst v1  }
0x20: {  	[tilespmem:$0xA510] =	vst v1  }
0x21: {  	[tilespmem:$0xA520] =	vst v1  }
0x22: {  	[tilespmem:$0xA530] =	vst v1  }
0x23: {  	[tilespmem:$0xA540] =	vst v1  }
0x24: {  	[tilespmem:$0xA550] =	vst v1  }
0x25: {  	[tilespmem:$0xA560] =	vst v1  }
0x26: {  	[tilespmem:$0xA570] =	vst v1  }
0x27: {  	[tilespmem:$0xA580] =	vst v1  }
0x28: {  	[tilespmem:$0xA590] =	vst v1  }
0x29: {  	[tilespmem:$0xA5A0] =	vst v1  }
0x2a: {  	[tilespmem:$0xA5B0] =	vst v1  }
0x2b: {  	[tilespmem:$0xA5C0] =	vst v1  }
0x2c: {  	[tilespmem:$0xA5D0] =	vst v1  }
0x2d: {  	[tilespmem:$0xA5E0] =	vst v1  }
0x2e: {  	[tilespmem:$0xA5F0] =	vst v1  }
0x2f: {  	[tilespmem:$0xA600] =	vst v1  }
0x30: {  	[tilespmem:$0xA610] =	vst v1  }
0x31: {  	[tilespmem:$0xA620] =	vst v1  }
0x32: {  	[tilespmem:$0xA630] =	vst v1  }
0x33: {  	[tilespmem:$0xA640] =	vst v1  }
0x34: {  	[tilespmem:$0xA650] =	vst v1  }
0x35: {  	[tilespmem:$0xA660] =	vst v1  }
0x36: {  	[tilespmem:$0xA670] =	vst v1  }
0x37: {  	[tilespmem:$0xA680] =	vst v1  }
0x38: {  	[tilespmem:$0xA690] =	vst v1  }
0x39: {  	[tilespmem:$0xA6A0] =	vst v1  }
0x3a: {  	[tilespmem:$0xA6B0] =	vst v1  }
0x3b: {  	[tilespmem:$0xA6C0] =	vst v1  }
0x3c: {  	[tilespmem:$0xA6D0] =	vst v1  }
0x3d: {  	[tilespmem:$0xA6E0] =	vst v1  }
0x3e: {  	[tilespmem:$0xA6F0] =	vst v1  }
0x3f: {  	[tilespmem:$0xA700] =	vst v1  }
0x40: {  	[tilespmem:$0xA710] =	vst v1  }
0x41: {  	[tilespmem:$0xA720] =	vst v1  }
0x42: {  	[tilespmem:$0xA730] =	vst v1  }
0x43: {  	[tilespmem:$0xA740] =	vst v1  }
0x44: {  	[tilespmem:$0xA750] =	vst v1  }
0x45: {  	[tilespmem:$0xA760] =	vst v1  }
0x46: {  	[tilespmem:$0xA770] =	vst v1  }
0x47: {  	[spmem:s5] =	stream.linear.scatter [tilespmem:s11], [sflag:$0x1], $0x300, $0x38;
	[tilespmem:$0xAA80] =	vst v63  }
0x48: {  	_ =	swait.ge [sflag:s12], $0x300  }
0x49: {  	[sflag:s12] =	ssyncset.done $0x0  }
0x4a: {  	[sflag:s12] =	ssyncadd.s32 $0xFFFFFD00  }
0x4b: {  	[bflag:$0x0] =	sbarrier.arrive $0xFFFF  }
0x4c: {  	[tilespmem:s13], [sflag:$0x1] =	stream.linear.gather [hbm4b:s4+s3], $0x2800, $0x38;
	[tilespmem:$0xAA80] =	vst v63  }
0x4d: {  	_ =	swait.ge [sflag:s12], $0x2800  }
0x4e: {  	[sflag:s12] =	ssyncset.done $0x0  }
0x4f: {  	[sflag:s12] =	ssyncadd.s32 $0xFFFFD800  }
0x50: {  	[tilespmem:$0xA000] =	vst v2  }
0x51: {  	[tilespmem:$0xA010] =	vst v2  }
0x52: {  	[tilespmem:$0xA020] =	vst v2  }
0x53: {  	[tilespmem:$0xA030] =	vst v2  }
0x54: {  	[tilespmem:$0xA040] =	vst v2  }
0x55: {  	[tilespmem:$0xA050] =	vst v2  }
0x56: {  	[tilespmem:$0xA060] =	vst v2  }
0x57: {  	[tilespmem:$0xA070] =	vst v2  }
0x58: {  	[tilespmem:s3], [sflag:$0x1] =	stream.linear.gather [hbm4b:s6+s3], $0x2800, $0x38;
	[tilespmem:$0xAA80] =	vst v63  }
0x59: {  	_ =	swait.ge [sflag:s12], $0x2800  }
0x5a: {  	[sflag:s12] =	ssyncset.done $0x0  }
0x5b: {  	[sflag:s12] =	ssyncadd.s32 $0xFFFFD800  }
0x5c: {  	[tilespmem:s14], [sflag:$0x1] =	stream.linear.gather [hbm4b:s7+s3], $0x2800, $0x38;
	[tilespmem:$0xAA80] =	vst v63  }
0x5d: {  	_ =	swait.ge [sflag:s12], $0x2800  }
0x5e: {  	[sflag:s12] =	ssyncset.done $0x0  }
0x5f: {  	s21 =	simm.s32 $0x0;
	[sflag:s12] =	ssyncadd.s32 $0xFFFFD800  }
0x60: {  	v4 =	vld [tilespmem:s21+$0x0]  }
0x61: {  	v3 =	vld [tilespmem:s21+$0x2800];
	_ =	sdelay $0x6  }
0x62: {  	v5 =	vld.idx.msk [tilespmem:v4+s13+$0x0], $0xffff  }
0x63: {  	s22 =	simm.s32 $0x10;
	v6 =	vld.idx.msk [tilespmem:v3+s13+$0x0], $0xffff  }
0x64: {  	s23 =	simm.s32 $0x80;
	v4 =	vld [tilespmem:s22+$0x0]  }
.LBB2_2:
0x65: {  	p0 =	sne.s32 s23, $0x9FC0;
	v7 =	vld [tilespmem:s22+$0x2800];
	_ =	sdelay $0x2  }
0x66: {  	vm0 =	vgt.s32 v5, $0x0;
	vm1 =	vgt.s32 v6, $0x0  }
0x67: {  	vm0 =	vmand vm0, vm1  }
0x68: {  	v5 =	vnsel vm0, $0x2710, v3;
	v3 =	vmov v7  }
.Ltmp0:
0x69: {  	[tilespmem:s21+$0x5000] =	vst v5;
	s21 =	smov.u32 s22;
	(pc) =	sbr.rel @p0 .LBB2_2-.Ltmp0, $4  }
0x6a: {  	v5 =	vld.idx.msk [tilespmem:v4+s13+$0x0], $0xffff  }
0x6b: {  	v6 =	vld.idx.msk [tilespmem:v7+s13+$0x0], $0xffff  }
0x6c: {  	s22 =	sshra.s32 s23, $0x2  }
0x6d: {  	s23 =	sadd.s32 $0x40, s23;
	v4 =	vld [tilespmem:s22+$0x0]  }
0x6e: {  	_ = 	snop  }
0x6f: {  	v7 =	vld [tilespmem:s22+$0x2800];
	_ =	sdelay $0x2  }
0x70: {  	vm0 =	vgt.s32 v5, $0x0;
	vm1 =	vgt.s32 v6, $0x0  }
0x71: {  	vm0 =	vmand vm0, vm1  }
0x72: {  	v3 =	vnsel vm0, $0x2710, v3  }
0x73: {  	[tilespmem:s21+$0x5000] =	vst v3  }
0x74: {  	v3 =	vld.idx.msk [tilespmem:v4+s13+$0x0], $0xffff  }
0x75: {  	v63 =	vld.idx.msk [tilespmem:v7+s13+$0x0], $0xffff;
	_ =	sdelay $0x4  }
0x76: {  	vm14 =	vgt.s32 v3, $0x0;
	vm15 =	vgt.s32 v63, $0x0  }
0x77: {  	vm0 =	vmand vm14, vm15  }
0x78: {  	v3 =	vnsel vm0, $0x2710, v7  }
0x79: {  	s31 =	simm.s32 $0x5000;
	[tilespmem:s22+$0x5000] =	vst v3  }
0x7a: {  	[spmem:s2] =	stream.indirect.scatter.add.f32 [tilespmem:s16], [sflag:$0x1], $0x1, s31, s15, $0xb8;
	[tilespmem:$0xAA80] =	vst v63  }
0x7b: {  	s21 =	simm.s32 $0x200;
	_ =	swait.ge [sflag:s12], $0x80  }
.LBB2_4:
0x7c: {  	s22 =	sshra.s32 s21, $0x2;
	[sflag:s12] =	ssyncset.done $0x0;
	p0 =	sne.s32 s21, $0x9E00  }
.Ltmp1:
0x7d: {  	s22 =	sadd.s32 $0x5000, s22;
	[sflag:s12] =	ssyncadd.s32 $0xFFFFFF80;
	(pc) =	sbr.rel @p0 .LBB2_4-.Ltmp1, $3  }
0x7e: {  	[spmem:s2] =	stream.indirect.scatter.add.f32 [tilespmem:s16], [sflag:$0x1], $0x1, s22, s15, $0xb8;
	[tilespmem:$0xAA80] =	vst v63  }
0x7f: {  	s21 =	sadd.s32 $0x200, s21;
	_ =	sdelay $0x1  }
0x80: {  	_ =	swait.ge [sflag:s12], $0x80  }
0x81: {  	[sflag:s12] =	ssyncset.done $0x0  }
0x82: {  	[sflag:s12] =	ssyncadd.s32 $0xFFFFFF80  }
0x83: {  	[bflag:$0x0] =	sbarrier.arrive $0xFFFF  }
0x84: {  	[hbm4b:s8+s3] =	stream.linear.scatter [tilespmem:s17], [sflag:$0x1], $0x2800, $0x38;
	[tilespmem:$0xAA80] =	vst v63  }
0x85: {  	s20 =	sadd.s32 $0x1, s20;
	_ =	swait.ge [sflag:s12], $0x2800  }
0x86: {  	p0 =	sne.s32 s20, s10;
	[sflag:s12] =	ssyncset.done $0x0  }
.Ltmp2:
0x87: {  	[sflag:s12] =	ssyncadd.s32 $0xFFFFD800;
	(pc) =	sbr.rel @p0 .LBB2_1-.Ltmp2, $4  }
0x88: {  	[hbm:s9], [sflag:s18] =	dma.local [spmem:s19], $0x60  }
0x89: {  	_ =	swait.ge [sflag:s12], $0x60  }
0x8a: {  	[sflag:s12] =	ssyncset.done $0x0  }
0x8b: {  	[sflag:s12] =	ssyncadd.s32 $0xFFFFFFA0  }
0x8c: {  	_ =	sfence.sel $0x180000  }
0x8d: {  	[bflag:$0x0] =	sbarrier.arrive $0xFFFF  }
0x8e: {  	p0 =	sne.s32 s1, $0x0;
	_ =	strace $0x9000004D  }
0x8f: {  	s0 =	sadd.s32 @!p0 $0x100000, s0;
	[bflag:$0x2] =	sbarrier.arrive $0xFFFF  }
0x90: {  	[sflag:s0] =	ssyncadd.tile.s32 @!p0 $0x1;
	_ =	shalt  }
.Lfunc_end2:
_tile_overlayer_lowered:
.L_overlay_start_2:
0x91: {  	(tag) =	ssettag $0x2  }
0x92: {  	s0 =	rddreg [dreg:$0x0];
	s2 =	stileid.u32  }
0x93: {  	s1 =	rddreg [dreg:$0x1];
	p0 =	sne.s32 s2, $0x0  }
0x94: {  	s3 =	rddreg [dreg:$0x2];
	[bflag:$0x3] =	sbarrier.arrive $0xFFFF;
	s2 =	simm.s32 @!p0 $0x1C01  }
0x95: {  	[timem:s3], [sflag:s2] =	dma.local @!p0 [hbm:s0], s1  }
0x96: {  	s0 =	simm.s32 @!p0 $0x1  }
0x97: {  	_ =	swait.ge @!p0 [sflag:s0], s1  }
0x98: {  	s1 =	ssub.s32 @!p0 $0x0, s1;
	[sflag:s0] =	ssyncset.done @!p0 $0x0  }
0x99: {  	[sflag:s0] =	ssyncadd.s32 @!p0 s1  }
0x9a: {  	[bflag:$0x3] =	sbarrier.arrive $0xFFFF  }
0x9b: {  	_ =	shalt  }

// kernel: kernel.23.cloned.1.call-start
scs
__scs_entry_jumppad:
0x0: {  	(pc) =	sbr.rel $0x88, $3  }
0x1: {  	(tag) =	ssettag $0x0;
	lr =	simm.s32 $0x1  }
0x2: {  	[smem:$0x3F92] =	sst lr;
	_ =	strace $0xD0000000  }
0x3: {  	_ = 	snop  }
0x4: {  	_ = 	snop  }
0x5: {  	_ = 	snop  }
0x6: {  	_ = 	snop  }
0x7: {  	_ = 	snop  }
__scs_overlays_trampoline_lowered:
0x8: {  	[smem:$0x3FA1] =	sst s0  }
0x9: {  	[smem:$0x3FA2] =	sst s1  }
0xa: {  	[smem:$0x3FA3] =	sst s2  }
0xb: {  	[smem:$0x3FA4] =	sst s3  }
0xc: {  	[smem:$0x3FA5] =	sst s4  }
0xd: {  	[smem:$0x3FA6] =	sst s5  }
0xe: {  	[smem:$0x3FA7] =	sst s6  }
0xf: {  	[smem:$0x3FA8] =	sst s7  }
0x10: {  	[smem:$0x3FA9] =	sst s8  }
0x11: {  	[smem:$0x3FAA] =	sst s9;
	s0 =	simm.s32 @!p0 $0x0  }
0x12: {  	s1 =	sld [smem:$0x3F90];
	s0 =	simm.s32 @p0 $0x1  }
0x13: {  	[smem:$0x3FAB] =	sst s0;
	s0 =	simm.s32 @!p1 $0x0  }
0x14: {  	s2 =	sld [smem:$0x3F8F];
	s0 =	simm.s32 @p1 $0x1  }
0x15: {  	[smem:$0x3FAC] =	sst s0;
	s0 =	simm.s32 @!p2 $0x0  }
0x16: {  	s3 =	sld [smem:$0x3FDB];
	s0 =	simm.s32 @p2 $0x1  }
0x17: {  	s4 =	simm.s32 $0x1BF5;
	[smem:$0x3FAE] =	sst s0  }
0x18: {  	s0 =	sld [smem:$0x3F91];
	_ =	swait.ge [sflag:s4], $0x0  }
0x19: {  	s7 =	sld [smem:$0x3F92]  }
0x1a: {  	s8 =	sadd.s32 $0xFFFFE003, lr  }
0x1b: {  	s9 =	sadd.s32 $0xFFFFFEF7, lr;
	s5 =	simm.s32 $0xFFFFFFFF;
	p2 =	slt.u32 s8, $0xFFFFF086  }
0x1c: {  	p1 =	slt.u32 s9, $0xF7A;
	s5 =	simm.s32 @!p2 $0x0  }
0x1d: {  	s5 =	simm.s32 @p1 $0x1;
	p0 =	seq.s32 s7, s2  }
0x1e: {  	s7 =	smul.u32 @!p0 $0xF7A, s2;
	p2 =	seq.s32 @!p0 s5, $0x0  }
0x1f: {  	s9 =	smul.u32 $0xF7A, s1;
	s8 =	simm.s32 @!p0 $0x1BF5;
	p2 =	por !p2, p0  }
0x20: {  	[sflag:s8] =	ssyncset.s32 @!p0 $0xFFFFF086;
	s6 =	sadd.s32 @!p0 s3, s7;
	s7 =	simm.s32 @!p0 $0x108  }
0x21: {  	s3 =	sadd.s32 s3, s9;
	s6 =	sadd.s32 @!p0 $0x88, s6;
	s7 =	simm.s32 @p2 $0x1082  }
0x22: {  	[simem:s7], [sflag:s8] =	dma.local @!p0 [hbm:s6], $0xF7A  }
0x23: {  	s9 =	sor.u32 $0xD0000000, s2;
	s6 =	simm.s32 $0x108;
	_ =	swait.ge @!p0 [sflag:s8], $0x0  }
0x24: {  	s3 =	sadd.s32 $0x88, s3;
	s6 =	simm.s32 @!p1 $0x1082;
	[sflag:s4] =	ssyncset.s32 $0xFFFFF086  }
0x25: {  	[simem:s6], [sflag:s4] =	dma.local [hbm:s3], $0xF7A  }
0x26: {  	[smem:$0x3F92] =	sst s1;
	(tag) =	ssettag s2;
	_ =	strace s9  }
0x27: {  	s1 =	sld [smem:$0x3FA2]  }
0x28: {  	s2 =	sld [smem:$0x3FA3]  }
0x29: {  	s4 =	sld [smem:$0x3FA5]  }
0x2a: {  	p0 =	seq.s32 s5, $0x0;
	s5 =	sld [smem:$0x3FA6]  }
0x2b: {  	s6 =	sld [smem:$0x3FA7]  }
0x2c: {  	s7 =	sld [smem:$0x3FA8]  }
0x2d: {  	s3 =	simm.s32 $0x108;
	s8 =	sld [smem:$0x3FA9]  }
0x2e: {  	s3 =	simm.s32 @!p0 $0x1082;
	s9 =	sld [smem:$0x3FAA]  }
0x2f: {  	lr =	sadd.s32 s0, s3;
	s0 =	sld [smem:$0x3FA1]  }
0x30: {  	s3 =	sld [smem:$0x3FA4]  }
0x31: {  	[smem:$0x3FAD] =	sst s10  }
0x32: {  	s10 =	sld [smem:$0x3FAB];
	_ =	sdelay $0x3  }
0x33: {  	p0 =	seq.s32 s10, $0x1;
	s10 =	sld [smem:$0x3FAD];
	_ =	sdelay $0x3  }
0x34: {  	[smem:$0x3FAD] =	sst s10  }
0x35: {  	s10 =	sld [smem:$0x3FAC];
	_ =	sdelay $0x3  }
0x36: {  	p1 =	seq.s32 s10, $0x1;
	s10 =	sld [smem:$0x3FAD];
	_ =	sdelay $0x3  }
0x37: {  	[smem:$0x3FAD] =	sst s10  }
0x38: {  	s10 =	sld [smem:$0x3FAE]  }
0x39: {  	_ = 	snop;
	(pc) =	sbr.ind lr, $3  }
0x3a: {  	_ = 	snop  }
0x3b: {  	_ = 	snop  }
0x3c: {  	p2 =	seq.s32 s10, $0x1;
	s10 =	sld [smem:$0x3FAD]  }
0x3d: {  	_ =	shalt  }
0x3e: {  	_ =	shalt  }
0x3f: {  	_ =	shalt  }
0x40: {  	_ =	shalt  }
0x41: {  	_ =	shalt  }
0x42: {  	_ =	shalt  }
0x43: {  	_ =	shalt  }
0x44: {  	_ =	shalt  }
0x45: {  	_ =	shalt  }
0x46: {  	_ =	shalt  }
0x47: {  	_ =	shalt  }
0x48: {  	_ =	shalt  }
0x49: {  	_ =	shalt  }
0x4a: {  	_ =	shalt  }
0x4b: {  	_ =	shalt  }
0x4c: {  	_ =	shalt  }
0x4d: {  	_ =	shalt  }
0x4e: {  	_ =	shalt  }
0x4f: {  	_ =	shalt  }
0x50: {  	_ =	shalt  }
0x51: {  	_ =	shalt  }
0x52: {  	_ =	shalt  }
0x53: {  	_ =	shalt  }
0x54: {  	_ =	shalt  }
0x55: {  	_ =	shalt  }
0x56: {  	_ =	shalt  }
0x57: {  	_ =	shalt  }
0x58: {  	_ =	shalt  }
0x59: {  	_ =	shalt  }
0x5a: {  	_ =	shalt  }
0x5b: {  	_ =	shalt  }
0x5c: {  	_ =	shalt  }
0x5d: {  	_ =	shalt  }
0x5e: {  	_ =	shalt  }
0x5f: {  	_ =	shalt  }
0x60: {  	_ =	shalt  }
0x61: {  	_ =	shalt  }
0x62: {  	_ =	shalt  }
0x63: {  	_ =	shalt  }
0x64: {  	_ =	shalt  }
0x65: {  	_ =	shalt  }
0x66: {  	_ =	shalt  }
0x67: {  	_ =	shalt  }
0x68: {  	_ =	shalt  }
0x69: {  	_ =	shalt  }
0x6a: {  	_ =	shalt  }
0x6b: {  	_ =	shalt  }
0x6c: {  	_ =	shalt  }
0x6d: {  	_ =	shalt  }
0x6e: {  	_ =	shalt  }
0x6f: {  	_ =	shalt  }
0x70: {  	_ =	shalt  }
0x71: {  	_ =	shalt  }
0x72: {  	_ =	shalt  }
0x73: {  	_ =	shalt  }
0x74: {  	_ =	shalt  }
0x75: {  	_ =	shalt  }
0x76: {  	_ =	shalt  }
0x77: {  	_ =	shalt  }
0x78: {  	_ =	shalt  }
0x79: {  	_ =	shalt  }
0x7a: {  	_ =	shalt  }
0x7b: {  	_ =	shalt  }
0x7c: {  	_ =	shalt  }
0x7d: {  	_ =	shalt  }
0x7e: {  	_ =	shalt  }
0x7f: {  	_ =	shalt  }
0x80: {  	_ =	shalt  }
0x81: {  	_ =	shalt  }
0x82: {  	_ =	shalt  }
0x83: {  	_ =	shalt  }
0x84: {  	_ =	shalt  }
0x85: {  	_ =	shalt  }
0x86: {  	_ =	shalt  }
0x87: {  	_ =	shalt  }
.Lfunc_end0:
.L_simem_size_0:
called_computation.3_lowered:
.L_overlay_start_0:
0x88: {  	s2 =	sld [smem:$0x3FD9]  }
0x89: {  	s3 =	sld [smem:$0x3FFE];
	_ =	sdelay $0x1  }
0x8a: {  	s1 =	srdreg.scid  }
0x8b: {  	s0 =	sand.u32 $0x1, s1  }
0x8c: {  	s16 =	sshll.u32 s0, $0xA;
	s2 =	sadd.s32 s3, s2  }
0x8d: {  	s2 =	sadd.s32 s2, s16  }
0x8e: {  	[smem:$0x3FB9] =	sst s2  }
0x8f: {  	_ = 	snop  }
0x90: {  	(tm) =	ssettm $0x1  }
0x91: {  	s17 =	sld [smem:$0x3FFB];
	_ =	sdelay $0x3  }
0x92: {  	_ =	strace s17  }
0x93: {  	s2 =	sld [smem:$0x3FFC];
	_ =	sdelay $0x3  }
0x94: {  	_ =	strace s2  }
0x95: {  	s2 =	sld [smem:$0x3FFD];
	_ =	sdelay $0x3  }
0x96: {  	_ =	strace s2  }
0x97: {  	_ =	strace $0x8FFFFFFF  }
0x98: {  	s18 =	sld [smem:$0x3FDB];
	_ =	sdelay $0x1  }
0x99: {  	s19 =	simm.s32 $_scs_section_size  }
0x9a: {  	s4 =	simm.s32 $_size__tile_overlayer_lowered;
	s5 =	simm.s32 $_tile_overlayer_lowered  }
0x9b: {  	s22 =	simm.s32 $0x1BFF;
	s21 =	sshll.u32 s5, $0x1;
	s2 =	sadd.s32 s19, s18  }
0x9c: {  	s6 =	simm.s32 $0x0;
	s20 =	sshll.u32 s4, $0x1;
	s4 =	sadd.s32 s21, s2  }
0x9d: {  	[timem:s6], [sflag:s22] =	dma.local [hbm:s4], s20  }
0x9e: {  	_ =	swait.ge [sflag:s22], s20  }
0x9f: {  	s3 =	ssub.s32 $0x0, s20;
	[sflag:s22] =	ssyncset.done $0x0  }
0xa0: {  	[sflag:s22] =	ssyncadd.s32 s3;
	_ =	sdelay $0x1  }
0xa1: {  	s23 =	simm.s32 $0x1B8B  }
0xa2: {  	_ =	swait.ge [sflag:s23], $0x1  }
0xa3: {  	[sflag:s23] =	ssyncset.done $0x0  }
0xa4: {  	s25 =	simm.s32 $0x1B8E;
	s24 =	sld [smem:$0x3FFE];
	[sflag:s23] =	ssyncadd.s32 $0xFFFFFFFF  }
0xa5: {  	s26 =	simm.s32 $execute0_lowered;
	[smem:$0x3FD2] =	sst s25  }
0xa6: {  	s4 =	sshll.u32 s26, $0x1;
	_ =	strace $0x8000004F;
	[dreg:$0x1] =	wrdreg $0xFFFFFFFF  }
0xa7: {  	s28 =	simm.s32 $_size_execute0_lowered;
	s2 =	sadd.s32 s2, s4;
	[dreg:$0x0] =	wrdreg $0x0  }
0xa8: {  	s4 =	sshll.u32 s28, $0x1;
	[dreg:$0x2] =	wrdreg s2  }
0xa9: {  	[dreg:$0x3] =	wrdreg s4  }
0xaa: {  	[dreg:$0x4] =	wrdreg $0xC0  }
0xab: {  	_ =	task [dreg:s6], $0x5FFFF  }
0xac: {  	[dreg:$0x1] =	wrdreg $0xFFFFFFFF  }
0xad: {  	[dreg:$0x0] =	wrdreg $0x60  }
0xae: {  	[dreg:$0x2] =	wrdreg s24  }
0xaf: {  	[dreg:$0x3] =	wrdreg $0xC0000  }
0xb0: {  	[dreg:$0x4] =	wrdreg $0x9  }
0xb1: {  	_ =	task.clear_ibuf [dreg:s6], $0x5FFFF;
	_ =	strace $0x9000004F  }
0xb2: {  	s29 =	simm.s32 $0x9;
	_ =	strace $0x80000051  }
0xb3: {  	_ =	swait.ge [sflag:s29], $0x1  }
0xb4: {  	[sflag:s29] =	ssyncadd.s32 $0xFFFFFFFF  }
0xb5: {  	_ =	strace $0x90000051  }
0xb6: {  	_ =	sfence  }
0xb7: {  	s30 =	sld [smem:$0x0];
	_ =	sdelay $0x2  }
0xb8: {  	s31 =	sshll.u32 s1, $0xD;
	s1 =	sshrl.u32 s1, $0x2  }
0xb9: {  	s3 =	sand.u32 $0x4000, s31;
	s1 =	sadd.s32 s1, s30  }
0xba: {  	s0 =	sor.u32 s3, s0;
	s1 =	sshll.u32 s1, $0x11  }
0xbb: {  	s0 =	sor.u32 s1, s0  }
0xbc: {  	s0 =	sadd.s32 $0x8F2B, s0  }
0xbd: {  	[sflag:s0] =	ssyncadd.remote.s32 $0x1  }
0xbe: {  	_ =	sfence.sel $0xFFFF  }
0xbf: {  	[dreg:$0x0] =	wrdreg $0xFFFFFFFF;
	(pc) =	sbr.abs _section_cstart, $3  }
0xc0: {  	[dreg:$0x1] =	wrdreg $0xFFFFFFFF  }
0xc1: {  	_ =	task.clear_ibuf [dreg:s6], $0x2FFFF;
	_ =	strace $0x9FFFFFFF  }
0xc2: {  	(tm) =	ssettm $0x7FFFFFFF  }
0xc3: {  	_ =	shalt  }
tec
execute0_lowered:
.L_overlay_start_1:
0x0: {  	(tag) =	ssettag $0x1  }
0x1: {  	s6 =	rddreg [dreg:$0x0]  }
0x2: {  	s2 =	rddreg [dreg:$0x1]  }
0x3: {  	s0 =	rddreg [dreg:$0x2];
	s4 =	srdreg.scid  }
0x4: {  	s1 =	stileid.u32;
	s3 =	simm.s32 $0x0;
	s21 =	simm.s32 $0xA000  }
0x5: {  	s22 =	simm.s32 $0x2;
	s23 =	simm.s32 $0x80;
	s5 =	smul.u32 $0x60, s1  }
0x6: {  	s24 =	simm.s32 $0x6000;
	s25 =	simm.s32 $0x1;
	s10 =	smul.u32 $0x14000, s1  }
0x7: {  	s26 =	simm.s32 $0x0;
	s7 =	sand.u32 $0x1, s4;
	s29 =	smul.u32 $0x50000, s1  }
0x8: {  	[smem:$0x7FF] =	sst s3;
	s4 =	sshll.u32 s1, $0x6;
	s8 =	smul.u32 $0x140000, s7  }
0x9: {  	p0 =	seq.s32 s7, $0x0;
	s9 =	sadd.s32 $0x600, s4;
	_ =	strace $0x80000050  }
0xa: {  	s7 =	ssub.s32 $0x2, s7;
	s9 =	smov.u32 @p0 s5;
	s5 =	sadd.s32 $0x2D400, s6  }
0xb: {  	s30 =	sshrl.u32 s7, $0x1;
	s31 =	sshrl.u32 s29, $0x2;
	s9 =	sshll.u32 s9, $0x4  }
0xc: {  	s8 =	sadd.s32 s10, s8;
	s12 =	ssub.s32 s7, s30;
	s7 =	sadd.s32 s31, s2  }
0xd: {  	s8 =	sshrl.u32 s8, $0x3;
	s9 =	sadd.s32 s9, s6;
	s13 =	sadd.s32 $0x4000, s7  }
0xe: {  	s14 =	sadd.s32 $0x6000, s7;
	s15 =	sadd.s32 $0x8000, s7;
	s16 =	sadd.s32 $0xA000, s7  }
0xf: {  	s17 =	sadd.s32 $0xC000, s7;
	s18 =	sadd.s32 $0xE000, s7;
	s19 =	sadd.s32 $0x10000, s7  }
0x10: {  	s20 =	sadd.s32 $0x12000, s7;
	s11 =	sadd.s32 s8, s6;
	s6 =	simm.s32 $0x60  }
0x11: {  	s8 =	sadd.s32 $0x23200, s9;
	s9 =	sadd.s32 $0x18A00, s9;
	s6 =	simm.s32 @!p0 $0x40  }
0x12: {  	v0 =	vimm.f32 $0.0e+00;
	s10 =	sadd.s32 $0xA5400, s11;
	s11 =	smax.u32 s12, $0x1;
	s12 =	sadd.s32 $0x2000, s7  }
.LBB2_1:
0x13: {  	s28 =	sand.u32 $0x7E00, s3  }
0x14: {  	s29 =	sand.u32 $0x70, s3;
	s30 =	sshrl.u32 s28, $0x2  }
0x15: {  	s28 =	simm.s32 $0x40;
	s30 =	sor.u32 s29, s30;
	s29 =	simm.s32 $0x0  }
.LBB2_2:
0x16: {  	p0 =	sne.s32 s28, $0x7FC0  }
0x17: {  	[tilespmem:s30+$0xA000] =	vst v0;
	s29 =	sadd.s32 $0x10, s29;
	s30 =	smov.u32 s28;
	s28 =	sadd.s32 $0x40, s28  }
.Ltmp0:
0x18: {  	(pc) =	sbr.rel @p0 .LBB2_2-.Ltmp0, $4  }
0x19: {  	_ = 	snop  }
0x1a: {  	s30 =	sand.u32 $0x7E00, s30  }
0x1b: {  	s31 =	sand.u32 $0x70, s29;
	s30 =	sshrl.u32 s30, $0x2  }
0x1c: {  	s30 =	sor.u32 s31, s30  }
0x1d: {  	[tilespmem:s30+$0xA000] =	vst v0  }
0x1e: {  	[spmem:s7] =	stream.linear.scatter [tilespmem:s21], [sflag:$0x2], $0x2000, $0x38;
	v63 =	vld [tilespmem:$0x0]  }
0x1f: {  	_ =	swait.ge [sflag:s22], $0x2000  }
0x20: {  	[sflag:s22] =	ssyncset.done $0x0  }
0x21: {  	[sflag:s22] =	ssyncadd.s32 $0xFFFFE000  }
0x22: {  	[spmem:s12] =	stream.linear.scatter [tilespmem:s21], [sflag:$0x2], $0x2000, $0x38;
	v63 =	vld [tilespmem:$0x0]  }
0x23: {  	_ =	swait.ge [sflag:s22], $0x2000  }
0x24: {  	[sflag:s22] =	ssyncset.done $0x0  }
0x25: {  	[sflag:s22] =	ssyncadd.s32 $0xFFFFE000  }
0x26: {  	[spmem:s13] =	stream.linear.scatter [tilespmem:s21], [sflag:$0x2], $0x2000, $0x38;
	v63 =	vld [tilespmem:$0x0]  }
0x27: {  	_ =	swait.ge [sflag:s22], $0x2000  }
0x28: {  	[sflag:s22] =	ssyncset.done $0x0  }
0x29: {  	[sflag:s22] =	ssyncadd.s32 $0xFFFFE000  }
0x2a: {  	[spmem:s14] =	stream.linear.scatter [tilespmem:s21], [sflag:$0x2], $0x2000, $0x38;
	v63 =	vld [tilespmem:$0x0]  }
0x2b: {  	_ =	swait.ge [sflag:s22], $0x2000  }
0x2c: {  	[sflag:s22] =	ssyncset.done $0x0  }
0x2d: {  	[sflag:s22] =	ssyncadd.s32 $0xFFFFE000  }
0x2e: {  	[spmem:s15] =	stream.linear.scatter [tilespmem:s21], [sflag:$0x2], $0x2000, $0x38;
	v63 =	vld [tilespmem:$0x0]  }
0x2f: {  	_ =	swait.ge [sflag:s22], $0x2000  }
0x30: {  	[sflag:s22] =	ssyncset.done $0x0  }
0x31: {  	[sflag:s22] =	ssyncadd.s32 $0xFFFFE000  }
0x32: {  	[spmem:s16] =	stream.linear.scatter [tilespmem:s21], [sflag:$0x2], $0x2000, $0x38;
	v63 =	vld [tilespmem:$0x0]  }
0x33: {  	_ =	swait.ge [sflag:s22], $0x2000  }
0x34: {  	[sflag:s22] =	ssyncset.done $0x0  }
0x35: {  	[sflag:s22] =	ssyncadd.s32 $0xFFFFE000  }
0x36: {  	[spmem:s17] =	stream.linear.scatter [tilespmem:s21], [sflag:$0x2], $0x2000, $0x38;
	v63 =	vld [tilespmem:$0x0]  }
0x37: {  	_ =	swait.ge [sflag:s22], $0x2000  }
0x38: {  	[sflag:s22] =	ssyncset.done $0x0  }
0x39: {  	[sflag:s22] =	ssyncadd.s32 $0xFFFFE000  }
0x3a: {  	[spmem:s18] =	stream.linear.scatter [tilespmem:s21], [sflag:$0x2], $0x2000, $0x38;
	v63 =	vld [tilespmem:$0x0]  }
0x3b: {  	_ =	swait.ge [sflag:s22], $0x2000  }
0x3c: {  	[sflag:s22] =	ssyncset.done $0x0  }
0x3d: {  	[sflag:s22] =	ssyncadd.s32 $0xFFFFE000  }
0x3e: {  	[spmem:s19] =	stream.linear.scatter [tilespmem:s21], [sflag:$0x2], $0x2000, $0x38;
	v63 =	vld [tilespmem:$0x0]  }
0x3f: {  	_ =	swait.ge [sflag:s22], $0x2000  }
0x40: {  	[sflag:s22] =	ssyncset.done $0x0  }
0x41: {  	[sflag:s22] =	ssyncadd.s32 $0xFFFFE000  }
0x42: {  	[spmem:s20] =	stream.linear.scatter [tilespmem:s21], [sflag:$0x2], $0x2000, $0x38;
	v63 =	vld [tilespmem:$0x0]  }
0x43: {  	_ =	swait.ge [sflag:s22], $0x2000  }
0x44: {  	[sflag:s22] =	ssyncset.done $0x0  }
0x45: {  	[sflag:s22] =	ssyncadd.s32 $0xFFFFE000  }
0x46: {  	s28 =	simm.s32 $0x0;
	[bflag:$0x0] =	sbarrier.arrive $0xFFFF  }
0x47: {  	[tilespmem:s28], [sflag:$0x2] =	stream.linear.gather [hbm4b:s8+s28], $0x3000, $0x38;
	v63 =	vld [tilespmem:$0x0]  }
0x48: {  	_ =	swait.ge [sflag:s22], $0x3000  }
0x49: {  	[sflag:s22] =	ssyncset.done $0x0  }
0x4a: {  	s29 =	simm.s32 $0x3000;
	[sflag:s22] =	ssyncadd.s32 $0xFFFFD000  }
0x4b: {  	[tilespmem:s29], [sflag:$0x2] =	stream.linear.gather [hbm4b:s9+s28], $0x3000, $0x38;
	v63 =	vld [tilespmem:$0x0]  }
0x4c: {  	_ =	swait.ge [sflag:s22], $0x3000  }
0x4d: {  	[sflag:s22] =	ssyncset.done $0x0  }
0x4e: {  	[sflag:s22] =	ssyncadd.s32 $0xFFFFD000  }
0x4f: {  	[tilespmem:s24], [sflag:$0x1] =	stream.indirect.gather [hbm4b:s5+s23], $0x80, s28, s23, $0xb8;
	v63 =	vld [tilespmem:$0x0]  }
0x50: {  	p0 =	sne.s32 s6, $0x1;
	_ =	swait.ge [sflag:s25], $0x4000  }
.Ltmp1:
0x51: {  	[sflag:s25] =	ssyncset.done $0x0;
	(pc) =	sbr.rel @!p0 .LBB2_5-.Ltmp1, $4  }
0x52: {  	[sflag:s25] =	ssyncadd.s32 $0xFFFFC000  }
0x53: {  	[spmem:s2] =	stream.indirect.scatter.add.f32 [tilespmem:s24], [sflag:$0x2], $0x80, s29, s23, $0xb8;
	v63 =	vld [tilespmem:$0x0]  }
0x54: {  	_ =	swait.ge [sflag:s22], $0x4000  }
0x55: {  	s30 =	sadd.s32 $0xFFFFFFFF, s6;
	[sflag:s22] =	ssyncset.done $0x0  }
.LBB2_4:
0x56: {  	[sflag:s22] =	ssyncadd.s32 $0xFFFFC000;
	s28 =	sadd.s32 $0x80, s28;
	s29 =	sadd.s32 $0x80, s29  }
0x57: {  	[tilespmem:s24], [sflag:$0x1] =	stream.indirect.gather [hbm4b:s5+s23], $0x80, s28, s23, $0xb8;
	v63 =	vld [tilespmem:$0x0]  }
0x58: {  	p0 =	sne.s32 s30, $0x1;
	s30 =	sadd.s32 $0xFFFFFFFF, s30;
	_ =	swait.ge [sflag:s25], $0x4000  }
.Ltmp2:
0x59: {  	[sflag:s25] =	ssyncset.done $0x0;
	(pc) =	sbr.rel @p0 .LBB2_4-.Ltmp2, $4  }
0x5a: {  	[sflag:s25] =	ssyncadd.s32 $0xFFFFC000  }
0x5b: {  	[spmem:s2] =	stream.indirect.scatter.add.f32 [tilespmem:s24], [sflag:$0x2], $0x80, s29, s23, $0xb8;
	v63 =	vld [tilespmem:$0x0]  }
0x5c: {  	_ =	swait.ge [sflag:s22], $0x4000  }
0x5d: {  	[sflag:s22] =	ssyncset.done $0x0  }
.LBB2_5:
0x5e: {  	s26 =	sadd.s32 $0x1, s26  }
0x5f: {  	[sflag:s22] =	ssyncadd.s32 $0xFFFFC000;
	s28 =	sor.u32 $0x1C02, s4;
	p0 =	sne.s32 s26, s11  }
.Ltmp3:
0x60: {  	s29 =	sshrl.u32 s7, $0x3;
	[bflag:$0x0] =	sbarrier.arrive $0xFFFF;
	(pc) =	sbr.rel @p0 .LBB2_1-.Ltmp3, $4  }
0x61: {  	[hbm:s10], [sflag:s28] =	dma.local [spmem:s29], $0x2800  }
0x62: {  	_ =	swait.ge [sflag:s22], $0x2800  }
0x63: {  	[sflag:s22] =	ssyncset.done $0x0  }
0x64: {  	[sflag:s22] =	ssyncadd.s32 $0xFFFFD800  }
0x65: {  	_ =	sfence.sel $0x180000  }
0x66: {  	[bflag:$0x0] =	sbarrier.arrive $0xFFFF  }
0x67: {  	p0 =	sne.s32 s1, $0x0;
	_ =	strace $0x90000050  }
0x68: {  	s0 =	sadd.s32 @!p0 $0x100000, s0;
	[bflag:$0x2] =	sbarrier.arrive $0xFFFF  }
0x69: {  	[sflag:s0] =	ssyncadd.tile.s32 @!p0 $0x1;
	_ =	shalt  }
.Lfunc_end2:
_tile_overlayer_lowered:
.L_overlay_start_2:
0x6a: {  	(tag) =	ssettag $0x2  }
0x6b: {  	s0 =	rddreg [dreg:$0x0];
	s2 =	stileid.u32  }
0x6c: {  	s1 =	rddreg [dreg:$0x1];
	p0 =	sne.s32 s2, $0x0  }
0x6d: {  	s3 =	rddreg [dreg:$0x2];
	[bflag:$0x3] =	sbarrier.arrive $0xFFFF;
	s2 =	simm.s32 @!p0 $0x1C02  }
0x6e: {  	[timem:s3], [sflag:s2] =	dma.local @!p0 [hbm:s0], s1  }
0x6f: {  	s0 =	simm.s32 @!p0 $0x2  }
0x70: {  	_ =	swait.ge @!p0 [sflag:s0], s1  }
0x71: {  	s1 =	ssub.s32 @!p0 $0x0, s1;
	[sflag:s0] =	ssyncset.done @!p0 $0x0  }
0x72: {  	[sflag:s0] =	ssyncadd.s32 @!p0 s1  }
0x73: {  	[bflag:$0x3] =	sbarrier.arrive $0xFFFF  }
0x74: {  	_ =	shalt  }

</sc_bundles>
